<compile_context>
chip_gen: v7x
topology: tpu7x:2x2x1
jax: 0.10.2.dev20260603
libtpu: 0.0.44.dev20260713+nightly
codegen_flags: <defaults>
</compile_context>

<pallas_src>
import functools

import jax
import jax.numpy as jnp
from jax import lax
from jax.experimental import pallas as pl
from jax.experimental.pallas import tpu as pltpu
from jax.experimental.pallas import tpu_sc as plsc

_NC = 2
_NS = 16
_NW = _NC * _NS
_K = 128
_B = 16
_D = 128
_H = _D // 2


def _sc_mesh():
    return plsc.VectorSubcoreMesh(
        core_axis_name="c", subcore_axis_name="s",
        num_cores=_NC, num_subcores=_NS)


def _sc_degree(row3, n_pad, nchunks):
    nt = n_pad // _NS

    @functools.partial(
        pl.kernel,
        out_type=jax.ShapeDtypeStruct((_NC, n_pad), jnp.float32),
        mesh=_sc_mesh(),
        scratch_types=[
            pltpu.VMEM((nchunks, _K), jnp.int32),
            pltpu.VMEM((_K,), jnp.float32),
            pltpu.VMEM((nt,), jnp.float32),
            pltpu.VMEM_SHARED((n_pad,), jnp.float32),
            pltpu.SemaphoreType.DMA,
        ],
    )
    def deg_kernel(row_hbm, cnt_hbm, idx_v, ones_v, z_v, cnt_sp, sem):
        c = lax.axis_index("c")
        s = lax.axis_index("s")
        wid = c * _NS + s

        def fill_ones(i, _):
            ones_v[pl.ds(i * 16, 16)] = jnp.full((16,), 1.0, jnp.float32)
            return 0
        lax.fori_loop(0, _K // 16, fill_ones, 0)

        def fill_zero(i, _):
            z_v[pl.ds(i * 16, 16)] = jnp.zeros((16,), jnp.float32)
            return 0
        lax.fori_loop(0, nt // 16, fill_zero, 0)

        pltpu.sync_copy(row_hbm.at[wid], idx_v)
        pltpu.sync_copy(z_v, cnt_sp.at[pl.ds(s * nt, nt)])
        plsc.subcore_barrier()

        def fire(t, _):
            pltpu.async_copy(ones_v, cnt_sp.at[idx_v.at[t]], sem, add=True)
            return 0
        lax.fori_loop(0, nchunks, fire, 0)

        def drain(t, _):
            pltpu.make_async_copy(ones_v, cnt_sp.at[idx_v.at[t]], sem).wait()
            return 0
        lax.fori_loop(0, nchunks, drain, 0)

        plsc.subcore_barrier()
        pltpu.sync_copy(cnt_sp.at[pl.ds(s * nt, nt)],
                        cnt_hbm.at[c, pl.ds(s * nt, nt)])

    return deg_kernel(row3)


def _sc_aggregate(y_lo, y_hi, row3, col3, n_pad, nchunks):
    nt = n_pad // _NS
    nblk = nchunks // _B

    @functools.partial(
        pl.kernel,
        out_type=jax.ShapeDtypeStruct((_NC, n_pad, _H), jnp.float32),
        mesh=_sc_mesh(),
        scratch_types=[
            [pltpu.VMEM((_B, _K), jnp.int32)] * 2,
            [pltpu.VMEM((_B, _K), jnp.int32)] * 2,
            [pltpu.VMEM((_K, _H), jnp.float32)] * 4,
            pltpu.VMEM_SHARED((n_pad, _H), jnp.float32),
            pltpu.VMEM_SHARED((n_pad, _H), jnp.float32),
            [pltpu.SemaphoreType.DMA] * 4,
            [pltpu.SemaphoreType.DMA] * 4,
            pltpu.SemaphoreType.DMA,
        ],
        compiler_params=pltpu.CompilerParams(use_tc_tiling_on_sc=False),
    )
    def agg_kernel(ylo_hbm, yhi_hbm, row_hbm, col_hbm, out_hbm,
                   cidx2, ridx2, rows, y_sp, acc_sp, gsem, ssem, psem):
        c = lax.axis_index("c")
        s = lax.axis_index("s")

        def zrow(r, _):
            def zcol(l, _):
                rows[0][r, pl.ds(l * 16, 16)] = jnp.zeros((16,), jnp.float32)
                return 0
            lax.fori_loop(0, _H // 16, zcol, 0)
            return 0
        lax.fori_loop(0, _K, zrow, 0)

        def zacc(b, _):
            pltpu.async_copy(rows[0], acc_sp.at[pl.ds(s * nt + b * _K, _K)], psem)
            return 0
        lax.fori_loop(0, nt // _K, zacc, 0)

        def zacc_drain(b, _):
            pltpu.make_async_copy(
                rows[0], acc_sp.at[pl.ds(s * nt + b * _K, _K)], psem).wait()
            return 0
        lax.fori_loop(0, nt // _K, zacc_drain, 0)

        def stage_from(y_half_hbm):
            def stage(b, _):
                pltpu.sync_copy(y_half_hbm.at[pl.ds(s * nt + b * _K, _K)], rows[1])
                pltpu.sync_copy(rows[1], y_sp.at[pl.ds(s * nt + b * _K, _K)])
                return 0
            lax.fori_loop(0, nt // _K, stage, 0)

        @pl.when(c == 0)
        def _():
            stage_from(ylo_hbm)

        @pl.when(c == 1)
        def _():
            stage_from(yhi_hbm)

        plsc.subcore_barrier()

        pltpu.sync_copy(col_hbm.at[s, pl.ds(0, _B)], cidx2[0])
        pltpu.sync_copy(row_hbm.at[s, pl.ds(0, _B)], ridx2[0])

        def run_block(b, cidx, ridx, cidx_n, ridx_n):
            @pl.when(b + 1 < nblk)
            def _():
                pltpu.async_copy(col_hbm.at[s, pl.ds((b + 1) * _B, _B)], cidx_n, psem)
                pltpu.async_copy(row_hbm.at[s, pl.ds((b + 1) * _B, _B)], ridx_n, psem)

            pltpu.async_copy(y_sp.at[cidx.at[0]], rows[0], gsem[0])
            pltpu.async_copy(y_sp.at[cidx.at[1]], rows[1], gsem[1])
            for t in range(_B):
                j = t % 4
                pltpu.make_async_copy(y_sp.at[cidx.at[t]], rows[j], gsem[j]).wait()
                pltpu.async_copy(rows[j], acc_sp.at[ridx.at[t]], ssem[j], add=True)
                if t + 2 < _B:
                    jn = (t + 2) % 4
                    if t >= 2:
                        pltpu.make_async_copy(
                            rows[jn], acc_sp.at[ridx.at[t - 2]], ssem[jn]).wait()
                    pltpu.async_copy(y_sp.at[cidx.at[t + 2]], rows[jn], gsem[jn])
            for t in range(_B - 4, _B):
                pltpu.make_async_copy(
                    rows[t % 4], acc_sp.at[ridx.at[t]], ssem[t % 4]).wait()

            @pl.when(b + 1 < nblk)
            def _():
                pltpu.make_async_copy(
                    col_hbm.at[s, pl.ds((b + 1) * _B, _B)], cidx_n, psem).wait()
                pltpu.make_async_copy(
                    row_hbm.at[s, pl.ds((b + 1) * _B, _B)], ridx_n, psem).wait()

        def block_pair(i, _):
            run_block(2 * i, cidx2[0], ridx2[0], cidx2[1], ridx2[1])
            run_block(2 * i + 1, cidx2[1], ridx2[1], cidx2[0], ridx2[0])
            return 0
        lax.fori_loop(0, nblk // 2, block_pair, 0)

        plsc.subcore_barrier()
        pltpu.sync_copy(acc_sp.at[pl.ds(s * nt, nt)],
                        out_hbm.at[c, pl.ds(s * nt, nt)])

    return agg_kernel(y_lo, y_hi, row3, col3)


def _tc_transform(x_pad, W, cnt3):
    n_pad = x_pad.shape[0]
    blk = 512

    def body(x_ref, w_ref, cnt_ref, ylo_ref, yhi_ref):
        xw = jnp.dot(x_ref[...], w_ref[...], preferred_element_type=jnp.float32)
        cnt = cnt_ref[...]
        dinv = lax.rsqrt(cnt[0] + cnt[1] + 2.0)
        y = xw * dinv
        ylo_ref[...] = y[:, :_H]
        yhi_ref[...] = y[:, _H:]

    return pl.pallas_call(
        body,
        grid=(n_pad // blk,),
        in_specs=[
            pl.BlockSpec((blk, _D), lambda i: (i, 0)),
            pl.BlockSpec((_D, _D), lambda i: (0, 0)),
            pl.BlockSpec((_NC, blk, 1), lambda i: (0, i, 0)),
        ],
        out_specs=[
            pl.BlockSpec((blk, _H), lambda i: (i, 0)),
            pl.BlockSpec((blk, _H), lambda i: (i, 0)),
        ],
        out_shape=[
            jax.ShapeDtypeStruct((n_pad, _H), jnp.float32),
            jax.ShapeDtypeStruct((n_pad, _H), jnp.float32),
        ],
    )(x_pad, W, cnt3)


def _tc_finalize(S, y_lo, y_hi, cnt3):
    n_pad = y_lo.shape[0]
    blk = 512

    def body(s_ref, ylo_ref, yhi_ref, cnt_ref, o_ref):
        cnt = cnt_ref[...]
        dinv = lax.rsqrt(cnt[0] + cnt[1] + 2.0)
        acc_lo = s_ref[0] + 2.0 * ylo_ref[...]
        acc_hi = s_ref[1] + 2.0 * yhi_ref[...]
        o_ref[:, :_H] = jnp.maximum(acc_lo * dinv, 0.0)
        o_ref[:, _H:] = jnp.maximum(acc_hi * dinv, 0.0)

    return pl.pallas_call(
        body,
        grid=(n_pad // blk,),
        in_specs=[
            pl.BlockSpec((_NC, blk, _H), lambda i: (0, i, 0)),
            pl.BlockSpec((blk, _H), lambda i: (i, 0)),
            pl.BlockSpec((blk, _H), lambda i: (i, 0)),
            pl.BlockSpec((_NC, blk, 1), lambda i: (0, i, 0)),
        ],
        out_specs=pl.BlockSpec((blk, _D), lambda i: (i, 0)),
        out_shape=jax.ShapeDtypeStruct((n_pad, _D), jnp.float32),
    )(S, y_lo, y_hi, cnt3)


def kernel(x, edge_index, W):
    n, d_in = x.shape
    e = edge_index.shape[1]

    n_pad = -(-n // (_NS * _K)) * (_NS * _K)
    e_pad = -(-e // (_NS * _K * _B)) * (_NS * _K * _B)
    nchunks_deg = e_pad // (_NW * _K)
    nchunks_agg = e_pad // (_NS * _K)

    row = edge_index[0]
    col = edge_index[1]
    pad_i = jnp.full((e_pad - e,), n_pad - 1, dtype=jnp.int32)
    row_p = jnp.concatenate([row, pad_i])
    col_p = jnp.concatenate([col, pad_i])
    row3d = row_p.reshape(_NW, nchunks_deg, _K)
    row3a = row_p.reshape(_NS, nchunks_agg, _K)
    col3a = col_p.reshape(_NS, nchunks_agg, _K)
    x_p = jnp.pad(x, ((0, n_pad - n), (0, 0)))

    cnt = _sc_degree(row3d, n_pad, nchunks_deg)
    cnt3 = cnt[:, :, None]
    y_lo, y_hi = _tc_transform(x_p, W, cnt3)
    S = _sc_aggregate(y_lo, y_hi, row3a, col3a, n_pad, nchunks_agg)
    out = _tc_finalize(S, y_lo, y_hi, cnt3)
    return out[:n]

# --- scband reference (transcript-rebuilt; emitter-appended) ---
"""Pipeline reference for scband-gcnconv-72705206387170 (READ-ONLY COPY).

The authoritative reference and input builder live on the scoring server;
editing this copy changes nothing except your own understanding.
"""

import jax, jax.numpy as jnp
import numpy as np

N = 10000
E = 320000
D_IN = 128
D_OUT = 128


def setup_inputs(seed: int = 0) -> dict:
    key = jax.random.key(seed)
    k1, k2, k3 = jax.random.split(key, 3)
    x = jax.random.normal(k1, (N, D_IN), dtype=jnp.float32)
    edge_index = jax.random.randint(k2, (2, E), 0, N, dtype=jnp.int32)
    stdv = float(np.sqrt(6.0 / (D_IN + D_OUT)))
    W = jax.random.uniform(k3, (D_IN, D_OUT), dtype=jnp.float32, minval=-stdv, maxval=stdv)
    return {"x": x, "edge_index": edge_index, "W": W}


def reference(x, edge_index, W):
    n = x.shape[0]
    e = edge_index.shape[1]
    # edge weights (all ones)
    edge_weight = jnp.ones((e,), dtype=x.dtype)
    # add self loops
    loop = jnp.arange(n, dtype=edge_index.dtype)
    ei = jnp.concatenate([edge_index, jnp.stack([loop, loop], axis=0)], axis=1)
    # improved=True -> loop weight 2
    loop_weight = jnp.full((n,), 2.0, dtype=x.dtype)
    ew = jnp.concatenate([edge_weight, loop_weight], axis=0)
    row = ei[0]
    col = ei[1]
    deg = jax.ops.segment_sum(ew, row, num_segments=n)
    deg_inv = deg ** -0.5
    deg_inv = jnp.where(jnp.isinf(deg_inv), 0.0, deg_inv)
    norm = deg_inv[row] * ew * deg_inv[col]
    xw = jnp.matmul(x, W)
    # message: norm * x_j, where x_j = x[edge_index[1]]
    msg = norm[:, None] * jnp.take(xw, col, axis=0)
    # scatter-add on edge_index[0]
    out = jax.ops.segment_sum(msg, row, num_segments=n)
    # act = relu
    return jax.nn.relu(out)

if __name__ == "__main__":
    import jax
    _d = setup_inputs()
    print(jax.jit(kernel)(*tuple(_d.values())))

</pallas_src>

<mosaic_0001>
#map = affine_map<(d0, d1) -> (0, 0, 0)>
#map1 = affine_map<(d0, d1) -> (0, 0)>
module attributes {stable_mosaic.version = 14 : i64} {
  func.func @deg_kernel(%arg0: i32, %arg1: i32, %arg2: memref<32x80x128xi32, #tpu.memory_space<hbm>>, %arg3: memref<2x10240xf32, #tpu.memory_space<hbm>>, %arg4: memref<80x128xi32, #tpu.memory_space<vmem>>, %arg5: memref<128xf32, #tpu.memory_space<vmem>>, %arg6: memref<640xf32, #tpu.memory_space<vmem>>, %arg7: memref<10240xf32, #tpu.memory_space<vmem_shared>>, %arg8: memref<!tpu.dma_semaphore, #tpu.memory_space<semaphore_mem>>) attributes {dimension_semantics = [#tpu.dimension_semantics<core_parallel>, #tpu.dimension_semantics<subcore_parallel>], iteration_bounds = array<i64: 2, 16>, scalar_prefetch = 0 : i64, scratch_operands = 5 : i64, tpu.core_type = #tpu.core_type<sc_vector_subcore>, window_params = [{transform_indices = #map}, {transform_indices = #map1}]} {
    %mul3A = arith.constant 16 : i32
    %mul3A_0 = arith.muli %arg0, %mul3A : i32
    %add3A = arith.addi %mul3A_0, %arg1 : i32
    %scan3A = arith.constant 0 : i32
    %scan3A_1 = arith.constant 0 : i32
    %scan3A_2 = arith.constant 8 : i32
    %scan3A_3 = arith.addi %scan3A_1, %scan3A_2 : i32
    %scan3A_4 = arith.constant 1 : i32
    %scan3A_5 = scf.for %scan3A_35 = %scan3A_1 to %scan3A_3 step %scan3A_4 iter_args(%scan3A_36 = %scan3A) -> (i32)  : i32 {
      %broadcast_in_dim3A = arith.constant 1.000000e+00 : f32
      %broadcast_in_dim3A_37 = vector.broadcast %broadcast_in_dim3A : f32 to vector<16xf32>
      %mul3A_38 = arith.constant 16 : i32
      %mul3A_39 = arith.muli %scan3A_35, %mul3A_38 : i32
      %swap3A = arith.index_cast %mul3A_39 : i32 to index
      %swap3A_40 = tpu.vector_load %arg5[%swap3A] {strides = array<i32>} : memref<128xf32, #tpu.memory_space<vmem>>, vector<16xf32>,
      %swap3A_41 = vector.shape_cast %swap3A_40 : vector<16xf32> to vector<16xf32>
      %swap3A_42 = vector.shape_cast %broadcast_in_dim3A_37 : vector<16xf32> to vector<16xf32>
      tpu.vector_store %arg5[%swap3A], %swap3A_42 {strides = array<i32>} : memref<128xf32, #tpu.memory_space<vmem>>, vector<16xf32>,
      %scan3A_43 = arith.constant 0 : i32
      scf.yield %scan3A_43 : i32
    }
    %scan3A_6 = arith.constant 8 : i32
    %scan3A_7 = arith.constant 0 : i32
    %scan3A_8 = arith.constant 0 : i32
    %scan3A_9 = arith.constant 40 : i32
    %scan3A_10 = arith.addi %scan3A_8, %scan3A_9 : i32
    %scan3A_11 = arith.constant 1 : i32
    %scan3A_12 = scf.for %scan3A_35 = %scan3A_8 to %scan3A_10 step %scan3A_11 iter_args(%scan3A_36 = %scan3A_7) -> (i32)  : i32 {
      %broadcast_in_dim3A = arith.constant 0.000000e+00 : f32
      %broadcast_in_dim3A_37 = vector.broadcast %broadcast_in_dim3A : f32 to vector<16xf32>
      %mul3A_38 = arith.constant 16 : i32
      %mul3A_39 = arith.muli %scan3A_35, %mul3A_38 : i32
      %swap3A = arith.index_cast %mul3A_39 : i32 to index
      %swap3A_40 = tpu.vector_load %arg6[%swap3A] {strides = array<i32>} : memref<640xf32, #tpu.memory_space<vmem>>, vector<16xf32>,
      %swap3A_41 = vector.shape_cast %swap3A_40 : vector<16xf32> to vector<16xf32>
      %swap3A_42 = vector.shape_cast %broadcast_in_dim3A_37 : vector<16xf32> to vector<16xf32>
      tpu.vector_store %arg6[%swap3A], %swap3A_42 {strides = array<i32>} : memref<640xf32, #tpu.memory_space<vmem>>, vector<16xf32>,
      %scan3A_43 = arith.constant 0 : i32
      scf.yield %scan3A_43 : i32
    }
    %scan3A_13 = arith.constant 40 : i32
    "tpu.region"() ({
      %run_scoped3A = tpu.sem_alloc : memref<!tpu.dma_semaphore, #tpu.memory_space<semaphore_mem>>
      %dma_start3A = arith.constant 0 : i32
      %dma_start3A_35 = arith.constant 0 : i32
      %dma_start3A_36 = tpu.memref_slice %arg2[%add3A, %dma_start3A, %dma_start3A_35] : memref<32x80x128xi32, #tpu.memory_space<hbm>> -> memref<1x80x128xi32, #tpu.memory_space<hbm>>
      %dma_start3A_37 = tpu.memref_squeeze %dma_start3A_36 : memref<1x80x128xi32, #tpu.memory_space<hbm>> -> memref<80x128xi32, #tpu.memory_space<hbm>>
      %dma_start3A_38 = arith.constant 0 : i32
      %dma_start3A_39 = arith.constant 0 : i32
      %dma_start3A_40 = tpu.memref_slice %arg2[%add3A, %dma_start3A_38, %dma_start3A_39] : memref<32x80x128xi32, #tpu.memory_space<hbm>> -> memref<1x80x128xi32, #tpu.memory_space<hbm>>
      %dma_start3A_41 = tpu.memref_squeeze %dma_start3A_40 : memref<1x80x128xi32, #tpu.memory_space<hbm>> -> memref<80x128xi32, #tpu.memory_space<hbm>>
      tpu.enqueue_dma source(%dma_start3A_41 : memref<80x128xi32, #tpu.memory_space<hbm>>) target(%arg4 : memref<80x128xi32, #tpu.memory_space<vmem>>) target_semaphore(%run_scoped3A : memref<!tpu.dma_semaphore, #tpu.memory_space<semaphore_mem>>)
      %dma_wait3A = arith.constant 0 : i32
      %dma_wait3A_42 = arith.constant 0 : i32
      %dma_wait3A_43 = tpu.memref_slice %arg2[%add3A, %dma_wait3A, %dma_wait3A_42] : memref<32x80x128xi32, #tpu.memory_space<hbm>> -> memref<1x80x128xi32, #tpu.memory_space<hbm>>
      %dma_wait3A_44 = tpu.memref_squeeze %dma_wait3A_43 : memref<1x80x128xi32, #tpu.memory_space<hbm>> -> memref<80x128xi32, #tpu.memory_space<hbm>>
      %dma_wait3A_45 = arith.constant 0 : i32
      %dma_wait3A_46 = arith.constant 0 : i32
      %dma_wait3A_47 = tpu.memref_slice %arg2[%add3A, %dma_wait3A_45, %dma_wait3A_46] : memref<32x80x128xi32, #tpu.memory_space<hbm>> -> memref<1x80x128xi32, #tpu.memory_space<hbm>>
      %dma_wait3A_48 = tpu.memref_squeeze %dma_wait3A_47 : memref<1x80x128xi32, #tpu.memory_space<hbm>> -> memref<80x128xi32, #tpu.memory_space<hbm>>
      tpu.wait_dma2 semaphore(%run_scoped3A : memref<!tpu.dma_semaphore, #tpu.memory_space<semaphore_mem>>) src(%dma_wait3A_48 : memref<80x128xi32, #tpu.memory_space<hbm>>) dst(%arg4 : memref<80x128xi32, #tpu.memory_space<vmem>>)
      tpu.yield
    }) : () -> ()
    %mul3A_14 = arith.constant 640 : i32
    %mul3A_15 = arith.muli %arg1, %mul3A_14 : i32
    "tpu.region"() ({
      %run_scoped3A = tpu.sem_alloc : memref<!tpu.dma_semaphore, #tpu.memory_space<semaphore_mem>>
      %dma_start3A = tpu.memref_slice %arg7[%mul3A_15] : memref<10240xf32, #tpu.memory_space<vmem_shared>> -> memref<640xf32, #tpu.memory_space<vmem_shared>>
      %dma_start3A_35 = tpu.memref_slice %arg7[%mul3A_15] : memref<10240xf32, #tpu.memory_space<vmem_shared>> -> memref<640xf32, #tpu.memory_space<vmem_shared>>
      tpu.enqueue_dma source(%arg6 : memref<640xf32, #tpu.memory_space<vmem>>) target(%dma_start3A_35 : memref<640xf32, #tpu.memory_space<vmem_shared>>) target_semaphore(%run_scoped3A : memref<!tpu.dma_semaphore, #tpu.memory_space<semaphore_mem>>)
      %dma_wait3A = tpu.memref_slice %arg7[%mul3A_15] : memref<10240xf32, #tpu.memory_space<vmem_shared>> -> memref<640xf32, #tpu.memory_space<vmem_shared>>
      %dma_wait3A_36 = tpu.memref_slice %arg7[%mul3A_15] : memref<10240xf32, #tpu.memory_space<vmem_shared>> -> memref<640xf32, #tpu.memory_space<vmem_shared>>
      tpu.wait_dma2 semaphore(%run_scoped3A : memref<!tpu.dma_semaphore, #tpu.memory_space<semaphore_mem>>) src(%arg6 : memref<640xf32, #tpu.memory_space<vmem>>) dst(%dma_wait3A_36 : memref<640xf32, #tpu.memory_space<vmem_shared>>)
      tpu.yield
    }) : () -> ()
    %barrier3A = arith.constant 0 : index
    tpu.barrier barrier_id(%barrier3A)
    %scan3A_16 = arith.constant 0 : i32
    %scan3A_17 = arith.constant 0 : i32
    %scan3A_18 = arith.constant 80 : i32
    %scan3A_19 = arith.addi %scan3A_17, %scan3A_18 : i32
    %scan3A_20 = arith.constant 1 : i32
    %scan3A_21 = scf.for %scan3A_35 = %scan3A_17 to %scan3A_19 step %scan3A_20 iter_args(%scan3A_36 = %scan3A_16) -> (i32)  : i32 {
      %dma_start3A = arith.constant 0 : i32
      %dma_start3A_37 = tpu.memref_slice %arg4[%scan3A_35, %dma_start3A] : memref<80x128xi32, #tpu.memory_space<vmem>> -> memref<1x128xi32, #tpu.memory_space<vmem>>
      %dma_start3A_38 = tpu.memref_squeeze %dma_start3A_37 : memref<1x128xi32, #tpu.memory_space<vmem>> -> memref<128xi32, #tpu.memory_space<vmem>>
      %dma_start3A_39 = arith.constant 0 : i32
      %dma_start3A_40 = tpu.memref_slice %arg7[%dma_start3A_39] : memref<10240xf32, #tpu.memory_space<vmem_shared>> -> memref<10240xf32, #tpu.memory_space<vmem_shared>>
      tpu.enqueue_indirect_dma source(%arg5 : memref<128xf32, #tpu.memory_space<vmem>>) target(%dma_start3A_40 : memref<10240xf32, #tpu.memory_space<vmem_shared>>) offsets(%dma_start3A_38 : memref<128xi32, #tpu.memory_space<vmem>>) semaphore(%arg8 : memref<!tpu.dma_semaphore, #tpu.memory_space<semaphore_mem>>) {add = true}
      %scan3A_41 = arith.constant 0 : i32
      scf.yield %scan3A_41 : i32
    }
    %scan3A_22 = arith.constant 80 : i32
    %scan3A_23 = arith.constant 0 : i32
    %scan3A_24 = arith.constant 0 : i32
    %scan3A_25 = arith.constant 80 : i32
    %scan3A_26 = arith.addi %scan3A_24, %scan3A_25 : i32
    %scan3A_27 = arith.constant 1 : i32
    %scan3A_28 = scf.for %scan3A_35 = %scan3A_24 to %scan3A_26 step %scan3A_27 iter_args(%scan3A_36 = %scan3A_23) -> (i32)  : i32 {
      %dma_wait3A = arith.constant 0 : i32
      %dma_wait3A_37 = tpu.memref_slice %arg4[%scan3A_35, %dma_wait3A] : memref<80x128xi32, #tpu.memory_space<vmem>> -> memref<1x128xi32, #tpu.memory_space<vmem>>
      %dma_wait3A_38 = tpu.memref_squeeze %dma_wait3A_37 : memref<1x128xi32, #tpu.memory_space<vmem>> -> memref<128xi32, #tpu.memory_space<vmem>>
      %dma_wait3A_39 = arith.constant 0 : i32
      %dma_wait3A_40 = tpu.memref_slice %arg7[%dma_wait3A_39] : memref<10240xf32, #tpu.memory_space<vmem_shared>> -> memref<10240xf32, #tpu.memory_space<vmem_shared>>
      tpu.wait_indirect_dma semaphore(%arg8 : memref<!tpu.dma_semaphore, #tpu.memory_space<semaphore_mem>>) src(%arg5 : memref<128xf32, #tpu.memory_space<vmem>>) dst(%dma_wait3A_40 : memref<10240xf32, #tpu.memory_space<vmem_shared>>)
      %scan3A_41 = arith.constant 0 : i32
      scf.yield %scan3A_41 : i32
    }
    %scan3A_29 = arith.constant 80 : i32
    %barrier3A_30 = arith.constant 0 : index
    tpu.barrier barrier_id(%barrier3A_30)
    %mul3A_31 = arith.constant 640 : i32
    %mul3A_32 = arith.muli %arg1, %mul3A_31 : i32
    %mul3A_33 = arith.constant 640 : i32
    %mul3A_34 = arith.muli %arg1, %mul3A_33 : i32
    "tpu.region"() ({
      %run_scoped3A = tpu.sem_alloc : memref<!tpu.dma_semaphore, #tpu.memory_space<semaphore_mem>>
      %dma_start3A = tpu.memref_slice %arg3[%arg0, %mul3A_34] : memref<2x10240xf32, #tpu.memory_space<hbm>> -> memref<1x640xf32, #tpu.memory_space<hbm>>
      %dma_start3A_35 = tpu.memref_squeeze %dma_start3A : memref<1x640xf32, #tpu.memory_space<hbm>> -> memref<640xf32, #tpu.memory_space<hbm>>
      %dma_start3A_36 = tpu.memref_slice %arg7[%mul3A_32] : memref<10240xf32, #tpu.memory_space<vmem_shared>> -> memref<640xf32, #tpu.memory_space<vmem_shared>>
      tpu.enqueue_dma source(%dma_start3A_36 : memref<640xf32, #tpu.memory_space<vmem_shared>>) target(%dma_start3A_35 : memref<640xf32, #tpu.memory_space<hbm>>) target_semaphore(%run_scoped3A : memref<!tpu.dma_semaphore, #tpu.memory_space<semaphore_mem>>)
      %dma_wait3A = tpu.memref_slice %arg3[%arg0, %mul3A_34] : memref<2x10240xf32, #tpu.memory_space<hbm>> -> memref<1x640xf32, #tpu.memory_space<hbm>>
      %dma_wait3A_37 = tpu.memref_squeeze %dma_wait3A : memref<1x640xf32, #tpu.memory_space<hbm>> -> memref<640xf32, #tpu.memory_space<hbm>>
      %dma_wait3A_38 = tpu.memref_slice %arg7[%mul3A_32] : memref<10240xf32, #tpu.memory_space<vmem_shared>> -> memref<640xf32, #tpu.memory_space<vmem_shared>>
      tpu.wait_dma2 semaphore(%run_scoped3A : memref<!tpu.dma_semaphore, #tpu.memory_space<semaphore_mem>>) src(%dma_wait3A_38 : memref<640xf32, #tpu.memory_space<vmem_shared>>) dst(%dma_wait3A_37 : memref<640xf32, #tpu.memory_space<hbm>>)
      tpu.yield
    }) : () -> ()
    return
  }
}

#map = affine_map<(d0, d1) -> (0, 0)>
#map1 = affine_map<(d0, d1) -> (0, 0, 0)>
module attributes {stable_mosaic.version = 14 : i64} {
  func.func @agg_kernel(%arg0: i32, %arg1: i32, %arg2: memref<10240x64xf32, #tpu.memory_space<hbm>>, %arg3: memref<10240x64xf32, #tpu.memory_space<hbm>>, %arg4: memref<16x160x128xi32, #tpu.memory_space<hbm>>, %arg5: memref<16x160x128xi32, #tpu.memory_space<hbm>>, %arg6: memref<2x10240x64xf32, #tpu.memory_space<hbm>>, %arg7: memref<16x128xi32, #tpu.memory_space<vmem>>, %arg8: memref<16x128xi32, #tpu.memory_space<vmem>>, %arg9: memref<16x128xi32, #tpu.memory_space<vmem>>, %arg10: memref<16x128xi32, #tpu.memory_space<vmem>>, %arg11: memref<128x64xf32, #tpu.memory_space<vmem>>, %arg12: memref<128x64xf32, #tpu.memory_space<vmem>>, %arg13: memref<128x64xf32, #tpu.memory_space<vmem>>, %arg14: memref<128x64xf32, #tpu.memory_space<vmem>>, %arg15: memref<10240x64xf32, #tpu.memory_space<vmem_shared>>, %arg16: memref<10240x64xf32, #tpu.memory_space<vmem_shared>>, %arg17: memref<!tpu.dma_semaphore, #tpu.memory_space<semaphore_mem>>, %arg18: memref<!tpu.dma_semaphore, #tpu.memory_space<semaphore_mem>>, %arg19: memref<!tpu.dma_semaphore, #tpu.memory_space<semaphore_mem>>, %arg20: memref<!tpu.dma_semaphore, #tpu.memory_space<semaphore_mem>>, %arg21: memref<!tpu.dma_semaphore, #tpu.memory_space<semaphore_mem>>, %arg22: memref<!tpu.dma_semaphore, #tpu.memory_space<semaphore_mem>>, %arg23: memref<!tpu.dma_semaphore, #tpu.memory_space<semaphore_mem>>, %arg24: memref<!tpu.dma_semaphore, #tpu.memory_space<semaphore_mem>>, %arg25: memref<!tpu.dma_semaphore, #tpu.memory_space<semaphore_mem>>) attributes {dimension_semantics = [#tpu.dimension_semantics<core_parallel>, #tpu.dimension_semantics<subcore_parallel>], iteration_bounds = array<i64: 2, 16>, scalar_prefetch = 0 : i64, scratch_operands = 19 : i64, tpu.core_type = #tpu.core_type<sc_vector_subcore>, window_params = [{transform_indices = #map}, {transform_indices = #map}, {transform_indices = #map1}, {transform_indices = #map1}, {transform_indices = #map1}]} {
    %scan3A = arith.constant 0 : i32
    %scan3A_0 = arith.constant 0 : i32
    %scan3A_1 = arith.constant 128 : i32
    %scan3A_2 = arith.addi %scan3A_0, %scan3A_1 : i32
    %scan3A_3 = arith.constant 1 : i32
    %scan3A_4 = scf.for %scan3A_38 = %scan3A_0 to %scan3A_2 step %scan3A_3 iter_args(%scan3A_39 = %scan3A) -> (i32)  : i32 {
      %scan3A_40 = arith.constant 0 : i32
      %scan3A_41 = arith.constant 0 : i32
      %scan3A_42 = arith.constant 4 : i32
      %scan3A_43 = arith.addi %scan3A_41, %scan3A_42 : i32
      %scan3A_44 = arith.constant 1 : i32
      %scan3A_45 = scf.for %scan3A_48 = %scan3A_41 to %scan3A_43 step %scan3A_44 iter_args(%scan3A_49 = %scan3A_40) -> (i32)  : i32 {
        %broadcast_in_dim3A = arith.constant 0.000000e+00 : f32
        %broadcast_in_dim3A_50 = vector.broadcast %broadcast_in_dim3A : f32 to vector<16xf32>
        %mul3A_51 = arith.constant 16 : i32
        %mul3A_52 = arith.muli %scan3A_48, %mul3A_51 : i32
        %swap3A = arith.index_cast %scan3A_38 : i32 to index
        %swap3A_53 = arith.index_cast %mul3A_52 : i32 to index
        %swap3A_54 = tpu.vector_load %arg11[%swap3A, %swap3A_53] {strides = array<i32>} : memref<128x64xf32, #tpu.memory_space<vmem>>, vector<1x16xf32>,
        %swap3A_55 = vector.shape_cast %swap3A_54 : vector<1x16xf32> to vector<16xf32>
        %swap3A_56 = vector.shape_cast %broadcast_in_dim3A_50 : vector<16xf32> to vector<1x16xf32>
        tpu.vector_store %arg11[%swap3A, %swap3A_53], %swap3A_56 {strides = array<i32>} : memref<128x64xf32, #tpu.memory_space<vmem>>, vector<1x16xf32>,
        %scan3A_57 = arith.constant 0 : i32
        scf.yield %scan3A_57 : i32
      }
      %scan3A_46 = arith.constant 4 : i32
      %scan3A_47 = arith.constant 0 : i32
      scf.yield %scan3A_47 : i32
    }
    %scan3A_5 = arith.constant 128 : i32
    %scan3A_6 = arith.constant 0 : i32
    %scan3A_7 = arith.constant 0 : i32
    %scan3A_8 = arith.constant 5 : i32
    %scan3A_9 = arith.addi %scan3A_7, %scan3A_8 : i32
    %scan3A_10 = arith.constant 1 : i32
    %scan3A_11 = scf.for %scan3A_38 = %scan3A_7 to %scan3A_9 step %scan3A_10 iter_args(%scan3A_39 = %scan3A_6) -> (i32)  : i32 {
      %mul3A_40 = arith.constant 640 : i32
      %mul3A_41 = arith.muli %arg1, %mul3A_40 : i32
      %mul3A_42 = arith.constant 128 : i32
      %mul3A_43 = arith.muli %scan3A_38, %mul3A_42 : i32
      %add3A = arith.addi %mul3A_41, %mul3A_43 : i32
      %dma_start3A = arith.constant 0 : i32
      %dma_start3A_44 = tpu.memref_slice %arg16[%add3A, %dma_start3A] : memref<10240x64xf32, #tpu.memory_space<vmem_shared>> -> memref<128x64xf32, #tpu.memory_space<vmem_shared>>
      %dma_start3A_45 = arith.constant 0 : i32
      %dma_start3A_46 = tpu.memref_slice %arg16[%add3A, %dma_start3A_45] : memref<10240x64xf32, #tpu.memory_space<vmem_shared>> -> memref<128x64xf32, #tpu.memory_space<vmem_shared>>
      tpu.enqueue_dma source(%arg11 : memref<128x64xf32, #tpu.memory_space<vmem>>) target(%dma_start3A_46 : memref<128x64xf32, #tpu.memory_space<vmem_shared>>) target_semaphore(%arg25 : memref<!tpu.dma_semaphore, #tpu.memory_space<semaphore_mem>>)
      %scan3A_47 = arith.constant 0 : i32
      scf.yield %scan3A_47 : i32
    }
    %scan3A_12 = arith.constant 5 : i32
    %scan3A_13 = arith.constant 0 : i32
    %scan3A_14 = arith.constant 0 : i32
    %scan3A_15 = arith.constant 5 : i32
    %scan3A_16 = arith.addi %scan3A_14, %scan3A_15 : i32
    %scan3A_17 = arith.constant 1 : i32
    %scan3A_18 = scf.for %scan3A_38 = %scan3A_14 to %scan3A_16 step %scan3A_17 iter_args(%scan3A_39 = %scan3A_13) -> (i32)  : i32 {
      %mul3A_40 = arith.constant 640 : i32
      %mul3A_41 = arith.muli %arg1, %mul3A_40 : i32
      %mul3A_42 = arith.constant 128 : i32
      %mul3A_43 = arith.muli %scan3A_38, %mul3A_42 : i32
      %add3A = arith.addi %mul3A_41, %mul3A_43 : i32
      %dma_wait3A = arith.constant 0 : i32
      %dma_wait3A_44 = tpu.memref_slice %arg16[%add3A, %dma_wait3A] : memref<10240x64xf32, #tpu.memory_space<vmem_shared>> -> memref<128x64xf32, #tpu.memory_space<vmem_shared>>
      %dma_wait3A_45 = arith.constant 0 : i32
      %dma_wait3A_46 = tpu.memref_slice %arg16[%add3A, %dma_wait3A_45] : memref<10240x64xf32, #tpu.memory_space<vmem_shared>> -> memref<128x64xf32, #tpu.memory_space<vmem_shared>>
      tpu.wait_dma2 semaphore(%arg25 : memref<!tpu.dma_semaphore, #tpu.memory_space<semaphore_mem>>) src(%arg11 : memref<128x64xf32, #tpu.memory_space<vmem>>) dst(%dma_wait3A_46 : memref<128x64xf32, #tpu.memory_space<vmem_shared>>)
      %scan3A_47 = arith.constant 0 : i32
      scf.yield %scan3A_47 : i32
    }
    %scan3A_19 = arith.constant 5 : i32
    %eq3A = arith.constant 0 : i32
    %eq3A_20 = arith.cmpi eq, %arg0, %eq3A : i32
    %convert_element_type3A = arith.extui %eq3A_20 : i1 to i32
    %cond3A = arith.constant 0 : i32
    %cond3A_21 = arith.cmpi ne, %convert_element_type3A, %cond3A : i32
    scf.if %cond3A_21 {
      %scan3A_38 = arith.constant 0 : i32
      %scan3A_39 = arith.constant 0 : i32
      %scan3A_40 = arith.constant 5 : i32
      %scan3A_41 = arith.addi %scan3A_39, %scan3A_40 : i32
      %scan3A_42 = arith.constant 1 : i32
      %scan3A_43 = scf.for %scan3A_45 = %scan3A_39 to %scan3A_41 step %scan3A_42 iter_args(%scan3A_46 = %scan3A_38) -> (i32)  : i32 {
        %mul3A_47 = arith.constant 640 : i32
        %mul3A_48 = arith.muli %arg1, %mul3A_47 : i32
        %mul3A_49 = arith.constant 128 : i32
        %mul3A_50 = arith.muli %scan3A_45, %mul3A_49 : i32
        %add3A = arith.addi %mul3A_48, %mul3A_50 : i32
        "tpu.region"() ({
          %run_scoped3A = tpu.sem_alloc : memref<!tpu.dma_semaphore, #tpu.memory_space<semaphore_mem>>
          %dma_start3A = arith.constant 0 : i32
          %dma_start3A_57 = tpu.memref_slice %arg2[%add3A, %dma_start3A] : memref<10240x64xf32, #tpu.memory_space<hbm>> -> memref<128x64xf32, #tpu.memory_space<hbm>>
          %dma_start3A_58 = arith.constant 0 : i32
          %dma_start3A_59 = tpu.memref_slice %arg2[%add3A, %dma_start3A_58] : memref<10240x64xf32, #tpu.memory_space<hbm>> -> memref<128x64xf32, #tpu.memory_space<hbm>>
          tpu.enqueue_dma source(%dma_start3A_59 : memref<128x64xf32, #tpu.memory_space<hbm>>) target(%arg12 : memref<128x64xf32, #tpu.memory_space<vmem>>) target_semaphore(%run_scoped3A : memref<!tpu.dma_semaphore, #tpu.memory_space<semaphore_mem>>)
          %dma_wait3A = arith.constant 0 : i32
          %dma_wait3A_60 = tpu.memref_slice %arg2[%add3A, %dma_wait3A] : memref<10240x64xf32, #tpu.memory_space<hbm>> -> memref<128x64xf32, #tpu.memory_space<hbm>>
          %dma_wait3A_61 = arith.constant 0 : i32
          %dma_wait3A_62 = tpu.memref_slice %arg2[%add3A, %dma_wait3A_61] : memref<10240x64xf32, #tpu.memory_space<hbm>> -> memref<128x64xf32, #tpu.memory_space<hbm>>
          tpu.wait_dma2 semaphore(%run_scoped3A : memref<!tpu.dma_semaphore, #tpu.memory_space<semaphore_mem>>) src(%dma_wait3A_62 : memref<128x64xf32, #tpu.memory_space<hbm>>) dst(%arg12 : memref<128x64xf32, #tpu.memory_space<vmem>>)
          tpu.yield
        }) : () -> ()
        %mul3A_51 = arith.constant 640 : i32
        %mul3A_52 = arith.muli %arg1, %mul3A_51 : i32
        %mul3A_53 = arith.constant 128 : i32
        %mul3A_54 = arith.muli %scan3A_45, %mul3A_53 : i32
        %add3A_55 = arith.addi %mul3A_52, %mul3A_54 : i32
        "tpu.region"() ({
          %run_scoped3A = tpu.sem_alloc : memref<!tpu.dma_semaphore, #tpu.memory_space<semaphore_mem>>
          %dma_start3A = arith.constant 0 : i32
          %dma_start3A_57 = tpu.memref_slice %arg15[%add3A_55, %dma_start3A] : memref<10240x64xf32, #tpu.memory_space<vmem_shared>> -> memref<128x64xf32, #tpu.memory_space<vmem_shared>>
          %dma_start3A_58 = arith.constant 0 : i32
          %dma_start3A_59 = tpu.memref_slice %arg15[%add3A_55, %dma_start3A_58] : memref<10240x64xf32, #tpu.memory_space<vmem_shared>> -> memref<128x64xf32, #tpu.memory_space<vmem_shared>>
          tpu.enqueue_dma source(%arg12 : memref<128x64xf32, #tpu.memory_space<vmem>>) target(%dma_start3A_59 : memref<128x64xf32, #tpu.memory_space<vmem_shared>>) target_semaphore(%run_scoped3A : memref<!tpu.dma_semaphore, #tpu.memory_space<semaphore_mem>>)
          %dma_wait3A = arith.constant 0 : i32
          %dma_wait3A_60 = tpu.memref_slice %arg15[%add3A_55, %dma_wait3A] : memref<10240x64xf32, #tpu.memory_space<vmem_shared>> -> memref<128x64xf32, #tpu.memory_space<vmem_shared>>
          %dma_wait3A_61 = arith.constant 0 : i32
          %dma_wait3A_62 = tpu.memref_slice %arg15[%add3A_55, %dma_wait3A_61] : memref<10240x64xf32, #tpu.memory_space<vmem_shared>> -> memref<128x64xf32, #tpu.memory_space<vmem_shared>>
          tpu.wait_dma2 semaphore(%run_scoped3A : memref<!tpu.dma_semaphore, #tpu.memory_space<semaphore_mem>>) src(%arg12 : memref<128x64xf32, #tpu.memory_space<vmem>>) dst(%dma_wait3A_62 : memref<128x64xf32, #tpu.memory_space<vmem_shared>>)
          tpu.yield
        }) : () -> ()
        %scan3A_56 = arith.constant 0 : i32
        scf.yield %scan3A_56 : i32
      }
      %scan3A_44 = arith.constant 5 : i32
    } else {
    }
    %eq3A_22 = arith.constant 1 : i32
    %eq3A_23 = arith.cmpi eq, %arg0, %eq3A_22 : i32
    %convert_element_type3A_24 = arith.extui %eq3A_23 : i1 to i32
    %cond3A_25 = arith.constant 0 : i32
    %cond3A_26 = arith.cmpi ne, %convert_element_type3A_24, %cond3A_25 : i32
    scf.if %cond3A_26 {
      %scan3A_38 = arith.constant 0 : i32
      %scan3A_39 = arith.constant 0 : i32
      %scan3A_40 = arith.constant 5 : i32
      %scan3A_41 = arith.addi %scan3A_39, %scan3A_40 : i32
      %scan3A_42 = arith.constant 1 : i32
      %scan3A_43 = scf.for %scan3A_45 = %scan3A_39 to %scan3A_41 step %scan3A_42 iter_args(%scan3A_46 = %scan3A_38) -> (i32)  : i32 {
        %mul3A_47 = arith.constant 640 : i32
        %mul3A_48 = arith.muli %arg1, %mul3A_47 : i32
        %mul3A_49 = arith.constant 128 : i32
        %mul3A_50 = arith.muli %scan3A_45, %mul3A_49 : i32
        %add3A = arith.addi %mul3A_48, %mul3A_50 : i32
        "tpu.region"() ({
          %run_scoped3A = tpu.sem_alloc : memref<!tpu.dma_semaphore, #tpu.memory_space<semaphore_mem>>
          %dma_start3A = arith.constant 0 : i32
          %dma_start3A_57 = tpu.memref_slice %arg3[%add3A, %dma_start3A] : memref<10240x64xf32, #tpu.memory_space<hbm>> -> memref<128x64xf32, #tpu.memory_space<hbm>>
          %dma_start3A_58 = arith.constant 0 : i32
          %dma_start3A_59 = tpu.memref_slice %arg3[%add3A, %dma_start3A_58] : memref<10240x64xf32, #tpu.memory_space<hbm>> -> memref<128x64xf32, #tpu.memory_space<hbm>>
          tpu.enqueue_dma source(%dma_start3A_59 : memref<128x64xf32, #tpu.memory_space<hbm>>) target(%arg12 : memref<128x64xf32, #tpu.memory_space<vmem>>) target_semaphore(%run_scoped3A : memref<!tpu.dma_semaphore, #tpu.memory_space<semaphore_mem>>)
          %dma_wait3A = arith.constant 0 : i32
          %dma_wait3A_60 = tpu.memref_slice %arg3[%add3A, %dma_wait3A] : memref<10240x64xf32, #tpu.memory_space<hbm>> -> memref<128x64xf32, #tpu.memory_space<hbm>>
          %dma_wait3A_61 = arith.constant 0 : i32
          %dma_wait3A_62 = tpu.memref_slice %arg3[%add3A, %dma_wait3A_61] : memref<10240x64xf32, #tpu.memory_space<hbm>> -> memref<128x64xf32, #tpu.memory_space<hbm>>
          tpu.wait_dma2 semaphore(%run_scoped3A : memref<!tpu.dma_semaphore, #tpu.memory_space<semaphore_mem>>) src(%dma_wait3A_62 : memref<128x64xf32, #tpu.memory_space<hbm>>) dst(%arg12 : memref<128x64xf32, #tpu.memory_space<vmem>>)
          tpu.yield
        }) : () -> ()
        %mul3A_51 = arith.constant 640 : i32
        %mul3A_52 = arith.muli %arg1, %mul3A_51 : i32
        %mul3A_53 = arith.constant 128 : i32
        %mul3A_54 = arith.muli %scan3A_45, %mul3A_53 : i32
        %add3A_55 = arith.addi %mul3A_52, %mul3A_54 : i32
        "tpu.region"() ({
          %run_scoped3A = tpu.sem_alloc : memref<!tpu.dma_semaphore, #tpu.memory_space<semaphore_mem>>
          %dma_start3A = arith.constant 0 : i32
          %dma_start3A_57 = tpu.memref_slice %arg15[%add3A_55, %dma_start3A] : memref<10240x64xf32, #tpu.memory_space<vmem_shared>> -> memref<128x64xf32, #tpu.memory_space<vmem_shared>>
          %dma_start3A_58 = arith.constant 0 : i32
          %dma_start3A_59 = tpu.memref_slice %arg15[%add3A_55, %dma_start3A_58] : memref<10240x64xf32, #tpu.memory_space<vmem_shared>> -> memref<128x64xf32, #tpu.memory_space<vmem_shared>>
          tpu.enqueue_dma source(%arg12 : memref<128x64xf32, #tpu.memory_space<vmem>>) target(%dma_start3A_59 : memref<128x64xf32, #tpu.memory_space<vmem_shared>>) target_semaphore(%run_scoped3A : memref<!tpu.dma_semaphore, #tpu.memory_space<semaphore_mem>>)
          %dma_wait3A = arith.constant 0 : i32
          %dma_wait3A_60 = tpu.memref_slice %arg15[%add3A_55, %dma_wait3A] : memref<10240x64xf32, #tpu.memory_space<vmem_shared>> -> memref<128x64xf32, #tpu.memory_space<vmem_shared>>
          %dma_wait3A_61 = arith.constant 0 : i32
          %dma_wait3A_62 = tpu.memref_slice %arg15[%add3A_55, %dma_wait3A_61] : memref<10240x64xf32, #tpu.memory_space<vmem_shared>> -> memref<128x64xf32, #tpu.memory_space<vmem_shared>>
          tpu.wait_dma2 semaphore(%run_scoped3A : memref<!tpu.dma_semaphore, #tpu.memory_space<semaphore_mem>>) src(%arg12 : memref<128x64xf32, #tpu.memory_space<vmem>>) dst(%dma_wait3A_62 : memref<128x64xf32, #tpu.memory_space<vmem_shared>>)
          tpu.yield
        }) : () -> ()
        %scan3A_56 = arith.constant 0 : i32
        scf.yield %scan3A_56 : i32
      }
      %scan3A_44 = arith.constant 5 : i32
    } else {
    }
    %barrier3A = arith.constant 0 : index
    tpu.barrier barrier_id(%barrier3A)
    "tpu.region"() ({
      %run_scoped3A = tpu.sem_alloc : memref<!tpu.dma_semaphore, #tpu.memory_space<semaphore_mem>>
      %dma_start3A = arith.constant 0 : i32
      %dma_start3A_38 = arith.constant 0 : i32
      %dma_start3A_39 = tpu.memref_slice %arg5[%arg1, %dma_start3A, %dma_start3A_38] : memref<16x160x128xi32, #tpu.memory_space<hbm>> -> memref<1x16x128xi32, #tpu.memory_space<hbm>>
      %dma_start3A_40 = tpu.memref_squeeze %dma_start3A_39 : memref<1x16x128xi32, #tpu.memory_space<hbm>> -> memref<16x128xi32, #tpu.memory_space<hbm>>
      %dma_start3A_41 = arith.constant 0 : i32
      %dma_start3A_42 = arith.constant 0 : i32
      %dma_start3A_43 = tpu.memref_slice %arg5[%arg1, %dma_start3A_41, %dma_start3A_42] : memref<16x160x128xi32, #tpu.memory_space<hbm>> -> memref<1x16x128xi32, #tpu.memory_space<hbm>>
      %dma_start3A_44 = tpu.memref_squeeze %dma_start3A_43 : memref<1x16x128xi32, #tpu.memory_space<hbm>> -> memref<16x128xi32, #tpu.memory_space<hbm>>
      tpu.enqueue_dma source(%dma_start3A_44 : memref<16x128xi32, #tpu.memory_space<hbm>>) target(%arg7 : memref<16x128xi32, #tpu.memory_space<vmem>>) target_semaphore(%run_scoped3A : memref<!tpu.dma_semaphore, #tpu.memory_space<semaphore_mem>>)
      %dma_wait3A = arith.constant 0 : i32
      %dma_wait3A_45 = arith.constant 0 : i32
      %dma_wait3A_46 = tpu.memref_slice %arg5[%arg1, %dma_wait3A, %dma_wait3A_45] : memref<16x160x128xi32, #tpu.memory_space<hbm>> -> memref<1x16x128xi32, #tpu.memory_space<hbm>>
      %dma_wait3A_47 = tpu.memref_squeeze %dma_wait3A_46 : memref<1x16x128xi32, #tpu.memory_space<hbm>> -> memref<16x128xi32, #tpu.memory_space<hbm>>
      %dma_wait3A_48 = arith.constant 0 : i32
      %dma_wait3A_49 = arith.constant 0 : i32
      %dma_wait3A_50 = tpu.memref_slice %arg5[%arg1, %dma_wait3A_48, %dma_wait3A_49] : memref<16x160x128xi32, #tpu.memory_space<hbm>> -> memref<1x16x128xi32, #tpu.memory_space<hbm>>
      %dma_wait3A_51 = tpu.memref_squeeze %dma_wait3A_50 : memref<1x16x128xi32, #tpu.memory_space<hbm>> -> memref<16x128xi32, #tpu.memory_space<hbm>>
      tpu.wait_dma2 semaphore(%run_scoped3A : memref<!tpu.dma_semaphore, #tpu.memory_space<semaphore_mem>>) src(%dma_wait3A_51 : memref<16x128xi32, #tpu.memory_space<hbm>>) dst(%arg7 : memref<16x128xi32, #tpu.memory_space<vmem>>)
      tpu.yield
    }) : () -> ()
    "tpu.region"() ({
      %run_scoped3A = tpu.sem_alloc : memref<!tpu.dma_semaphore, #tpu.memory_space<semaphore_mem>>
      %dma_start3A = arith.constant 0 : i32
      %dma_start3A_38 = arith.constant 0 : i32
      %dma_start3A_39 = tpu.memref_slice %arg4[%arg1, %dma_start3A, %dma_start3A_38] : memref<16x160x128xi32, #tpu.memory_space<hbm>> -> memref<1x16x128xi32, #tpu.memory_space<hbm>>
      %dma_start3A_40 = tpu.memref_squeeze %dma_start3A_39 : memref<1x16x128xi32, #tpu.memory_space<hbm>> -> memref<16x128xi32, #tpu.memory_space<hbm>>
      %dma_start3A_41 = arith.constant 0 : i32
      %dma_start3A_42 = arith.constant 0 : i32
      %dma_start3A_43 = tpu.memref_slice %arg4[%arg1, %dma_start3A_41, %dma_start3A_42] : memref<16x160x128xi32, #tpu.memory_space<hbm>> -> memref<1x16x128xi32, #tpu.memory_space<hbm>>
      %dma_start3A_44 = tpu.memref_squeeze %dma_start3A_43 : memref<1x16x128xi32, #tpu.memory_space<hbm>> -> memref<16x128xi32, #tpu.memory_space<hbm>>
      tpu.enqueue_dma source(%dma_start3A_44 : memref<16x128xi32, #tpu.memory_space<hbm>>) target(%arg9 : memref<16x128xi32, #tpu.memory_space<vmem>>) target_semaphore(%run_scoped3A : memref<!tpu.dma_semaphore, #tpu.memory_space<semaphore_mem>>)
      %dma_wait3A = arith.constant 0 : i32
      %dma_wait3A_45 = arith.constant 0 : i32
      %dma_wait3A_46 = tpu.memref_slice %arg4[%arg1, %dma_wait3A, %dma_wait3A_45] : memref<16x160x128xi32, #tpu.memory_space<hbm>> -> memref<1x16x128xi32, #tpu.memory_space<hbm>>
      %dma_wait3A_47 = tpu.memref_squeeze %dma_wait3A_46 : memref<1x16x128xi32, #tpu.memory_space<hbm>> -> memref<16x128xi32, #tpu.memory_space<hbm>>
      %dma_wait3A_48 = arith.constant 0 : i32
      %dma_wait3A_49 = arith.constant 0 : i32
      %dma_wait3A_50 = tpu.memref_slice %arg4[%arg1, %dma_wait3A_48, %dma_wait3A_49] : memref<16x160x128xi32, #tpu.memory_space<hbm>> -> memref<1x16x128xi32, #tpu.memory_space<hbm>>
      %dma_wait3A_51 = tpu.memref_squeeze %dma_wait3A_50 : memref<1x16x128xi32, #tpu.memory_space<hbm>> -> memref<16x128xi32, #tpu.memory_space<hbm>>
      tpu.wait_dma2 semaphore(%run_scoped3A : memref<!tpu.dma_semaphore, #tpu.memory_space<semaphore_mem>>) src(%dma_wait3A_51 : memref<16x128xi32, #tpu.memory_space<hbm>>) dst(%arg9 : memref<16x128xi32, #tpu.memory_space<vmem>>)
      tpu.yield
    }) : () -> ()
    %scan3A_27 = arith.constant 0 : i32
    %scan3A_28 = arith.constant 0 : i32
    %scan3A_29 = arith.constant 5 : i32
    %scan3A_30 = arith.addi %scan3A_28, %scan3A_29 : i32
    %scan3A_31 = arith.constant 1 : i32
    %scan3A_32 = scf.for %scan3A_38 = %scan3A_28 to %scan3A_30 step %scan3A_31 iter_args(%scan3A_39 = %scan3A_27) -> (i32)  : i32 {
      %mul3A_40 = arith.constant 2 : i32
      %mul3A_41 = arith.muli %mul3A_40, %scan3A_38 : i32
      %add3A = arith.constant 1 : i32
      %add3A_42 = arith.addi %mul3A_41, %add3A : i32
      %lt3A = arith.constant 10 : i32
      %lt3A_43 = arith.cmpi slt, %add3A_42, %lt3A : i32
      %convert_element_type3A_44 = arith.extui %lt3A_43 : i1 to i32
      %cond3A_45 = arith.constant 0 : i32
      %cond3A_46 = arith.cmpi ne, %convert_element_type3A_44, %cond3A_45 : i32
      scf.if %cond3A_46 {
        %add3A_967 = arith.constant 1 : i32
        %add3A_968 = arith.addi %mul3A_41, %add3A_967 : i32
        %mul3A_969 = arith.constant 16 : i32
        %mul3A_970 = arith.muli %add3A_968, %mul3A_969 : i32
        %dma_start3A_971 = arith.constant 0 : i32
        %dma_start3A_972 = tpu.memref_slice %arg5[%arg1, %mul3A_970, %dma_start3A_971] : memref<16x160x128xi32, #tpu.memory_space<hbm>> -> memref<1x16x128xi32, #tpu.memory_space<hbm>>
        %dma_start3A_973 = tpu.memref_squeeze %dma_start3A_972 : memref<1x16x128xi32, #tpu.memory_space<hbm>> -> memref<16x128xi32, #tpu.memory_space<hbm>>
        %dma_start3A_974 = arith.constant 0 : i32
        %dma_start3A_975 = tpu.memref_slice %arg5[%arg1, %mul3A_970, %dma_start3A_974] : memref<16x160x128xi32, #tpu.memory_space<hbm>> -> memref<1x16x128xi32, #tpu.memory_space<hbm>>
        %dma_start3A_976 = tpu.memref_squeeze %dma_start3A_975 : memref<1x16x128xi32, #tpu.memory_space<hbm>> -> memref<16x128xi32, #tpu.memory_space<hbm>>
        tpu.enqueue_dma source(%dma_start3A_976 : memref<16x128xi32, #tpu.memory_space<hbm>>) target(%arg8 : memref<16x128xi32, #tpu.memory_space<vmem>>) target_semaphore(%arg25 : memref<!tpu.dma_semaphore, #tpu.memory_space<semaphore_mem>>)
        %add3A_977 = arith.constant 1 : i32
        %add3A_978 = arith.addi %mul3A_41, %add3A_977 : i32
        %mul3A_979 = arith.constant 16 : i32
        %mul3A_980 = arith.muli %add3A_978, %mul3A_979 : i32
        %dma_start3A_981 = arith.constant 0 : i32
        %dma_start3A_982 = tpu.memref_slice %arg4[%arg1, %mul3A_980, %dma_start3A_981] : memref<16x160x128xi32, #tpu.memory_space<hbm>> -> memref<1x16x128xi32, #tpu.memory_space<hbm>>
        %dma_start3A_983 = tpu.memref_squeeze %dma_start3A_982 : memref<1x16x128xi32, #tpu.memory_space<hbm>> -> memref<16x128xi32, #tpu.memory_space<hbm>>
        %dma_start3A_984 = arith.constant 0 : i32
        %dma_start3A_985 = tpu.memref_slice %arg4[%arg1, %mul3A_980, %dma_start3A_984] : memref<16x160x128xi32, #tpu.memory_space<hbm>> -> memref<1x16x128xi32, #tpu.memory_space<hbm>>
        %dma_start3A_986 = tpu.memref_squeeze %dma_start3A_985 : memref<1x16x128xi32, #tpu.memory_space<hbm>> -> memref<16x128xi32, #tpu.memory_space<hbm>>
        tpu.enqueue_dma source(%dma_start3A_986 : memref<16x128xi32, #tpu.memory_space<hbm>>) target(%arg10 : memref<16x128xi32, #tpu.memory_space<vmem>>) target_semaphore(%arg25 : memref<!tpu.dma_semaphore, #tpu.memory_space<semaphore_mem>>)
      } else {
      }
      %dma_start3A = arith.constant 0 : i32
      %dma_start3A_47 = arith.constant 0 : i32
      %dma_start3A_48 = tpu.memref_slice %arg7[%dma_start3A, %dma_start3A_47] : memref<16x128xi32, #tpu.memory_space<vmem>> -> memref<1x128xi32, #tpu.memory_space<vmem>>
      %dma_start3A_49 = tpu.memref_squeeze %dma_start3A_48 : memref<1x128xi32, #tpu.memory_space<vmem>> -> memref<128xi32, #tpu.memory_space<vmem>>
      %dma_start3A_50 = arith.constant 0 : i32
      %dma_start3A_51 = arith.constant 0 : i32
      %dma_start3A_52 = tpu.memref_slice %arg15[%dma_start3A_50, %dma_start3A_51] : memref<10240x64xf32, #tpu.memory_space<vmem_shared>> -> memref<10240x64xf32, #tpu.memory_space<vmem_shared>>
      tpu.enqueue_indirect_dma source(%dma_start3A_52 : memref<10240x64xf32, #tpu.memory_space<vmem_shared>>) target(%arg11 : memref<128x64xf32, #tpu.memory_space<vmem>>) offsets(%dma_start3A_49 : memref<128xi32, #tpu.memory_space<vmem>>) semaphore(%arg17 : memref<!tpu.dma_semaphore, #tpu.memory_space<semaphore_mem>>)
      %dma_start3A_53 = arith.constant 1 : i32
      %dma_start3A_54 = arith.constant 0 : i32
      %dma_start3A_55 = tpu.memref_slice %arg7[%dma_start3A_53, %dma_start3A_54] : memref<16x128xi32, #tpu.memory_space<vmem>> -> memref<1x128xi32, #tpu.memory_space<vmem>>
      %dma_start3A_56 = tpu.memref_squeeze %dma_start3A_55 : memref<1x128xi32, #tpu.memory_space<vmem>> -> memref<128xi32, #tpu.memory_space<vmem>>
      %dma_start3A_57 = arith.constant 0 : i32
      %dma_start3A_58 = arith.constant 0 : i32
      %dma_start3A_59 = tpu.memref_slice %arg15[%dma_start3A_57, %dma_start3A_58] : memref<10240x64xf32, #tpu.memory_space<vmem_shared>> -> memref<10240x64xf32, #tpu.memory_space<vmem_shared>>
      tpu.enqueue_indirect_dma source(%dma_start3A_59 : memref<10240x64xf32, #tpu.memory_space<vmem_shared>>) target(%arg12 : memref<128x64xf32, #tpu.memory_space<vmem>>) offsets(%dma_start3A_56 : memref<128xi32, #tpu.memory_space<vmem>>) semaphore(%arg18 : memref<!tpu.dma_semaphore, #tpu.memory_space<semaphore_mem>>)
      %dma_wait3A = arith.constant 0 : i32
      %dma_wait3A_60 = arith.constant 0 : i32
      %dma_wait3A_61 = tpu.memref_slice %arg7[%dma_wait3A, %dma_wait3A_60] : memref<16x128xi32, #tpu.memory_space<vmem>> -> memref<1x128xi32, #tpu.memory_space<vmem>>
      %dma_wait3A_62 = tpu.memref_squeeze %dma_wait3A_61 : memref<1x128xi32, #tpu.memory_space<vmem>> -> memref<128xi32, #tpu.memory_space<vmem>>
      %dma_wait3A_63 = arith.constant 0 : i32
      %dma_wait3A_64 = arith.constant 0 : i32
      %dma_wait3A_65 = tpu.memref_slice %arg15[%dma_wait3A_63, %dma_wait3A_64] : memref<10240x64xf32, #tpu.memory_space<vmem_shared>> -> memref<10240x64xf32, #tpu.memory_space<vmem_shared>>
      tpu.wait_indirect_dma semaphore(%arg17 : memref<!tpu.dma_semaphore, #tpu.memory_space<semaphore_mem>>) src(%dma_wait3A_65 : memref<10240x64xf32, #tpu.memory_space<vmem_shared>>) dst(%arg11 : memref<128x64xf32, #tpu.memory_space<vmem>>)
      %dma_start3A_66 = arith.constant 0 : i32
      %dma_start3A_67 = arith.constant 0 : i32
      %dma_start3A_68 = tpu.memref_slice %arg9[%dma_start3A_66, %dma_start3A_67] : memref<16x128xi32, #tpu.memory_space<vmem>> -> memref<1x128xi32, #tpu.memory_space<vmem>>
      %dma_start3A_69 = tpu.memref_squeeze %dma_start3A_68 : memref<1x128xi32, #tpu.memory_space<vmem>> -> memref<128xi32, #tpu.memory_space<vmem>>
      %dma_start3A_70 = arith.constant 0 : i32
      %dma_start3A_71 = arith.constant 0 : i32
      %dma_start3A_72 = tpu.memref_slice %arg16[%dma_start3A_70, %dma_start3A_71] : memref<10240x64xf32, #tpu.memory_space<vmem_shared>> -> memref<10240x64xf32, #tpu.memory_space<vmem_shared>>
      tpu.enqueue_indirect_dma source(%arg11 : memref<128x64xf32, #tpu.memory_space<vmem>>) target(%dma_start3A_72 : memref<10240x64xf32, #tpu.memory_space<vmem_shared>>) offsets(%dma_start3A_69 : memref<128xi32, #tpu.memory_space<vmem>>) semaphore(%arg21 : memref<!tpu.dma_semaphore, #tpu.memory_space<semaphore_mem>>) {add = true}
      %dma_start3A_73 = arith.constant 2 : i32
      %dma_start3A_74 = arith.constant 0 : i32
      %dma_start3A_75 = tpu.memref_slice %arg7[%dma_start3A_73, %dma_start3A_74] : memref<16x128xi32, #tpu.memory_space<vmem>> -> memref<1x128xi32, #tpu.memory_space<vmem>>
      %dma_start3A_76 = tpu.memref_squeeze %dma_start3A_75 : memref<1x128xi32, #tpu.memory_space<vmem>> -> memref<128xi32, #tpu.memory_space<vmem>>
      %dma_start3A_77 = arith.constant 0 : i32
      %dma_start3A_78 = arith.constant 0 : i32
      %dma_start3A_79 = tpu.memref_slice %arg15[%dma_start3A_77, %dma_start3A_78] : memref<10240x64xf32, #tpu.memory_space<vmem_shared>> -> memref<10240x64xf32, #tpu.memory_space<vmem_shared>>
      tpu.enqueue_indirect_dma source(%dma_start3A_79 : memref<10240x64xf32, #tpu.memory_space<vmem_shared>>) target(%arg13 : memref<128x64xf32, #tpu.memory_space<vmem>>) offsets(%dma_start3A_76 : memref<128xi32, #tpu.memory_space<vmem>>) semaphore(%arg19 : memref<!tpu.dma_semaphore, #tpu.memory_space<semaphore_mem>>)
      %dma_wait3A_80 = arith.constant 1 : i32
      %dma_wait3A_81 = arith.constant 0 : i32
      %dma_wait3A_82 = tpu.memref_slice %arg7[%dma_wait3A_80, %dma_wait3A_81] : memref<16x128xi32, #tpu.memory_space<vmem>> -> memref<1x128xi32, #tpu.memory_space<vmem>>
      %dma_wait3A_83 = tpu.memref_squeeze %dma_wait3A_82 : memref<1x128xi32, #tpu.memory_space<vmem>> -> memref<128xi32, #tpu.memory_space<vmem>>
      %dma_wait3A_84 = arith.constant 0 : i32
      %dma_wait3A_85 = arith.constant 0 : i32
      %dma_wait3A_86 = tpu.memref_slice %arg15[%dma_wait3A_84, %dma_wait3A_85] : memref<10240x64xf32, #tpu.memory_space<vmem_shared>> -> memref<10240x64xf32, #tpu.memory_space<vmem_shared>>
      tpu.wait_indirect_dma semaphore(%arg18 : memref<!tpu.dma_semaphore, #tpu.memory_space<semaphore_mem>>) src(%dma_wait3A_86 : memref<10240x64xf32, #tpu.memory_space<vmem_shared>>) dst(%arg12 : memref<128x64xf32, #tpu.memory_space<vmem>>)
      %dma_start3A_87 = arith.constant 1 : i32
      %dma_start3A_88 = arith.constant 0 : i32
      %dma_start3A_89 = tpu.memref_slice %arg9[%dma_start3A_87, %dma_start3A_88] : memref<16x128xi32, #tpu.memory_space<vmem>> -> memref<1x128xi32, #tpu.memory_space<vmem>>
      %dma_start3A_90 = tpu.memref_squeeze %dma_start3A_89 : memref<1x128xi32, #tpu.memory_space<vmem>> -> memref<128xi32, #tpu.memory_space<vmem>>
      %dma_start3A_91 = arith.constant 0 : i32
      %dma_start3A_92 = arith.constant 0 : i32
      %dma_start3A_93 = tpu.memref_slice %arg16[%dma_start3A_91, %dma_start3A_92] : memref<10240x64xf32, #tpu.memory_space<vmem_shared>> -> memref<10240x64xf32, #tpu.memory_space<vmem_shared>>
      tpu.enqueue_indirect_dma source(%arg12 : memref<128x64xf32, #tpu.memory_space<vmem>>) target(%dma_start3A_93 : memref<10240x64xf32, #tpu.memory_space<vmem_shared>>) offsets(%dma_start3A_90 : memref<128xi32, #tpu.memory_space<vmem>>) semaphore(%arg22 : memref<!tpu.dma_semaphore, #tpu.memory_space<semaphore_mem>>) {add = true}
      %dma_start3A_94 = arith.constant 3 : i32
      %dma_start3A_95 = arith.constant 0 : i32
      %dma_start3A_96 = tpu.memref_slice %arg7[%dma_start3A_94, %dma_start3A_95] : memref<16x128xi32, #tpu.memory_space<vmem>> -> memref<1x128xi32, #tpu.memory_space<vmem>>
      %dma_start3A_97 = tpu.memref_squeeze %dma_start3A_96 : memref<1x128xi32, #tpu.memory_space<vmem>> -> memref<128xi32, #tpu.memory_space<vmem>>
      %dma_start3A_98 = arith.constant 0 : i32
      %dma_start3A_99 = arith.constant 0 : i32
      %dma_start3A_100 = tpu.memref_slice %arg15[%dma_start3A_98, %dma_start3A_99] : memref<10240x64xf32, #tpu.memory_space<vmem_shared>> -> memref<10240x64xf32, #tpu.memory_space<vmem_shared>>
      tpu.enqueue_indirect_dma source(%dma_start3A_100 : memref<10240x64xf32, #tpu.memory_space<vmem_shared>>) target(%arg14 : memref<128x64xf32, #tpu.memory_space<vmem>>) offsets(%dma_start3A_97 : memref<128xi32, #tpu.memory_space<vmem>>) semaphore(%arg20 : memref<!tpu.dma_semaphore, #tpu.memory_space<semaphore_mem>>)
      %dma_wait3A_101 = arith.constant 2 : i32
      %dma_wait3A_102 = arith.constant 0 : i32
      %dma_wait3A_103 = tpu.memref_slice %arg7[%dma_wait3A_101, %dma_wait3A_102] : memref<16x128xi32, #tpu.memory_space<vmem>> -> memref<1x128xi32, #tpu.memory_space<vmem>>
      %dma_wait3A_104 = tpu.memref_squeeze %dma_wait3A_103 : memref<1x128xi32, #tpu.memory_space<vmem>> -> memref<128xi32, #tpu.memory_space<vmem>>
      %dma_wait3A_105 = arith.constant 0 : i32
      %dma_wait3A_106 = arith.constant 0 : i32
      %dma_wait3A_107 = tpu.memref_slice %arg15[%dma_wait3A_105, %dma_wait3A_106] : memref<10240x64xf32, #tpu.memory_space<vmem_shared>> -> memref<10240x64xf32, #tpu.memory_space<vmem_shared>>
      tpu.wait_indirect_dma semaphore(%arg19 : memref<!tpu.dma_semaphore, #tpu.memory_space<semaphore_mem>>) src(%dma_wait3A_107 : memref<10240x64xf32, #tpu.memory_space<vmem_shared>>) dst(%arg13 : memref<128x64xf32, #tpu.memory_space<vmem>>)
      %dma_start3A_108 = arith.constant 2 : i32
      %dma_start3A_109 = arith.constant 0 : i32
      %dma_start3A_110 = tpu.memref_slice %arg9[%dma_start3A_108, %dma_start3A_109] : memref<16x128xi32, #tpu.memory_space<vmem>> -> memref<1x128xi32, #tpu.memory_space<vmem>>
      %dma_start3A_111 = tpu.memref_squeeze %dma_start3A_110 : memref<1x128xi32, #tpu.memory_space<vmem>> -> memref<128xi32, #tpu.memory_space<vmem>>
      %dma_start3A_112 = arith.constant 0 : i32
      %dma_start3A_113 = arith.constant 0 : i32
      %dma_start3A_114 = tpu.memref_slice %arg16[%dma_start3A_112, %dma_start3A_113] : memref<10240x64xf32, #tpu.memory_space<vmem_shared>> -> memref<10240x64xf32, #tpu.memory_space<vmem_shared>>
      tpu.enqueue_indirect_dma source(%arg13 : memref<128x64xf32, #tpu.memory_space<vmem>>) target(%dma_start3A_114 : memref<10240x64xf32, #tpu.memory_space<vmem_shared>>) offsets(%dma_start3A_111 : memref<128xi32, #tpu.memory_space<vmem>>) semaphore(%arg23 : memref<!tpu.dma_semaphore, #tpu.memory_space<semaphore_mem>>) {add = true}
      %dma_wait3A_115 = arith.constant 0 : i32
      %dma_wait3A_116 = arith.constant 0 : i32
      %dma_wait3A_117 = tpu.memref_slice %arg9[%dma_wait3A_115, %dma_wait3A_116] : memref<16x128xi32, #tpu.memory_space<vmem>> -> memref<1x128xi32, #tpu.memory_space<vmem>>
      %dma_wait3A_118 = tpu.memref_squeeze %dma_wait3A_117 : memref<1x128xi32, #tpu.memory_space<vmem>> -> memref<128xi32, #tpu.memory_space<vmem>>
      %dma_wait3A_119 = arith.constant 0 : i32
      %dma_wait3A_120 = arith.constant 0 : i32
      %dma_wait3A_121 = tpu.memref_slice %arg16[%dma_wait3A_119, %dma_wait3A_120] : memref<10240x64xf32, #tpu.memory_space<vmem_shared>> -> memref<10240x64xf32, #tpu.memory_space<vmem_shared>>
      tpu.wait_indirect_dma semaphore(%arg21 : memref<!tpu.dma_semaphore, #tpu.memory_space<semaphore_mem>>) src(%arg11 : memref<128x64xf32, #tpu.memory_space<vmem>>) dst(%dma_wait3A_121 : memref<10240x64xf32, #tpu.memory_space<vmem_shared>>)
      %dma_start3A_122 = arith.constant 4 : i32
      %dma_start3A_123 = arith.constant 0 : i32
      %dma_start3A_124 = tpu.memref_slice %arg7[%dma_start3A_122, %dma_start3A_123] : memref<16x128xi32, #tpu.memory_space<vmem>> -> memref<1x128xi32, #tpu.memory_space<vmem>>
      %dma_start3A_125 = tpu.memref_squeeze %dma_start3A_124 : memref<1x128xi32, #tpu.memory_space<vmem>> -> memref<128xi32, #tpu.memory_space<vmem>>
      %dma_start3A_126 = arith.constant 0 : i32
      %dma_start3A_127 = arith.constant 0 : i32
      %dma_start3A_128 = tpu.memref_slice %arg15[%dma_start3A_126, %dma_start3A_127] : memref<10240x64xf32, #tpu.memory_space<vmem_shared>> -> memref<10240x64xf32, #tpu.memory_space<vmem_shared>>
      tpu.enqueue_indirect_dma source(%dma_start3A_128 : memref<10240x64xf32, #tpu.memory_space<vmem_shared>>) target(%arg11 : memref<128x64xf32, #tpu.memory_space<vmem>>) offsets(%dma_start3A_125 : memref<128xi32, #tpu.memory_space<vmem>>) semaphore(%arg17 : memref<!tpu.dma_semaphore, #tpu.memory_space<semaphore_mem>>)
      %dma_wait3A_129 = arith.constant 3 : i32
      %dma_wait3A_130 = arith.constant 0 : i32
      %dma_wait3A_131 = tpu.memref_slice %arg7[%dma_wait3A_129, %dma_wait3A_130] : memref<16x128xi32, #tpu.memory_space<vmem>> -> memref<1x128xi32, #tpu.memory_space<vmem>>
      %dma_wait3A_132 = tpu.memref_squeeze %dma_wait3A_131 : memref<1x128xi32, #tpu.memory_space<vmem>> -> memref<128xi32, #tpu.memory_space<vmem>>
      %dma_wait3A_133 = arith.constant 0 : i32
      %dma_wait3A_134 = arith.constant 0 : i32
      %dma_wait3A_135 = tpu.memref_slice %arg15[%dma_wait3A_133, %dma_wait3A_134] : memref<10240x64xf32, #tpu.memory_space<vmem_shared>> -> memref<10240x64xf32, #tpu.memory_space<vmem_shared>>
      tpu.wait_indirect_dma semaphore(%arg20 : memref<!tpu.dma_semaphore, #tpu.memory_space<semaphore_mem>>) src(%dma_wait3A_135 : memref<10240x64xf32, #tpu.memory_space<vmem_shared>>) dst(%arg14 : memref<128x64xf32, #tpu.memory_space<vmem>>)
      %dma_start3A_136 = arith.constant 3 : i32
      %dma_start3A_137 = arith.constant 0 : i32
      %dma_start3A_138 = tpu.memref_slice %arg9[%dma_start3A_136, %dma_start3A_137] : memref<16x128xi32, #tpu.memory_space<vmem>> -> memref<1x128xi32, #tpu.memory_space<vmem>>
      %dma_start3A_139 = tpu.memref_squeeze %dma_start3A_138 : memref<1x128xi32, #tpu.memory_space<vmem>> -> memref<128xi32, #tpu.memory_space<vmem>>
      %dma_start3A_140 = arith.constant 0 : i32
      %dma_start3A_141 = arith.constant 0 : i32
      %dma_start3A_142 = tpu.memref_slice %arg16[%dma_start3A_140, %dma_start3A_141] : memref<10240x64xf32, #tpu.memory_space<vmem_shared>> -> memref<10240x64xf32, #tpu.memory_space<vmem_shared>>
      tpu.enqueue_indirect_dma source(%arg14 : memref<128x64xf32, #tpu.memory_space<vmem>>) target(%dma_start3A_142 : memref<10240x64xf32, #tpu.memory_space<vmem_shared>>) offsets(%dma_start3A_139 : memref<128xi32, #tpu.memory_space<vmem>>) semaphore(%arg24 : memref<!tpu.dma_semaphore, #tpu.memory_space<semaphore_mem>>) {add = true}
      %dma_wait3A_143 = arith.constant 1 : i32
      %dma_wait3A_144 = arith.constant 0 : i32
      %dma_wait3A_145 = tpu.memref_slice %arg9[%dma_wait3A_143, %dma_wait3A_144] : memref<16x128xi32, #tpu.memory_space<vmem>> -> memref<1x128xi32, #tpu.memory_space<vmem>>
      %dma_wait3A_146 = tpu.memref_squeeze %dma_wait3A_145 : memref<1x128xi32, #tpu.memory_space<vmem>> -> memref<128xi32, #tpu.memory_space<vmem>>
      %dma_wait3A_147 = arith.constant 0 : i32
      %dma_wait3A_148 = arith.constant 0 : i32
      %dma_wait3A_149 = tpu.memref_slice %arg16[%dma_wait3A_147, %dma_wait3A_148] : memref<10240x64xf32, #tpu.memory_space<vmem_shared>> -> memref<10240x64xf32, #tpu.memory_space<vmem_shared>>
      tpu.wait_indirect_dma semaphore(%arg22 : memref<!tpu.dma_semaphore, #tpu.memory_space<semaphore_mem>>) src(%arg12 : memref<128x64xf32, #tpu.memory_space<vmem>>) dst(%dma_wait3A_149 : memref<10240x64xf32, #tpu.memory_space<vmem_shared>>)
      %dma_start3A_150 = arith.constant 5 : i32
      %dma_start3A_151 = arith.constant 0 : i32
      %dma_start3A_152 = tpu.memref_slice %arg7[%dma_start3A_150, %dma_start3A_151] : memref<16x128xi32, #tpu.memory_space<vmem>> -> memref<1x128xi32, #tpu.memory_space<vmem>>
      %dma_start3A_153 = tpu.memref_squeeze %dma_start3A_152 : memref<1x128xi32, #tpu.memory_space<vmem>> -> memref<128xi32, #tpu.memory_space<vmem>>
      %dma_start3A_154 = arith.constant 0 : i32
      %dma_start3A_155 = arith.constant 0 : i32
      %dma_start3A_156 = tpu.memref_slice %arg15[%dma_start3A_154, %dma_start3A_155] : memref<10240x64xf32, #tpu.memory_space<vmem_shared>> -> memref<10240x64xf32, #tpu.memory_space<vmem_shared>>
      tpu.enqueue_indirect_dma source(%dma_start3A_156 : memref<10240x64xf32, #tpu.memory_space<vmem_shared>>) target(%arg12 : memref<128x64xf32, #tpu.memory_space<vmem>>) offsets(%dma_start3A_153 : memref<128xi32, #tpu.memory_space<vmem>>) semaphore(%arg18 : memref<!tpu.dma_semaphore, #tpu.memory_space<semaphore_mem>>)
      %dma_wait3A_157 = arith.constant 4 : i32
      %dma_wait3A_158 = arith.constant 0 : i32
      %dma_wait3A_159 = tpu.memref_slice %arg7[%dma_wait3A_157, %dma_wait3A_158] : memref<16x128xi32, #tpu.memory_space<vmem>> -> memref<1x128xi32, #tpu.memory_space<vmem>>
      %dma_wait3A_160 = tpu.memref_squeeze %dma_wait3A_159 : memref<1x128xi32, #tpu.memory_space<vmem>> -> memref<128xi32, #tpu.memory_space<vmem>>
      %dma_wait3A_161 = arith.constant 0 : i32
      %dma_wait3A_162 = arith.constant 0 : i32
      %dma_wait3A_163 = tpu.memref_slice %arg15[%dma_wait3A_161, %dma_wait3A_162] : memref<10240x64xf32, #tpu.memory_space<vmem_shared>> -> memref<10240x64xf32, #tpu.memory_space<vmem_shared>>
      tpu.wait_indirect_dma semaphore(%arg17 : memref<!tpu.dma_semaphore, #tpu.memory_space<semaphore_mem>>) src(%dma_wait3A_163 : memref<10240x64xf32, #tpu.memory_space<vmem_shared>>) dst(%arg11 : memref<128x64xf32, #tpu.memory_space<vmem>>)
      %dma_start3A_164 = arith.constant 4 : i32
      %dma_start3A_165 = arith.constant 0 : i32
      %dma_start3A_166 = tpu.memref_slice %arg9[%dma_start3A_164, %dma_start3A_165] : memref<16x128xi32, #tpu.memory_space<vmem>> -> memref<1x128xi32, #tpu.memory_space<vmem>>
      %dma_start3A_167 = tpu.memref_squeeze %dma_start3A_166 : memref<1x128xi32, #tpu.memory_space<vmem>> -> memref<128xi32, #tpu.memory_space<vmem>>
      %dma_start3A_168 = arith.constant 0 : i32
      %dma_start3A_169 = arith.constant 0 : i32
      %dma_start3A_170 = tpu.memref_slice %arg16[%dma_start3A_168, %dma_start3A_169] : memref<10240x64xf32, #tpu.memory_space<vmem_shared>> -> memref<10240x64xf32, #tpu.memory_space<vmem_shared>>
      tpu.enqueue_indirect_dma source(%arg11 : memref<128x64xf32, #tpu.memory_space<vmem>>) target(%dma_start3A_170 : memref<10240x64xf32, #tpu.memory_space<vmem_shared>>) offsets(%dma_start3A_167 : memref<128xi32, #tpu.memory_space<vmem>>) semaphore(%arg21 : memref<!tpu.dma_semaphore, #tpu.memory_space<semaphore_mem>>) {add = true}
      %dma_wait3A_171 = arith.constant 2 : i32
      %dma_wait3A_172 = arith.constant 0 : i32
      %dma_wait3A_173 = tpu.memref_slice %arg9[%dma_wait3A_171, %dma_wait3A_172] : memref<16x128xi32, #tpu.memory_space<vmem>> -> memref<1x128xi32, #tpu.memory_space<vmem>>
      %dma_wait3A_174 = tpu.memref_squeeze %dma_wait3A_173 : memref<1x128xi32, #tpu.memory_space<vmem>> -> memref<128xi32, #tpu.memory_space<vmem>>
      %dma_wait3A_175 = arith.constant 0 : i32
      %dma_wait3A_176 = arith.constant 0 : i32
      %dma_wait3A_177 = tpu.memref_slice %arg16[%dma_wait3A_175, %dma_wait3A_176] : memref<10240x64xf32, #tpu.memory_space<vmem_shared>> -> memref<10240x64xf32, #tpu.memory_space<vmem_shared>>
      tpu.wait_indirect_dma semaphore(%arg23 : memref<!tpu.dma_semaphore, #tpu.memory_space<semaphore_mem>>) src(%arg13 : memref<128x64xf32, #tpu.memory_space<vmem>>) dst(%dma_wait3A_177 : memref<10240x64xf32, #tpu.memory_space<vmem_shared>>)
      %dma_start3A_178 = arith.constant 6 : i32
      %dma_start3A_179 = arith.constant 0 : i32
      %dma_start3A_180 = tpu.memref_slice %arg7[%dma_start3A_178, %dma_start3A_179] : memref<16x128xi32, #tpu.memory_space<vmem>> -> memref<1x128xi32, #tpu.memory_space<vmem>>
      %dma_start3A_181 = tpu.memref_squeeze %dma_start3A_180 : memref<1x128xi32, #tpu.memory_space<vmem>> -> memref<128xi32, #tpu.memory_space<vmem>>
      %dma_start3A_182 = arith.constant 0 : i32
      %dma_start3A_183 = arith.constant 0 : i32
      %dma_start3A_184 = tpu.memref_slice %arg15[%dma_start3A_182, %dma_start3A_183] : memref<10240x64xf32, #tpu.memory_space<vmem_shared>> -> memref<10240x64xf32, #tpu.memory_space<vmem_shared>>
      tpu.enqueue_indirect_dma source(%dma_start3A_184 : memref<10240x64xf32, #tpu.memory_space<vmem_shared>>) target(%arg13 : memref<128x64xf32, #tpu.memory_space<vmem>>) offsets(%dma_start3A_181 : memref<128xi32, #tpu.memory_space<vmem>>) semaphore(%arg19 : memref<!tpu.dma_semaphore, #tpu.memory_space<semaphore_mem>>)
      %dma_wait3A_185 = arith.constant 5 : i32
      %dma_wait3A_186 = arith.constant 0 : i32
      %dma_wait3A_187 = tpu.memref_slice %arg7[%dma_wait3A_185, %dma_wait3A_186] : memref<16x128xi32, #tpu.memory_space<vmem>> -> memref<1x128xi32, #tpu.memory_space<vmem>>
      %dma_wait3A_188 = tpu.memref_squeeze %dma_wait3A_187 : memref<1x128xi32, #tpu.memory_space<vmem>> -> memref<128xi32, #tpu.memory_space<vmem>>
      %dma_wait3A_189 = arith.constant 0 : i32
      %dma_wait3A_190 = arith.constant 0 : i32
      %dma_wait3A_191 = tpu.memref_slice %arg15[%dma_wait3A_189, %dma_wait3A_190] : memref<10240x64xf32, #tpu.memory_space<vmem_shared>> -> memref<10240x64xf32, #tpu.memory_space<vmem_shared>>
      tpu.wait_indirect_dma semaphore(%arg18 : memref<!tpu.dma_semaphore, #tpu.memory_space<semaphore_mem>>) src(%dma_wait3A_191 : memref<10240x64xf32, #tpu.memory_space<vmem_shared>>) dst(%arg12 : memref<128x64xf32, #tpu.memory_space<vmem>>)
      %dma_start3A_192 = arith.constant 5 : i32
      %dma_start3A_193 = arith.constant 0 : i32
      %dma_start3A_194 = tpu.memref_slice %arg9[%dma_start3A_192, %dma_start3A_193] : memref<16x128xi32, #tpu.memory_space<vmem>> -> memref<1x128xi32, #tpu.memory_space<vmem>>
      %dma_start3A_195 = tpu.memref_squeeze %dma_start3A_194 : memref<1x128xi32, #tpu.memory_space<vmem>> -> memref<128xi32, #tpu.memory_space<vmem>>
      %dma_start3A_196 = arith.constant 0 : i32
      %dma_start3A_197 = arith.constant 0 : i32
      %dma_start3A_198 = tpu.memref_slice %arg16[%dma_start3A_196, %dma_start3A_197] : memref<10240x64xf32, #tpu.memory_space<vmem_shared>> -> memref<10240x64xf32, #tpu.memory_space<vmem_shared>>
      tpu.enqueue_indirect_dma source(%arg12 : memref<128x64xf32, #tpu.memory_space<vmem>>) target(%dma_start3A_198 : memref<10240x64xf32, #tpu.memory_space<vmem_shared>>) offsets(%dma_start3A_195 : memref<128xi32, #tpu.memory_space<vmem>>) semaphore(%arg22 : memref<!tpu.dma_semaphore, #tpu.memory_space<semaphore_mem>>) {add = true}
      %dma_wait3A_199 = arith.constant 3 : i32
      %dma_wait3A_200 = arith.constant 0 : i32
      %dma_wait3A_201 = tpu.memref_slice %arg9[%dma_wait3A_199, %dma_wait3A_200] : memref<16x128xi32, #tpu.memory_space<vmem>> -> memref<1x128xi32, #tpu.memory_space<vmem>>
      %dma_wait3A_202 = tpu.memref_squeeze %dma_wait3A_201 : memref<1x128xi32, #tpu.memory_space<vmem>> -> memref<128xi32, #tpu.memory_space<vmem>>
      %dma_wait3A_203 = arith.constant 0 : i32
      %dma_wait3A_204 = arith.constant 0 : i32
      %dma_wait3A_205 = tpu.memref_slice %arg16[%dma_wait3A_203, %dma_wait3A_204] : memref<10240x64xf32, #tpu.memory_space<vmem_shared>> -> memref<10240x64xf32, #tpu.memory_space<vmem_shared>>
      tpu.wait_indirect_dma semaphore(%arg24 : memref<!tpu.dma_semaphore, #tpu.memory_space<semaphore_mem>>) src(%arg14 : memref<128x64xf32, #tpu.memory_space<vmem>>) dst(%dma_wait3A_205 : memref<10240x64xf32, #tpu.memory_space<vmem_shared>>)
      %dma_start3A_206 = arith.constant 7 : i32
      %dma_start3A_207 = arith.constant 0 : i32
      %dma_start3A_208 = tpu.memref_slice %arg7[%dma_start3A_206, %dma_start3A_207] : memref<16x128xi32, #tpu.memory_space<vmem>> -> memref<1x128xi32, #tpu.memory_space<vmem>>
      %dma_start3A_209 = tpu.memref_squeeze %dma_start3A_208 : memref<1x128xi32, #tpu.memory_space<vmem>> -> memref<128xi32, #tpu.memory_space<vmem>>
      %dma_start3A_210 = arith.constant 0 : i32
      %dma_start3A_211 = arith.constant 0 : i32
      %dma_start3A_212 = tpu.memref_slice %arg15[%dma_start3A_210, %dma_start3A_211] : memref<10240x64xf32, #tpu.memory_space<vmem_shared>> -> memref<10240x64xf32, #tpu.memory_space<vmem_shared>>
      tpu.enqueue_indirect_dma source(%dma_start3A_212 : memref<10240x64xf32, #tpu.memory_space<vmem_shared>>) target(%arg14 : memref<128x64xf32, #tpu.memory_space<vmem>>) offsets(%dma_start3A_209 : memref<128xi32, #tpu.memory_space<vmem>>) semaphore(%arg20 : memref<!tpu.dma_semaphore, #tpu.memory_space<semaphore_mem>>)
      %dma_wait3A_213 = arith.constant 6 : i32
      %dma_wait3A_214 = arith.constant 0 : i32
      %dma_wait3A_215 = tpu.memref_slice %arg7[%dma_wait3A_213, %dma_wait3A_214] : memref<16x128xi32, #tpu.memory_space<vmem>> -> memref<1x128xi32, #tpu.memory_space<vmem>>
      %dma_wait3A_216 = tpu.memref_squeeze %dma_wait3A_215 : memref<1x128xi32, #tpu.memory_space<vmem>> -> memref<128xi32, #tpu.memory_space<vmem>>
      %dma_wait3A_217 = arith.constant 0 : i32
      %dma_wait3A_218 = arith.constant 0 : i32
      %dma_wait3A_219 = tpu.memref_slice %arg15[%dma_wait3A_217, %dma_wait3A_218] : memref<10240x64xf32, #tpu.memory_space<vmem_shared>> -> memref<10240x64xf32, #tpu.memory_space<vmem_shared>>
      tpu.wait_indirect_dma semaphore(%arg19 : memref<!tpu.dma_semaphore, #tpu.memory_space<semaphore_mem>>) src(%dma_wait3A_219 : memref<10240x64xf32, #tpu.memory_space<vmem_shared>>) dst(%arg13 : memref<128x64xf32, #tpu.memory_space<vmem>>)
      %dma_start3A_220 = arith.constant 6 : i32
      %dma_start3A_221 = arith.constant 0 : i32
      %dma_start3A_222 = tpu.memref_slice %arg9[%dma_start3A_220, %dma_start3A_221] : memref<16x128xi32, #tpu.memory_space<vmem>> -> memref<1x128xi32, #tpu.memory_space<vmem>>
      %dma_start3A_223 = tpu.memref_squeeze %dma_start3A_222 : memref<1x128xi32, #tpu.memory_space<vmem>> -> memref<128xi32, #tpu.memory_space<vmem>>
      %dma_start3A_224 = arith.constant 0 : i32
      %dma_start3A_225 = arith.constant 0 : i32
      %dma_start3A_226 = tpu.memref_slice %arg16[%dma_start3A_224, %dma_start3A_225] : memref<10240x64xf32, #tpu.memory_space<vmem_shared>> -> memref<10240x64xf32, #tpu.memory_space<vmem_shared>>
      tpu.enqueue_indirect_dma source(%arg13 : memref<128x64xf32, #tpu.memory_space<vmem>>) target(%dma_start3A_226 : memref<10240x64xf32, #tpu.memory_space<vmem_shared>>) offsets(%dma_start3A_223 : memref<128xi32, #tpu.memory_space<vmem>>) semaphore(%arg23 : memref<!tpu.dma_semaphore, #tpu.memory_space<semaphore_mem>>) {add = true}
      %dma_wait3A_227 = arith.constant 4 : i32
      %dma_wait3A_228 = arith.constant 0 : i32
      %dma_wait3A_229 = tpu.memref_slice %arg9[%dma_wait3A_227, %dma_wait3A_228] : memref<16x128xi32, #tpu.memory_space<vmem>> -> memref<1x128xi32, #tpu.memory_space<vmem>>
      %dma_wait3A_230 = tpu.memref_squeeze %dma_wait3A_229 : memref<1x128xi32, #tpu.memory_space<vmem>> -> memref<128xi32, #tpu.memory_space<vmem>>
      %dma_wait3A_231 = arith.constant 0 : i32
      %dma_wait3A_232 = arith.constant 0 : i32
      %dma_wait3A_233 = tpu.memref_slice %arg16[%dma_wait3A_231, %dma_wait3A_232] : memref<10240x64xf32, #tpu.memory_space<vmem_shared>> -> memref<10240x64xf32, #tpu.memory_space<vmem_shared>>
      tpu.wait_indirect_dma semaphore(%arg21 : memref<!tpu.dma_semaphore, #tpu.memory_space<semaphore_mem>>) src(%arg11 : memref<128x64xf32, #tpu.memory_space<vmem>>) dst(%dma_wait3A_233 : memref<10240x64xf32, #tpu.memory_space<vmem_shared>>)
      %dma_start3A_234 = arith.constant 8 : i32
      %dma_start3A_235 = arith.constant 0 : i32
      %dma_start3A_236 = tpu.memref_slice %arg7[%dma_start3A_234, %dma_start3A_235] : memref<16x128xi32, #tpu.memory_space<vmem>> -> memref<1x128xi32, #tpu.memory_space<vmem>>
      %dma_start3A_237 = tpu.memref_squeeze %dma_start3A_236 : memref<1x128xi32, #tpu.memory_space<vmem>> -> memref<128xi32, #tpu.memory_space<vmem>>
      %dma_start3A_238 = arith.constant 0 : i32
      %dma_start3A_239 = arith.constant 0 : i32
      %dma_start3A_240 = tpu.memref_slice %arg15[%dma_start3A_238, %dma_start3A_239] : memref<10240x64xf32, #tpu.memory_space<vmem_shared>> -> memref<10240x64xf32, #tpu.memory_space<vmem_shared>>
      tpu.enqueue_indirect_dma source(%dma_start3A_240 : memref<10240x64xf32, #tpu.memory_space<vmem_shared>>) target(%arg11 : memref<128x64xf32, #tpu.memory_space<vmem>>) offsets(%dma_start3A_237 : memref<128xi32, #tpu.memory_space<vmem>>) semaphore(%arg17 : memref<!tpu.dma_semaphore, #tpu.memory_space<semaphore_mem>>)
      %dma_wait3A_241 = arith.constant 7 : i32
      %dma_wait3A_242 = arith.constant 0 : i32
      %dma_wait3A_243 = tpu.memref_slice %arg7[%dma_wait3A_241, %dma_wait3A_242] : memref<16x128xi32, #tpu.memory_space<vmem>> -> memref<1x128xi32, #tpu.memory_space<vmem>>
      %dma_wait3A_244 = tpu.memref_squeeze %dma_wait3A_243 : memref<1x128xi32, #tpu.memory_space<vmem>> -> memref<128xi32, #tpu.memory_space<vmem>>
      %dma_wait3A_245 = arith.constant 0 : i32
      %dma_wait3A_246 = arith.constant 0 : i32
      %dma_wait3A_247 = tpu.memref_slice %arg15[%dma_wait3A_245, %dma_wait3A_246] : memref<10240x64xf32, #tpu.memory_space<vmem_shared>> -> memref<10240x64xf32, #tpu.memory_space<vmem_shared>>
      tpu.wait_indirect_dma semaphore(%arg20 : memref<!tpu.dma_semaphore, #tpu.memory_space<semaphore_mem>>) src(%dma_wait3A_247 : memref<10240x64xf32, #tpu.memory_space<vmem_shared>>) dst(%arg14 : memref<128x64xf32, #tpu.memory_space<vmem>>)
      %dma_start3A_248 = arith.constant 7 : i32
      %dma_start3A_249 = arith.constant 0 : i32
      %dma_start3A_250 = tpu.memref_slice %arg9[%dma_start3A_248, %dma_start3A_249] : memref<16x128xi32, #tpu.memory_space<vmem>> -> memref<1x128xi32, #tpu.memory_space<vmem>>
      %dma_start3A_251 = tpu.memref_squeeze %dma_start3A_250 : memref<1x128xi32, #tpu.memory_space<vmem>> -> memref<128xi32, #tpu.memory_space<vmem>>
      %dma_start3A_252 = arith.constant 0 : i32
      %dma_start3A_253 = arith.constant 0 : i32
      %dma_start3A_254 = tpu.memref_slice %arg16[%dma_start3A_252, %dma_start3A_253] : memref<10240x64xf32, #tpu.memory_space<vmem_shared>> -> memref<10240x64xf32, #tpu.memory_space<vmem_shared>>
      tpu.enqueue_indirect_dma source(%arg14 : memref<128x64xf32, #tpu.memory_space<vmem>>) target(%dma_start3A_254 : memref<10240x64xf32, #tpu.memory_space<vmem_shared>>) offsets(%dma_start3A_251 : memref<128xi32, #tpu.memory_space<vmem>>) semaphore(%arg24 : memref<!tpu.dma_semaphore, #tpu.memory_space<semaphore_mem>>) {add = true}
      %dma_wait3A_255 = arith.constant 5 : i32
      %dma_wait3A_256 = arith.constant 0 : i32
      %dma_wait3A_257 = tpu.memref_slice %arg9[%dma_wait3A_255, %dma_wait3A_256] : memref<16x128xi32, #tpu.memory_space<vmem>> -> memref<1x128xi32, #tpu.memory_space<vmem>>
      %dma_wait3A_258 = tpu.memref_squeeze %dma_wait3A_257 : memref<1x128xi32, #tpu.memory_space<vmem>> -> memref<128xi32, #tpu.memory_space<vmem>>
      %dma_wait3A_259 = arith.constant 0 : i32
      %dma_wait3A_260 = arith.constant 0 : i32
      %dma_wait3A_261 = tpu.memref_slice %arg16[%dma_wait3A_259, %dma_wait3A_260] : memref<10240x64xf32, #tpu.memory_space<vmem_shared>> -> memref<10240x64xf32, #tpu.memory_space<vmem_shared>>
      tpu.wait_indirect_dma semaphore(%arg22 : memref<!tpu.dma_semaphore, #tpu.memory_space<semaphore_mem>>) src(%arg12 : memref<128x64xf32, #tpu.memory_space<vmem>>) dst(%dma_wait3A_261 : memref<10240x64xf32, #tpu.memory_space<vmem_shared>>)
      %dma_start3A_262 = arith.constant 9 : i32
      %dma_start3A_263 = arith.constant 0 : i32
      %dma_start3A_264 = tpu.memref_slice %arg7[%dma_start3A_262, %dma_start3A_263] : memref<16x128xi32, #tpu.memory_space<vmem>> -> memref<1x128xi32, #tpu.memory_space<vmem>>
      %dma_start3A_265 = tpu.memref_squeeze %dma_start3A_264 : memref<1x128xi32, #tpu.memory_space<vmem>> -> memref<128xi32, #tpu.memory_space<vmem>>
      %dma_start3A_266 = arith.constant 0 : i32
      %dma_start3A_267 = arith.constant 0 : i32
      %dma_start3A_268 = tpu.memref_slice %arg15[%dma_start3A_266, %dma_start3A_267] : memref<10240x64xf32, #tpu.memory_space<vmem_shared>> -> memref<10240x64xf32, #tpu.memory_space<vmem_shared>>
      tpu.enqueue_indirect_dma source(%dma_start3A_268 : memref<10240x64xf32, #tpu.memory_space<vmem_shared>>) target(%arg12 : memref<128x64xf32, #tpu.memory_space<vmem>>) offsets(%dma_start3A_265 : memref<128xi32, #tpu.memory_space<vmem>>) semaphore(%arg18 : memref<!tpu.dma_semaphore, #tpu.memory_space<semaphore_mem>>)
      %dma_wait3A_269 = arith.constant 8 : i32
      %dma_wait3A_270 = arith.constant 0 : i32
      %dma_wait3A_271 = tpu.memref_slice %arg7[%dma_wait3A_269, %dma_wait3A_270] : memref<16x128xi32, #tpu.memory_space<vmem>> -> memref<1x128xi32, #tpu.memory_space<vmem>>
      %dma_wait3A_272 = tpu.memref_squeeze %dma_wait3A_271 : memref<1x128xi32, #tpu.memory_space<vmem>> -> memref<128xi32, #tpu.memory_space<vmem>>
      %dma_wait3A_273 = arith.constant 0 : i32
      %dma_wait3A_274 = arith.constant 0 : i32
      %dma_wait3A_275 = tpu.memref_slice %arg15[%dma_wait3A_273, %dma_wait3A_274] : memref<10240x64xf32, #tpu.memory_space<vmem_shared>> -> memref<10240x64xf32, #tpu.memory_space<vmem_shared>>
      tpu.wait_indirect_dma semaphore(%arg17 : memref<!tpu.dma_semaphore, #tpu.memory_space<semaphore_mem>>) src(%dma_wait3A_275 : memref<10240x64xf32, #tpu.memory_space<vmem_shared>>) dst(%arg11 : memref<128x64xf32, #tpu.memory_space<vmem>>)
      %dma_start3A_276 = arith.constant 8 : i32
      %dma_start3A_277 = arith.constant 0 : i32
      %dma_start3A_278 = tpu.memref_slice %arg9[%dma_start3A_276, %dma_start3A_277] : memref<16x128xi32, #tpu.memory_space<vmem>> -> memref<1x128xi32, #tpu.memory_space<vmem>>
      %dma_start3A_279 = tpu.memref_squeeze %dma_start3A_278 : memref<1x128xi32, #tpu.memory_space<vmem>> -> memref<128xi32, #tpu.memory_space<vmem>>
      %dma_start3A_280 = arith.constant 0 : i32
      %dma_start3A_281 = arith.constant 0 : i32
      %dma_start3A_282 = tpu.memref_slice %arg16[%dma_start3A_280, %dma_start3A_281] : memref<10240x64xf32, #tpu.memory_space<vmem_shared>> -> memref<10240x64xf32, #tpu.memory_space<vmem_shared>>
      tpu.enqueue_indirect_dma source(%arg11 : memref<128x64xf32, #tpu.memory_space<vmem>>) target(%dma_start3A_282 : memref<10240x64xf32, #tpu.memory_space<vmem_shared>>) offsets(%dma_start3A_279 : memref<128xi32, #tpu.memory_space<vmem>>) semaphore(%arg21 : memref<!tpu.dma_semaphore, #tpu.memory_space<semaphore_mem>>) {add = true}
      %dma_wait3A_283 = arith.constant 6 : i32
      %dma_wait3A_284 = arith.constant 0 : i32
      %dma_wait3A_285 = tpu.memref_slice %arg9[%dma_wait3A_283, %dma_wait3A_284] : memref<16x128xi32, #tpu.memory_space<vmem>> -> memref<1x128xi32, #tpu.memory_space<vmem>>
      %dma_wait3A_286 = tpu.memref_squeeze %dma_wait3A_285 : memref<1x128xi32, #tpu.memory_space<vmem>> -> memref<128xi32, #tpu.memory_space<vmem>>
      %dma_wait3A_287 = arith.constant 0 : i32
      %dma_wait3A_288 = arith.constant 0 : i32
      %dma_wait3A_289 = tpu.memref_slice %arg16[%dma_wait3A_287, %dma_wait3A_288] : memref<10240x64xf32, #tpu.memory_space<vmem_shared>> -> memref<10240x64xf32, #tpu.memory_space<vmem_shared>>
      tpu.wait_indirect_dma semaphore(%arg23 : memref<!tpu.dma_semaphore, #tpu.memory_space<semaphore_mem>>) src(%arg13 : memref<128x64xf32, #tpu.memory_space<vmem>>) dst(%dma_wait3A_289 : memref<10240x64xf32, #tpu.memory_space<vmem_shared>>)
      %dma_start3A_290 = arith.constant 10 : i32
      %dma_start3A_291 = arith.constant 0 : i32
      %dma_start3A_292 = tpu.memref_slice %arg7[%dma_start3A_290, %dma_start3A_291] : memref<16x128xi32, #tpu.memory_space<vmem>> -> memref<1x128xi32, #tpu.memory_space<vmem>>
      %dma_start3A_293 = tpu.memref_squeeze %dma_start3A_292 : memref<1x128xi32, #tpu.memory_space<vmem>> -> memref<128xi32, #tpu.memory_space<vmem>>
      %dma_start3A_294 = arith.constant 0 : i32
      %dma_start3A_295 = arith.constant 0 : i32
      %dma_start3A_296 = tpu.memref_slice %arg15[%dma_start3A_294, %dma_start3A_295] : memref<10240x64xf32, #tpu.memory_space<vmem_shared>> -> memref<10240x64xf32, #tpu.memory_space<vmem_shared>>
      tpu.enqueue_indirect_dma source(%dma_start3A_296 : memref<10240x64xf32, #tpu.memory_space<vmem_shared>>) target(%arg13 : memref<128x64xf32, #tpu.memory_space<vmem>>) offsets(%dma_start3A_293 : memref<128xi32, #tpu.memory_space<vmem>>) semaphore(%arg19 : memref<!tpu.dma_semaphore, #tpu.memory_space<semaphore_mem>>)
      %dma_wait3A_297 = arith.constant 9 : i32
      %dma_wait3A_298 = arith.constant 0 : i32
      %dma_wait3A_299 = tpu.memref_slice %arg7[%dma_wait3A_297, %dma_wait3A_298] : memref<16x128xi32, #tpu.memory_space<vmem>> -> memref<1x128xi32, #tpu.memory_space<vmem>>
      %dma_wait3A_300 = tpu.memref_squeeze %dma_wait3A_299 : memref<1x128xi32, #tpu.memory_space<vmem>> -> memref<128xi32, #tpu.memory_space<vmem>>
      %dma_wait3A_301 = arith.constant 0 : i32
      %dma_wait3A_302 = arith.constant 0 : i32
      %dma_wait3A_303 = tpu.memref_slice %arg15[%dma_wait3A_301, %dma_wait3A_302] : memref<10240x64xf32, #tpu.memory_space<vmem_shared>> -> memref<10240x64xf32, #tpu.memory_space<vmem_shared>>
      tpu.wait_indirect_dma semaphore(%arg18 : memref<!tpu.dma_semaphore, #tpu.memory_space<semaphore_mem>>) src(%dma_wait3A_303 : memref<10240x64xf32, #tpu.memory_space<vmem_shared>>) dst(%arg12 : memref<128x64xf32, #tpu.memory_space<vmem>>)
      %dma_start3A_304 = arith.constant 9 : i32
      %dma_start3A_305 = arith.constant 0 : i32
      %dma_start3A_306 = tpu.memref_slice %arg9[%dma_start3A_304, %dma_start3A_305] : memref<16x128xi32, #tpu.memory_space<vmem>> -> memref<1x128xi32, #tpu.memory_space<vmem>>
      %dma_start3A_307 = tpu.memref_squeeze %dma_start3A_306 : memref<1x128xi32, #tpu.memory_space<vmem>> -> memref<128xi32, #tpu.memory_space<vmem>>
      %dma_start3A_308 = arith.constant 0 : i32
      %dma_start3A_309 = arith.constant 0 : i32
      %dma_start3A_310 = tpu.memref_slice %arg16[%dma_start3A_308, %dma_start3A_309] : memref<10240x64xf32, #tpu.memory_space<vmem_shared>> -> memref<10240x64xf32, #tpu.memory_space<vmem_shared>>
      tpu.enqueue_indirect_dma source(%arg12 : memref<128x64xf32, #tpu.memory_space<vmem>>) target(%dma_start3A_310 : memref<10240x64xf32, #tpu.memory_space<vmem_shared>>) offsets(%dma_start3A_307 : memref<128xi32, #tpu.memory_space<vmem>>) semaphore(%arg22 : memref<!tpu.dma_semaphore, #tpu.memory_space<semaphore_mem>>) {add = true}
      %dma_wait3A_311 = arith.constant 7 : i32
      %dma_wait3A_312 = arith.constant 0 : i32
      %dma_wait3A_313 = tpu.memref_slice %arg9[%dma_wait3A_311, %dma_wait3A_312] : memref<16x128xi32, #tpu.memory_space<vmem>> -> memref<1x128xi32, #tpu.memory_space<vmem>>
      %dma_wait3A_314 = tpu.memref_squeeze %dma_wait3A_313 : memref<1x128xi32, #tpu.memory_space<vmem>> -> memref<128xi32, #tpu.memory_space<vmem>>
      %dma_wait3A_315 = arith.constant 0 : i32
      %dma_wait3A_316 = arith.constant 0 : i32
      %dma_wait3A_317 = tpu.memref_slice %arg16[%dma_wait3A_315, %dma_wait3A_316] : memref<10240x64xf32, #tpu.memory_space<vmem_shared>> -> memref<10240x64xf32, #tpu.memory_space<vmem_shared>>
      tpu.wait_indirect_dma semaphore(%arg24 : memref<!tpu.dma_semaphore, #tpu.memory_space<semaphore_mem>>) src(%arg14 : memref<128x64xf32, #tpu.memory_space<vmem>>) dst(%dma_wait3A_317 : memref<10240x64xf32, #tpu.memory_space<vmem_shared>>)
      %dma_start3A_318 = arith.constant 11 : i32
      %dma_start3A_319 = arith.constant 0 : i32
      %dma_start3A_320 = tpu.memref_slice %arg7[%dma_start3A_318, %dma_start3A_319] : memref<16x128xi32, #tpu.memory_space<vmem>> -> memref<1x128xi32, #tpu.memory_space<vmem>>
      %dma_start3A_321 = tpu.memref_squeeze %dma_start3A_320 : memref<1x128xi32, #tpu.memory_space<vmem>> -> memref<128xi32, #tpu.memory_space<vmem>>
      %dma_start3A_322 = arith.constant 0 : i32
      %dma_start3A_323 = arith.constant 0 : i32
      %dma_start3A_324 = tpu.memref_slice %arg15[%dma_start3A_322, %dma_start3A_323] : memref<10240x64xf32, #tpu.memory_space<vmem_shared>> -> memref<10240x64xf32, #tpu.memory_space<vmem_shared>>
      tpu.enqueue_indirect_dma source(%dma_start3A_324 : memref<10240x64xf32, #tpu.memory_space<vmem_shared>>) target(%arg14 : memref<128x64xf32, #tpu.memory_space<vmem>>) offsets(%dma_start3A_321 : memref<128xi32, #tpu.memory_space<vmem>>) semaphore(%arg20 : memref<!tpu.dma_semaphore, #tpu.memory_space<semaphore_mem>>)
      %dma_wait3A_325 = arith.constant 10 : i32
      %dma_wait3A_326 = arith.constant 0 : i32
      %dma_wait3A_327 = tpu.memref_slice %arg7[%dma_wait3A_325, %dma_wait3A_326] : memref<16x128xi32, #tpu.memory_space<vmem>> -> memref<1x128xi32, #tpu.memory_space<vmem>>
      %dma_wait3A_328 = tpu.memref_squeeze %dma_wait3A_327 : memref<1x128xi32, #tpu.memory_space<vmem>> -> memref<128xi32, #tpu.memory_space<vmem>>
      %dma_wait3A_329 = arith.constant 0 : i32
      %dma_wait3A_330 = arith.constant 0 : i32
      %dma_wait3A_331 = tpu.memref_slice %arg15[%dma_wait3A_329, %dma_wait3A_330] : memref<10240x64xf32, #tpu.memory_space<vmem_shared>> -> memref<10240x64xf32, #tpu.memory_space<vmem_shared>>
      tpu.wait_indirect_dma semaphore(%arg19 : memref<!tpu.dma_semaphore, #tpu.memory_space<semaphore_mem>>) src(%dma_wait3A_331 : memref<10240x64xf32, #tpu.memory_space<vmem_shared>>) dst(%arg13 : memref<128x64xf32, #tpu.memory_space<vmem>>)
      %dma_start3A_332 = arith.constant 10 : i32
      %dma_start3A_333 = arith.constant 0 : i32
      %dma_start3A_334 = tpu.memref_slice %arg9[%dma_start3A_332, %dma_start3A_333] : memref<16x128xi32, #tpu.memory_space<vmem>> -> memref<1x128xi32, #tpu.memory_space<vmem>>
      %dma_start3A_335 = tpu.memref_squeeze %dma_start3A_334 : memref<1x128xi32, #tpu.memory_space<vmem>> -> memref<128xi32, #tpu.memory_space<vmem>>
      %dma_start3A_336 = arith.constant 0 : i32
      %dma_start3A_337 = arith.constant 0 : i32
      %dma_start3A_338 = tpu.memref_slice %arg16[%dma_start3A_336, %dma_start3A_337] : memref<10240x64xf32, #tpu.memory_space<vmem_shared>> -> memref<10240x64xf32, #tpu.memory_space<vmem_shared>>
      tpu.enqueue_indirect_dma source(%arg13 : memref<128x64xf32, #tpu.memory_space<vmem>>) target(%dma_start3A_338 : memref<10240x64xf32, #tpu.memory_space<vmem_shared>>) offsets(%dma_start3A_335 : memref<128xi32, #tpu.memory_space<vmem>>) semaphore(%arg23 : memref<!tpu.dma_semaphore, #tpu.memory_space<semaphore_mem>>) {add = true}
      %dma_wait3A_339 = arith.constant 8 : i32
      %dma_wait3A_340 = arith.constant 0 : i32
      %dma_wait3A_341 = tpu.memref_slice %arg9[%dma_wait3A_339, %dma_wait3A_340] : memref<16x128xi32, #tpu.memory_space<vmem>> -> memref<1x128xi32, #tpu.memory_space<vmem>>
      %dma_wait3A_342 = tpu.memref_squeeze %dma_wait3A_341 : memref<1x128xi32, #tpu.memory_space<vmem>> -> memref<128xi32, #tpu.memory_space<vmem>>
      %dma_wait3A_343 = arith.constant 0 : i32
      %dma_wait3A_344 = arith.constant 0 : i32
      %dma_wait3A_345 = tpu.memref_slice %arg16[%dma_wait3A_343, %dma_wait3A_344] : memref<10240x64xf32, #tpu.memory_space<vmem_shared>> -> memref<10240x64xf32, #tpu.memory_space<vmem_shared>>
      tpu.wait_indirect_dma semaphore(%arg21 : memref<!tpu.dma_semaphore, #tpu.memory_space<semaphore_mem>>) src(%arg11 : memref<128x64xf32, #tpu.memory_space<vmem>>) dst(%dma_wait3A_345 : memref<10240x64xf32, #tpu.memory_space<vmem_shared>>)
      %dma_start3A_346 = arith.constant 12 : i32
      %dma_start3A_347 = arith.constant 0 : i32
      %dma_start3A_348 = tpu.memref_slice %arg7[%dma_start3A_346, %dma_start3A_347] : memref<16x128xi32, #tpu.memory_space<vmem>> -> memref<1x128xi32, #tpu.memory_space<vmem>>
      %dma_start3A_349 = tpu.memref_squeeze %dma_start3A_348 : memref<1x128xi32, #tpu.memory_space<vmem>> -> memref<128xi32, #tpu.memory_space<vmem>>
      %dma_start3A_350 = arith.constant 0 : i32
      %dma_start3A_351 = arith.constant 0 : i32
      %dma_start3A_352 = tpu.memref_slice %arg15[%dma_start3A_350, %dma_start3A_351] : memref<10240x64xf32, #tpu.memory_space<vmem_shared>> -> memref<10240x64xf32, #tpu.memory_space<vmem_shared>>
      tpu.enqueue_indirect_dma source(%dma_start3A_352 : memref<10240x64xf32, #tpu.memory_space<vmem_shared>>) target(%arg11 : memref<128x64xf32, #tpu.memory_space<vmem>>) offsets(%dma_start3A_349 : memref<128xi32, #tpu.memory_space<vmem>>) semaphore(%arg17 : memref<!tpu.dma_semaphore, #tpu.memory_space<semaphore_mem>>)
      %dma_wait3A_353 = arith.constant 11 : i32
      %dma_wait3A_354 = arith.constant 0 : i32
      %dma_wait3A_355 = tpu.memref_slice %arg7[%dma_wait3A_353, %dma_wait3A_354] : memref<16x128xi32, #tpu.memory_space<vmem>> -> memref<1x128xi32, #tpu.memory_space<vmem>>
      %dma_wait3A_356 = tpu.memref_squeeze %dma_wait3A_355 : memref<1x128xi32, #tpu.memory_space<vmem>> -> memref<128xi32, #tpu.memory_space<vmem>>
      %dma_wait3A_357 = arith.constant 0 : i32
      %dma_wait3A_358 = arith.constant 0 : i32
      %dma_wait3A_359 = tpu.memref_slice %arg15[%dma_wait3A_357, %dma_wait3A_358] : memref<10240x64xf32, #tpu.memory_space<vmem_shared>> -> memref<10240x64xf32, #tpu.memory_space<vmem_shared>>
      tpu.wait_indirect_dma semaphore(%arg20 : memref<!tpu.dma_semaphore, #tpu.memory_space<semaphore_mem>>) src(%dma_wait3A_359 : memref<10240x64xf32, #tpu.memory_space<vmem_shared>>) dst(%arg14 : memref<128x64xf32, #tpu.memory_space<vmem>>)
      %dma_start3A_360 = arith.constant 11 : i32
      %dma_start3A_361 = arith.constant 0 : i32
      %dma_start3A_362 = tpu.memref_slice %arg9[%dma_start3A_360, %dma_start3A_361] : memref<16x128xi32, #tpu.memory_space<vmem>> -> memref<1x128xi32, #tpu.memory_space<vmem>>
      %dma_start3A_363 = tpu.memref_squeeze %dma_start3A_362 : memref<1x128xi32, #tpu.memory_space<vmem>> -> memref<128xi32, #tpu.memory_space<vmem>>
      %dma_start3A_364 = arith.constant 0 : i32
      %dma_start3A_365 = arith.constant 0 : i32
      %dma_start3A_366 = tpu.memref_slice %arg16[%dma_start3A_364, %dma_start3A_365] : memref<10240x64xf32, #tpu.memory_space<vmem_shared>> -> memref<10240x64xf32, #tpu.memory_space<vmem_shared>>
      tpu.enqueue_indirect_dma source(%arg14 : memref<128x64xf32, #tpu.memory_space<vmem>>) target(%dma_start3A_366 : memref<10240x64xf32, #tpu.memory_space<vmem_shared>>) offsets(%dma_start3A_363 : memref<128xi32, #tpu.memory_space<vmem>>) semaphore(%arg24 : memref<!tpu.dma_semaphore, #tpu.memory_space<semaphore_mem>>) {add = true}
      %dma_wait3A_367 = arith.constant 9 : i32
      %dma_wait3A_368 = arith.constant 0 : i32
      %dma_wait3A_369 = tpu.memref_slice %arg9[%dma_wait3A_367, %dma_wait3A_368] : memref<16x128xi32, #tpu.memory_space<vmem>> -> memref<1x128xi32, #tpu.memory_space<vmem>>
      %dma_wait3A_370 = tpu.memref_squeeze %dma_wait3A_369 : memref<1x128xi32, #tpu.memory_space<vmem>> -> memref<128xi32, #tpu.memory_space<vmem>>
      %dma_wait3A_371 = arith.constant 0 : i32
      %dma_wait3A_372 = arith.constant 0 : i32
      %dma_wait3A_373 = tpu.memref_slice %arg16[%dma_wait3A_371, %dma_wait3A_372] : memref<10240x64xf32, #tpu.memory_space<vmem_shared>> -> memref<10240x64xf32, #tpu.memory_space<vmem_shared>>
      tpu.wait_indirect_dma semaphore(%arg22 : memref<!tpu.dma_semaphore, #tpu.memory_space<semaphore_mem>>) src(%arg12 : memref<128x64xf32, #tpu.memory_space<vmem>>) dst(%dma_wait3A_373 : memref<10240x64xf32, #tpu.memory_space<vmem_shared>>)
      %dma_start3A_374 = arith.constant 13 : i32
      %dma_start3A_375 = arith.constant 0 : i32
      %dma_start3A_376 = tpu.memref_slice %arg7[%dma_start3A_374, %dma_start3A_375] : memref<16x128xi32, #tpu.memory_space<vmem>> -> memref<1x128xi32, #tpu.memory_space<vmem>>
      %dma_start3A_377 = tpu.memref_squeeze %dma_start3A_376 : memref<1x128xi32, #tpu.memory_space<vmem>> -> memref<128xi32, #tpu.memory_space<vmem>>
      %dma_start3A_378 = arith.constant 0 : i32
      %dma_start3A_379 = arith.constant 0 : i32
      %dma_start3A_380 = tpu.memref_slice %arg15[%dma_start3A_378, %dma_start3A_379] : memref<10240x64xf32, #tpu.memory_space<vmem_shared>> -> memref<10240x64xf32, #tpu.memory_space<vmem_shared>>
      tpu.enqueue_indirect_dma source(%dma_start3A_380 : memref<10240x64xf32, #tpu.memory_space<vmem_shared>>) target(%arg12 : memref<128x64xf32, #tpu.memory_space<vmem>>) offsets(%dma_start3A_377 : memref<128xi32, #tpu.memory_space<vmem>>) semaphore(%arg18 : memref<!tpu.dma_semaphore, #tpu.memory_space<semaphore_mem>>)
      %dma_wait3A_381 = arith.constant 12 : i32
      %dma_wait3A_382 = arith.constant 0 : i32
      %dma_wait3A_383 = tpu.memref_slice %arg7[%dma_wait3A_381, %dma_wait3A_382] : memref<16x128xi32, #tpu.memory_space<vmem>> -> memref<1x128xi32, #tpu.memory_space<vmem>>
      %dma_wait3A_384 = tpu.memref_squeeze %dma_wait3A_383 : memref<1x128xi32, #tpu.memory_space<vmem>> -> memref<128xi32, #tpu.memory_space<vmem>>
      %dma_wait3A_385 = arith.constant 0 : i32
      %dma_wait3A_386 = arith.constant 0 : i32
      %dma_wait3A_387 = tpu.memref_slice %arg15[%dma_wait3A_385, %dma_wait3A_386] : memref<10240x64xf32, #tpu.memory_space<vmem_shared>> -> memref<10240x64xf32, #tpu.memory_space<vmem_shared>>
      tpu.wait_indirect_dma semaphore(%arg17 : memref<!tpu.dma_semaphore, #tpu.memory_space<semaphore_mem>>) src(%dma_wait3A_387 : memref<10240x64xf32, #tpu.memory_space<vmem_shared>>) dst(%arg11 : memref<128x64xf32, #tpu.memory_space<vmem>>)
      %dma_start3A_388 = arith.constant 12 : i32
      %dma_start3A_389 = arith.constant 0 : i32
      %dma_start3A_390 = tpu.memref_slice %arg9[%dma_start3A_388, %dma_start3A_389] : memref<16x128xi32, #tpu.memory_space<vmem>> -> memref<1x128xi32, #tpu.memory_space<vmem>>
      %dma_start3A_391 = tpu.memref_squeeze %dma_start3A_390 : memref<1x128xi32, #tpu.memory_space<vmem>> -> memref<128xi32, #tpu.memory_space<vmem>>
      %dma_start3A_392 = arith.constant 0 : i32
      %dma_start3A_393 = arith.constant 0 : i32
      %dma_start3A_394 = tpu.memref_slice %arg16[%dma_start3A_392, %dma_start3A_393] : memref<10240x64xf32, #tpu.memory_space<vmem_shared>> -> memref<10240x64xf32, #tpu.memory_space<vmem_shared>>
      tpu.enqueue_indirect_dma source(%arg11 : memref<128x64xf32, #tpu.memory_space<vmem>>) target(%dma_start3A_394 : memref<10240x64xf32, #tpu.memory_space<vmem_shared>>) offsets(%dma_start3A_391 : memref<128xi32, #tpu.memory_space<vmem>>) semaphore(%arg21 : memref<!tpu.dma_semaphore, #tpu.memory_space<semaphore_mem>>) {add = true}
      %dma_wait3A_395 = arith.constant 10 : i32
      %dma_wait3A_396 = arith.constant 0 : i32
      %dma_wait3A_397 = tpu.memref_slice %arg9[%dma_wait3A_395, %dma_wait3A_396] : memref<16x128xi32, #tpu.memory_space<vmem>> -> memref<1x128xi32, #tpu.memory_space<vmem>>
      %dma_wait3A_398 = tpu.memref_squeeze %dma_wait3A_397 : memref<1x128xi32, #tpu.memory_space<vmem>> -> memref<128xi32, #tpu.memory_space<vmem>>
      %dma_wait3A_399 = arith.constant 0 : i32
      %dma_wait3A_400 = arith.constant 0 : i32
      %dma_wait3A_401 = tpu.memref_slice %arg16[%dma_wait3A_399, %dma_wait3A_400] : memref<10240x64xf32, #tpu.memory_space<vmem_shared>> -> memref<10240x64xf32, #tpu.memory_space<vmem_shared>>
      tpu.wait_indirect_dma semaphore(%arg23 : memref<!tpu.dma_semaphore, #tpu.memory_space<semaphore_mem>>) src(%arg13 : memref<128x64xf32, #tpu.memory_space<vmem>>) dst(%dma_wait3A_401 : memref<10240x64xf32, #tpu.memory_space<vmem_shared>>)
      %dma_start3A_402 = arith.constant 14 : i32
      %dma_start3A_403 = arith.constant 0 : i32
      %dma_start3A_404 = tpu.memref_slice %arg7[%dma_start3A_402, %dma_start3A_403] : memref<16x128xi32, #tpu.memory_space<vmem>> -> memref<1x128xi32, #tpu.memory_space<vmem>>
      %dma_start3A_405 = tpu.memref_squeeze %dma_start3A_404 : memref<1x128xi32, #tpu.memory_space<vmem>> -> memref<128xi32, #tpu.memory_space<vmem>>
      %dma_start3A_406 = arith.constant 0 : i32
      %dma_start3A_407 = arith.constant 0 : i32
      %dma_start3A_408 = tpu.memref_slice %arg15[%dma_start3A_406, %dma_start3A_407] : memref<10240x64xf32, #tpu.memory_space<vmem_shared>> -> memref<10240x64xf32, #tpu.memory_space<vmem_shared>>
      tpu.enqueue_indirect_dma source(%dma_start3A_408 : memref<10240x64xf32, #tpu.memory_space<vmem_shared>>) target(%arg13 : memref<128x64xf32, #tpu.memory_space<vmem>>) offsets(%dma_start3A_405 : memref<128xi32, #tpu.memory_space<vmem>>) semaphore(%arg19 : memref<!tpu.dma_semaphore, #tpu.memory_space<semaphore_mem>>)
      %dma_wait3A_409 = arith.constant 13 : i32
      %dma_wait3A_410 = arith.constant 0 : i32
      %dma_wait3A_411 = tpu.memref_slice %arg7[%dma_wait3A_409, %dma_wait3A_410] : memref<16x128xi32, #tpu.memory_space<vmem>> -> memref<1x128xi32, #tpu.memory_space<vmem>>
      %dma_wait3A_412 = tpu.memref_squeeze %dma_wait3A_411 : memref<1x128xi32, #tpu.memory_space<vmem>> -> memref<128xi32, #tpu.memory_space<vmem>>
      %dma_wait3A_413 = arith.constant 0 : i32
      %dma_wait3A_414 = arith.constant 0 : i32
      %dma_wait3A_415 = tpu.memref_slice %arg15[%dma_wait3A_413, %dma_wait3A_414] : memref<10240x64xf32, #tpu.memory_space<vmem_shared>> -> memref<10240x64xf32, #tpu.memory_space<vmem_shared>>
      tpu.wait_indirect_dma semaphore(%arg18 : memref<!tpu.dma_semaphore, #tpu.memory_space<semaphore_mem>>) src(%dma_wait3A_415 : memref<10240x64xf32, #tpu.memory_space<vmem_shared>>) dst(%arg12 : memref<128x64xf32, #tpu.memory_space<vmem>>)
      %dma_start3A_416 = arith.constant 13 : i32
      %dma_start3A_417 = arith.constant 0 : i32
      %dma_start3A_418 = tpu.memref_slice %arg9[%dma_start3A_416, %dma_start3A_417] : memref<16x128xi32, #tpu.memory_space<vmem>> -> memref<1x128xi32, #tpu.memory_space<vmem>>
      %dma_start3A_419 = tpu.memref_squeeze %dma_start3A_418 : memref<1x128xi32, #tpu.memory_space<vmem>> -> memref<128xi32, #tpu.memory_space<vmem>>
      %dma_start3A_420 = arith.constant 0 : i32
      %dma_start3A_421 = arith.constant 0 : i32
      %dma_start3A_422 = tpu.memref_slice %arg16[%dma_start3A_420, %dma_start3A_421] : memref<10240x64xf32, #tpu.memory_space<vmem_shared>> -> memref<10240x64xf32, #tpu.memory_space<vmem_shared>>
      tpu.enqueue_indirect_dma source(%arg12 : memref<128x64xf32, #tpu.memory_space<vmem>>) target(%dma_start3A_422 : memref<10240x64xf32, #tpu.memory_space<vmem_shared>>) offsets(%dma_start3A_419 : memref<128xi32, #tpu.memory_space<vmem>>) semaphore(%arg22 : memref<!tpu.dma_semaphore, #tpu.memory_space<semaphore_mem>>) {add = true}
      %dma_wait3A_423 = arith.constant 11 : i32
      %dma_wait3A_424 = arith.constant 0 : i32
      %dma_wait3A_425 = tpu.memref_slice %arg9[%dma_wait3A_423, %dma_wait3A_424] : memref<16x128xi32, #tpu.memory_space<vmem>> -> memref<1x128xi32, #tpu.memory_space<vmem>>
      %dma_wait3A_426 = tpu.memref_squeeze %dma_wait3A_425 : memref<1x128xi32, #tpu.memory_space<vmem>> -> memref<128xi32, #tpu.memory_space<vmem>>
      %dma_wait3A_427 = arith.constant 0 : i32
      %dma_wait3A_428 = arith.constant 0 : i32
      %dma_wait3A_429 = tpu.memref_slice %arg16[%dma_wait3A_427, %dma_wait3A_428] : memref<10240x64xf32, #tpu.memory_space<vmem_shared>> -> memref<10240x64xf32, #tpu.memory_space<vmem_shared>>
      tpu.wait_indirect_dma semaphore(%arg24 : memref<!tpu.dma_semaphore, #tpu.memory_space<semaphore_mem>>) src(%arg14 : memref<128x64xf32, #tpu.memory_space<vmem>>) dst(%dma_wait3A_429 : memref<10240x64xf32, #tpu.memory_space<vmem_shared>>)
      %dma_start3A_430 = arith.constant 15 : i32
      %dma_start3A_431 = arith.constant 0 : i32
      %dma_start3A_432 = tpu.memref_slice %arg7[%dma_start3A_430, %dma_start3A_431] : memref<16x128xi32, #tpu.memory_space<vmem>> -> memref<1x128xi32, #tpu.memory_space<vmem>>
      %dma_start3A_433 = tpu.memref_squeeze %dma_start3A_432 : memref<1x128xi32, #tpu.memory_space<vmem>> -> memref<128xi32, #tpu.memory_space<vmem>>
      %dma_start3A_434 = arith.constant 0 : i32
      %dma_start3A_435 = arith.constant 0 : i32
      %dma_start3A_436 = tpu.memref_slice %arg15[%dma_start3A_434, %dma_start3A_435] : memref<10240x64xf32, #tpu.memory_space<vmem_shared>> -> memref<10240x64xf32, #tpu.memory_space<vmem_shared>>
      tpu.enqueue_indirect_dma source(%dma_start3A_436 : memref<10240x64xf32, #tpu.memory_space<vmem_shared>>) target(%arg14 : memref<128x64xf32, #tpu.memory_space<vmem>>) offsets(%dma_start3A_433 : memref<128xi32, #tpu.memory_space<vmem>>) semaphore(%arg20 : memref<!tpu.dma_semaphore, #tpu.memory_space<semaphore_mem>>)
      %dma_wait3A_437 = arith.constant 14 : i32
      %dma_wait3A_438 = arith.constant 0 : i32
      %dma_wait3A_439 = tpu.memref_slice %arg7[%dma_wait3A_437, %dma_wait3A_438] : memref<16x128xi32, #tpu.memory_space<vmem>> -> memref<1x128xi32, #tpu.memory_space<vmem>>
      %dma_wait3A_440 = tpu.memref_squeeze %dma_wait3A_439 : memref<1x128xi32, #tpu.memory_space<vmem>> -> memref<128xi32, #tpu.memory_space<vmem>>
      %dma_wait3A_441 = arith.constant 0 : i32
      %dma_wait3A_442 = arith.constant 0 : i32
      %dma_wait3A_443 = tpu.memref_slice %arg15[%dma_wait3A_441, %dma_wait3A_442] : memref<10240x64xf32, #tpu.memory_space<vmem_shared>> -> memref<10240x64xf32, #tpu.memory_space<vmem_shared>>
      tpu.wait_indirect_dma semaphore(%arg19 : memref<!tpu.dma_semaphore, #tpu.memory_space<semaphore_mem>>) src(%dma_wait3A_443 : memref<10240x64xf32, #tpu.memory_space<vmem_shared>>) dst(%arg13 : memref<128x64xf32, #tpu.memory_space<vmem>>)
      %dma_start3A_444 = arith.constant 14 : i32
      %dma_start3A_445 = arith.constant 0 : i32
      %dma_start3A_446 = tpu.memref_slice %arg9[%dma_start3A_444, %dma_start3A_445] : memref<16x128xi32, #tpu.memory_space<vmem>> -> memref<1x128xi32, #tpu.memory_space<vmem>>
      %dma_start3A_447 = tpu.memref_squeeze %dma_start3A_446 : memref<1x128xi32, #tpu.memory_space<vmem>> -> memref<128xi32, #tpu.memory_space<vmem>>
      %dma_start3A_448 = arith.constant 0 : i32
      %dma_start3A_449 = arith.constant 0 : i32
      %dma_start3A_450 = tpu.memref_slice %arg16[%dma_start3A_448, %dma_start3A_449] : memref<10240x64xf32, #tpu.memory_space<vmem_shared>> -> memref<10240x64xf32, #tpu.memory_space<vmem_shared>>
      tpu.enqueue_indirect_dma source(%arg13 : memref<128x64xf32, #tpu.memory_space<vmem>>) target(%dma_start3A_450 : memref<10240x64xf32, #tpu.memory_space<vmem_shared>>) offsets(%dma_start3A_447 : memref<128xi32, #tpu.memory_space<vmem>>) semaphore(%arg23 : memref<!tpu.dma_semaphore, #tpu.memory_space<semaphore_mem>>) {add = true}
      %dma_wait3A_451 = arith.constant 15 : i32
      %dma_wait3A_452 = arith.constant 0 : i32
      %dma_wait3A_453 = tpu.memref_slice %arg7[%dma_wait3A_451, %dma_wait3A_452] : memref<16x128xi32, #tpu.memory_space<vmem>> -> memref<1x128xi32, #tpu.memory_space<vmem>>
      %dma_wait3A_454 = tpu.memref_squeeze %dma_wait3A_453 : memref<1x128xi32, #tpu.memory_space<vmem>> -> memref<128xi32, #tpu.memory_space<vmem>>
      %dma_wait3A_455 = arith.constant 0 : i32
      %dma_wait3A_456 = arith.constant 0 : i32
      %dma_wait3A_457 = tpu.memref_slice %arg15[%dma_wait3A_455, %dma_wait3A_456] : memref<10240x64xf32, #tpu.memory_space<vmem_shared>> -> memref<10240x64xf32, #tpu.memory_space<vmem_shared>>
      tpu.wait_indirect_dma semaphore(%arg20 : memref<!tpu.dma_semaphore, #tpu.memory_space<semaphore_mem>>) src(%dma_wait3A_457 : memref<10240x64xf32, #tpu.memory_space<vmem_shared>>) dst(%arg14 : memref<128x64xf32, #tpu.memory_space<vmem>>)
      %dma_start3A_458 = arith.constant 15 : i32
      %dma_start3A_459 = arith.constant 0 : i32
      %dma_start3A_460 = tpu.memref_slice %arg9[%dma_start3A_458, %dma_start3A_459] : memref<16x128xi32, #tpu.memory_space<vmem>> -> memref<1x128xi32, #tpu.memory_space<vmem>>
      %dma_start3A_461 = tpu.memref_squeeze %dma_start3A_460 : memref<1x128xi32, #tpu.memory_space<vmem>> -> memref<128xi32, #tpu.memory_space<vmem>>
      %dma_start3A_462 = arith.constant 0 : i32
      %dma_start3A_463 = arith.constant 0 : i32
      %dma_start3A_464 = tpu.memref_slice %arg16[%dma_start3A_462, %dma_start3A_463] : memref<10240x64xf32, #tpu.memory_space<vmem_shared>> -> memref<10240x64xf32, #tpu.memory_space<vmem_shared>>
      tpu.enqueue_indirect_dma source(%arg14 : memref<128x64xf32, #tpu.memory_space<vmem>>) target(%dma_start3A_464 : memref<10240x64xf32, #tpu.memory_space<vmem_shared>>) offsets(%dma_start3A_461 : memref<128xi32, #tpu.memory_space<vmem>>) semaphore(%arg24 : memref<!tpu.dma_semaphore, #tpu.memory_space<semaphore_mem>>) {add = true}
      %dma_wait3A_465 = arith.constant 12 : i32
      %dma_wait3A_466 = arith.constant 0 : i32
      %dma_wait3A_467 = tpu.memref_slice %arg9[%dma_wait3A_465, %dma_wait3A_466] : memref<16x128xi32, #tpu.memory_space<vmem>> -> memref<1x128xi32, #tpu.memory_space<vmem>>
      %dma_wait3A_468 = tpu.memref_squeeze %dma_wait3A_467 : memref<1x128xi32, #tpu.memory_space<vmem>> -> memref<128xi32, #tpu.memory_space<vmem>>
      %dma_wait3A_469 = arith.constant 0 : i32
      %dma_wait3A_470 = arith.constant 0 : i32
      %dma_wait3A_471 = tpu.memref_slice %arg16[%dma_wait3A_469, %dma_wait3A_470] : memref<10240x64xf32, #tpu.memory_space<vmem_shared>> -> memref<10240x64xf32, #tpu.memory_space<vmem_shared>>
      tpu.wait_indirect_dma semaphore(%arg21 : memref<!tpu.dma_semaphore, #tpu.memory_space<semaphore_mem>>) src(%arg11 : memref<128x64xf32, #tpu.memory_space<vmem>>) dst(%dma_wait3A_471 : memref<10240x64xf32, #tpu.memory_space<vmem_shared>>)
      %dma_wait3A_472 = arith.constant 13 : i32
      %dma_wait3A_473 = arith.constant 0 : i32
      %dma_wait3A_474 = tpu.memref_slice %arg9[%dma_wait3A_472, %dma_wait3A_473] : memref<16x128xi32, #tpu.memory_space<vmem>> -> memref<1x128xi32, #tpu.memory_space<vmem>>
      %dma_wait3A_475 = tpu.memref_squeeze %dma_wait3A_474 : memref<1x128xi32, #tpu.memory_space<vmem>> -> memref<128xi32, #tpu.memory_space<vmem>>
      %dma_wait3A_476 = arith.constant 0 : i32
      %dma_wait3A_477 = arith.constant 0 : i32
      %dma_wait3A_478 = tpu.memref_slice %arg16[%dma_wait3A_476, %dma_wait3A_477] : memref<10240x64xf32, #tpu.memory_space<vmem_shared>> -> memref<10240x64xf32, #tpu.memory_space<vmem_shared>>
      tpu.wait_indirect_dma semaphore(%arg22 : memref<!tpu.dma_semaphore, #tpu.memory_space<semaphore_mem>>) src(%arg12 : memref<128x64xf32, #tpu.memory_space<vmem>>) dst(%dma_wait3A_478 : memref<10240x64xf32, #tpu.memory_space<vmem_shared>>)
      %dma_wait3A_479 = arith.constant 14 : i32
      %dma_wait3A_480 = arith.constant 0 : i32
      %dma_wait3A_481 = tpu.memref_slice %arg9[%dma_wait3A_479, %dma_wait3A_480] : memref<16x128xi32, #tpu.memory_space<vmem>> -> memref<1x128xi32, #tpu.memory_space<vmem>>
      %dma_wait3A_482 = tpu.memref_squeeze %dma_wait3A_481 : memref<1x128xi32, #tpu.memory_space<vmem>> -> memref<128xi32, #tpu.memory_space<vmem>>
      %dma_wait3A_483 = arith.constant 0 : i32
      %dma_wait3A_484 = arith.constant 0 : i32
      %dma_wait3A_485 = tpu.memref_slice %arg16[%dma_wait3A_483, %dma_wait3A_484] : memref<10240x64xf32, #tpu.memory_space<vmem_shared>> -> memref<10240x64xf32, #tpu.memory_space<vmem_shared>>
      tpu.wait_indirect_dma semaphore(%arg23 : memref<!tpu.dma_semaphore, #tpu.memory_space<semaphore_mem>>) src(%arg13 : memref<128x64xf32, #tpu.memory_space<vmem>>) dst(%dma_wait3A_485 : memref<10240x64xf32, #tpu.memory_space<vmem_shared>>)
      %dma_wait3A_486 = arith.constant 15 : i32
      %dma_wait3A_487 = arith.constant 0 : i32
      %dma_wait3A_488 = tpu.memref_slice %arg9[%dma_wait3A_486, %dma_wait3A_487] : memref<16x128xi32, #tpu.memory_space<vmem>> -> memref<1x128xi32, #tpu.memory_space<vmem>>
      %dma_wait3A_489 = tpu.memref_squeeze %dma_wait3A_488 : memref<1x128xi32, #tpu.memory_space<vmem>> -> memref<128xi32, #tpu.memory_space<vmem>>
      %dma_wait3A_490 = arith.constant 0 : i32
      %dma_wait3A_491 = arith.constant 0 : i32
      %dma_wait3A_492 = tpu.memref_slice %arg16[%dma_wait3A_490, %dma_wait3A_491] : memref<10240x64xf32, #tpu.memory_space<vmem_shared>> -> memref<10240x64xf32, #tpu.memory_space<vmem_shared>>
      tpu.wait_indirect_dma semaphore(%arg24 : memref<!tpu.dma_semaphore, #tpu.memory_space<semaphore_mem>>) src(%arg14 : memref<128x64xf32, #tpu.memory_space<vmem>>) dst(%dma_wait3A_492 : memref<10240x64xf32, #tpu.memory_space<vmem_shared>>)
      %add3A_493 = arith.constant 1 : i32
      %add3A_494 = arith.addi %mul3A_41, %add3A_493 : i32
      %lt3A_495 = arith.constant 10 : i32
      %lt3A_496 = arith.cmpi slt, %add3A_494, %lt3A_495 : i32
      %convert_element_type3A_497 = arith.extui %lt3A_496 : i1 to i32
      %cond3A_498 = arith.constant 0 : i32
      %cond3A_499 = arith.cmpi ne, %convert_element_type3A_497, %cond3A_498 : i32
      scf.if %cond3A_499 {
        %add3A_967 = arith.constant 1 : i32
        %add3A_968 = arith.addi %mul3A_41, %add3A_967 : i32
        %mul3A_969 = arith.constant 16 : i32
        %mul3A_970 = arith.muli %add3A_968, %mul3A_969 : i32
        %dma_wait3A_971 = arith.constant 0 : i32
        %dma_wait3A_972 = tpu.memref_slice %arg5[%arg1, %mul3A_970, %dma_wait3A_971] : memref<16x160x128xi32, #tpu.memory_space<hbm>> -> memref<1x16x128xi32, #tpu.memory_space<hbm>>
        %dma_wait3A_973 = tpu.memref_squeeze %dma_wait3A_972 : memref<1x16x128xi32, #tpu.memory_space<hbm>> -> memref<16x128xi32, #tpu.memory_space<hbm>>
        %dma_wait3A_974 = arith.constant 0 : i32
        %dma_wait3A_975 = tpu.memref_slice %arg5[%arg1, %mul3A_970, %dma_wait3A_974] : memref<16x160x128xi32, #tpu.memory_space<hbm>> -> memref<1x16x128xi32, #tpu.memory_space<hbm>>
        %dma_wait3A_976 = tpu.memref_squeeze %dma_wait3A_975 : memref<1x16x128xi32, #tpu.memory_space<hbm>> -> memref<16x128xi32, #tpu.memory_space<hbm>>
        tpu.wait_dma2 semaphore(%arg25 : memref<!tpu.dma_semaphore, #tpu.memory_space<semaphore_mem>>) src(%dma_wait3A_976 : memref<16x128xi32, #tpu.memory_space<hbm>>) dst(%arg8 : memref<16x128xi32, #tpu.memory_space<vmem>>)
        %add3A_977 = arith.constant 1 : i32
        %add3A_978 = arith.addi %mul3A_41, %add3A_977 : i32
        %mul3A_979 = arith.constant 16 : i32
        %mul3A_980 = arith.muli %add3A_978, %mul3A_979 : i32
        %dma_wait3A_981 = arith.constant 0 : i32
        %dma_wait3A_982 = tpu.memref_slice %arg4[%arg1, %mul3A_980, %dma_wait3A_981] : memref<16x160x128xi32, #tpu.memory_space<hbm>> -> memref<1x16x128xi32, #tpu.memory_space<hbm>>
        %dma_wait3A_983 = tpu.memref_squeeze %dma_wait3A_982 : memref<1x16x128xi32, #tpu.memory_space<hbm>> -> memref<16x128xi32, #tpu.memory_space<hbm>>
        %dma_wait3A_984 = arith.constant 0 : i32
        %dma_wait3A_985 = tpu.memref_slice %arg4[%arg1, %mul3A_980, %dma_wait3A_984] : memref<16x160x128xi32, #tpu.memory_space<hbm>> -> memref<1x16x128xi32, #tpu.memory_space<hbm>>
        %dma_wait3A_986 = tpu.memref_squeeze %dma_wait3A_985 : memref<1x16x128xi32, #tpu.memory_space<hbm>> -> memref<16x128xi32, #tpu.memory_space<hbm>>
        tpu.wait_dma2 semaphore(%arg25 : memref<!tpu.dma_semaphore, #tpu.memory_space<semaphore_mem>>) src(%dma_wait3A_986 : memref<16x128xi32, #tpu.memory_space<hbm>>) dst(%arg10 : memref<16x128xi32, #tpu.memory_space<vmem>>)
      } else {
      }
      %mul3A_500 = arith.constant 2 : i32
      %mul3A_501 = arith.muli %mul3A_500, %scan3A_38 : i32
      %add3A_502 = arith.constant 1 : i32
      %add3A_503 = arith.addi %mul3A_501, %add3A_502 : i32
      %add3A_504 = arith.constant 1 : i32
      %add3A_505 = arith.addi %add3A_503, %add3A_504 : i32
      %lt3A_506 = arith.constant 10 : i32
      %lt3A_507 = arith.cmpi slt, %add3A_505, %lt3A_506 : i32
      %convert_element_type3A_508 = arith.extui %lt3A_507 : i1 to i32
      %cond3A_509 = arith.constant 0 : i32
      %cond3A_510 = arith.cmpi ne, %convert_element_type3A_508, %cond3A_509 : i32
      scf.if %cond3A_510 {
        %add3A_967 = arith.constant 1 : i32
        %add3A_968 = arith.addi %add3A_503, %add3A_967 : i32
        %mul3A_969 = arith.constant 16 : i32
        %mul3A_970 = arith.muli %add3A_968, %mul3A_969 : i32
        %dma_start3A_971 = arith.constant 0 : i32
        %dma_start3A_972 = tpu.memref_slice %arg5[%arg1, %mul3A_970, %dma_start3A_971] : memref<16x160x128xi32, #tpu.memory_space<hbm>> -> memref<1x16x128xi32, #tpu.memory_space<hbm>>
        %dma_start3A_973 = tpu.memref_squeeze %dma_start3A_972 : memref<1x16x128xi32, #tpu.memory_space<hbm>> -> memref<16x128xi32, #tpu.memory_space<hbm>>
        %dma_start3A_974 = arith.constant 0 : i32
        %dma_start3A_975 = tpu.memref_slice %arg5[%arg1, %mul3A_970, %dma_start3A_974] : memref<16x160x128xi32, #tpu.memory_space<hbm>> -> memref<1x16x128xi32, #tpu.memory_space<hbm>>
        %dma_start3A_976 = tpu.memref_squeeze %dma_start3A_975 : memref<1x16x128xi32, #tpu.memory_space<hbm>> -> memref<16x128xi32, #tpu.memory_space<hbm>>
        tpu.enqueue_dma source(%dma_start3A_976 : memref<16x128xi32, #tpu.memory_space<hbm>>) target(%arg7 : memref<16x128xi32, #tpu.memory_space<vmem>>) target_semaphore(%arg25 : memref<!tpu.dma_semaphore, #tpu.memory_space<semaphore_mem>>)
        %add3A_977 = arith.constant 1 : i32
        %add3A_978 = arith.addi %add3A_503, %add3A_977 : i32
        %mul3A_979 = arith.constant 16 : i32
        %mul3A_980 = arith.muli %add3A_978, %mul3A_979 : i32
        %dma_start3A_981 = arith.constant 0 : i32
        %dma_start3A_982 = tpu.memref_slice %arg4[%arg1, %mul3A_980, %dma_start3A_981] : memref<16x160x128xi32, #tpu.memory_space<hbm>> -> memref<1x16x128xi32, #tpu.memory_space<hbm>>
        %dma_start3A_983 = tpu.memref_squeeze %dma_start3A_982 : memref<1x16x128xi32, #tpu.memory_space<hbm>> -> memref<16x128xi32, #tpu.memory_space<hbm>>
        %dma_start3A_984 = arith.constant 0 : i32
        %dma_start3A_985 = tpu.memref_slice %arg4[%arg1, %mul3A_980, %dma_start3A_984] : memref<16x160x128xi32, #tpu.memory_space<hbm>> -> memref<1x16x128xi32, #tpu.memory_space<hbm>>
        %dma_start3A_986 = tpu.memref_squeeze %dma_start3A_985 : memref<1x16x128xi32, #tpu.memory_space<hbm>> -> memref<16x128xi32, #tpu.memory_space<hbm>>
        tpu.enqueue_dma source(%dma_start3A_986 : memref<16x128xi32, #tpu.memory_space<hbm>>) target(%arg9 : memref<16x128xi32, #tpu.memory_space<vmem>>) target_semaphore(%arg25 : memref<!tpu.dma_semaphore, #tpu.memory_space<semaphore_mem>>)
      } else {
      }
      %dma_start3A_511 = arith.constant 0 : i32
      %dma_start3A_512 = arith.constant 0 : i32
      %dma_start3A_513 = tpu.memref_slice %arg8[%dma_start3A_511, %dma_start3A_512] : memref<16x128xi32, #tpu.memory_space<vmem>> -> memref<1x128xi32, #tpu.memory_space<vmem>>
      %dma_start3A_514 = tpu.memref_squeeze %dma_start3A_513 : memref<1x128xi32, #tpu.memory_space<vmem>> -> memref<128xi32, #tpu.memory_space<vmem>>
      %dma_start3A_515 = arith.constant 0 : i32
      %dma_start3A_516 = arith.constant 0 : i32
      %dma_start3A_517 = tpu.memref_slice %arg15[%dma_start3A_515, %dma_start3A_516] : memref<10240x64xf32, #tpu.memory_space<vmem_shared>> -> memref<10240x64xf32, #tpu.memory_space<vmem_shared>>
      tpu.enqueue_indirect_dma source(%dma_start3A_517 : memref<10240x64xf32, #tpu.memory_space<vmem_shared>>) target(%arg11 : memref<128x64xf32, #tpu.memory_space<vmem>>) offsets(%dma_start3A_514 : memref<128xi32, #tpu.memory_space<vmem>>) semaphore(%arg17 : memref<!tpu.dma_semaphore, #tpu.memory_space<semaphore_mem>>)
      %dma_start3A_518 = arith.constant 1 : i32
      %dma_start3A_519 = arith.constant 0 : i32
      %dma_start3A_520 = tpu.memref_slice %arg8[%dma_start3A_518, %dma_start3A_519] : memref<16x128xi32, #tpu.memory_space<vmem>> -> memref<1x128xi32, #tpu.memory_space<vmem>>
      %dma_start3A_521 = tpu.memref_squeeze %dma_start3A_520 : memref<1x128xi32, #tpu.memory_space<vmem>> -> memref<128xi32, #tpu.memory_space<vmem>>
      %dma_start3A_522 = arith.constant 0 : i32
      %dma_start3A_523 = arith.constant 0 : i32
      %dma_start3A_524 = tpu.memref_slice %arg15[%dma_start3A_522, %dma_start3A_523] : memref<10240x64xf32, #tpu.memory_space<vmem_shared>> -> memref<10240x64xf32, #tpu.memory_space<vmem_shared>>
      tpu.enqueue_indirect_dma source(%dma_start3A_524 : memref<10240x64xf32, #tpu.memory_space<vmem_shared>>) target(%arg12 : memref<128x64xf32, #tpu.memory_space<vmem>>) offsets(%dma_start3A_521 : memref<128xi32, #tpu.memory_space<vmem>>) semaphore(%arg18 : memref<!tpu.dma_semaphore, #tpu.memory_space<semaphore_mem>>)
      %dma_wait3A_525 = arith.constant 0 : i32
      %dma_wait3A_526 = arith.constant 0 : i32
      %dma_wait3A_527 = tpu.memref_slice %arg8[%dma_wait3A_525, %dma_wait3A_526] : memref<16x128xi32, #tpu.memory_space<vmem>> -> memref<1x128xi32, #tpu.memory_space<vmem>>
      %dma_wait3A_528 = tpu.memref_squeeze %dma_wait3A_527 : memref<1x128xi32, #tpu.memory_space<vmem>> -> memref<128xi32, #tpu.memory_space<vmem>>
      %dma_wait3A_529 = arith.constant 0 : i32
      %dma_wait3A_530 = arith.constant 0 : i32
      %dma_wait3A_531 = tpu.memref_slice %arg15[%dma_wait3A_529, %dma_wait3A_530] : memref<10240x64xf32, #tpu.memory_space<vmem_shared>> -> memref<10240x64xf32, #tpu.memory_space<vmem_shared>>
      tpu.wait_indirect_dma semaphore(%arg17 : memref<!tpu.dma_semaphore, #tpu.memory_space<semaphore_mem>>) src(%dma_wait3A_531 : memref<10240x64xf32, #tpu.memory_space<vmem_shared>>) dst(%arg11 : memref<128x64xf32, #tpu.memory_space<vmem>>)
      %dma_start3A_532 = arith.constant 0 : i32
      %dma_start3A_533 = arith.constant 0 : i32
      %dma_start3A_534 = tpu.memref_slice %arg10[%dma_start3A_532, %dma_start3A_533] : memref<16x128xi32, #tpu.memory_space<vmem>> -> memref<1x128xi32, #tpu.memory_space<vmem>>
      %dma_start3A_535 = tpu.memref_squeeze %dma_start3A_534 : memref<1x128xi32, #tpu.memory_space<vmem>> -> memref<128xi32, #tpu.memory_space<vmem>>
      %dma_start3A_536 = arith.constant 0 : i32
      %dma_start3A_537 = arith.constant 0 : i32
      %dma_start3A_538 = tpu.memref_slice %arg16[%dma_start3A_536, %dma_start3A_537] : memref<10240x64xf32, #tpu.memory_space<vmem_shared>> -> memref<10240x64xf32, #tpu.memory_space<vmem_shared>>
      tpu.enqueue_indirect_dma source(%arg11 : memref<128x64xf32, #tpu.memory_space<vmem>>) target(%dma_start3A_538 : memref<10240x64xf32, #tpu.memory_space<vmem_shared>>) offsets(%dma_start3A_535 : memref<128xi32, #tpu.memory_space<vmem>>) semaphore(%arg21 : memref<!tpu.dma_semaphore, #tpu.memory_space<semaphore_mem>>) {add = true}
      %dma_start3A_539 = arith.constant 2 : i32
      %dma_start3A_540 = arith.constant 0 : i32
      %dma_start3A_541 = tpu.memref_slice %arg8[%dma_start3A_539, %dma_start3A_540] : memref<16x128xi32, #tpu.memory_space<vmem>> -> memref<1x128xi32, #tpu.memory_space<vmem>>
      %dma_start3A_542 = tpu.memref_squeeze %dma_start3A_541 : memref<1x128xi32, #tpu.memory_space<vmem>> -> memref<128xi32, #tpu.memory_space<vmem>>
      %dma_start3A_543 = arith.constant 0 : i32
      %dma_start3A_544 = arith.constant 0 : i32
      %dma_start3A_545 = tpu.memref_slice %arg15[%dma_start3A_543, %dma_start3A_544] : memref<10240x64xf32, #tpu.memory_space<vmem_shared>> -> memref<10240x64xf32, #tpu.memory_space<vmem_shared>>
      tpu.enqueue_indirect_dma source(%dma_start3A_545 : memref<10240x64xf32, #tpu.memory_space<vmem_shared>>) target(%arg13 : memref<128x64xf32, #tpu.memory_space<vmem>>) offsets(%dma_start3A_542 : memref<128xi32, #tpu.memory_space<vmem>>) semaphore(%arg19 : memref<!tpu.dma_semaphore, #tpu.memory_space<semaphore_mem>>)
      %dma_wait3A_546 = arith.constant 1 : i32
      %dma_wait3A_547 = arith.constant 0 : i32
      %dma_wait3A_548 = tpu.memref_slice %arg8[%dma_wait3A_546, %dma_wait3A_547] : memref<16x128xi32, #tpu.memory_space<vmem>> -> memref<1x128xi32, #tpu.memory_space<vmem>>
      %dma_wait3A_549 = tpu.memref_squeeze %dma_wait3A_548 : memref<1x128xi32, #tpu.memory_space<vmem>> -> memref<128xi32, #tpu.memory_space<vmem>>
      %dma_wait3A_550 = arith.constant 0 : i32
      %dma_wait3A_551 = arith.constant 0 : i32
      %dma_wait3A_552 = tpu.memref_slice %arg15[%dma_wait3A_550, %dma_wait3A_551] : memref<10240x64xf32, #tpu.memory_space<vmem_shared>> -> memref<10240x64xf32, #tpu.memory_space<vmem_shared>>
      tpu.wait_indirect_dma semaphore(%arg18 : memref<!tpu.dma_semaphore, #tpu.memory_space<semaphore_mem>>) src(%dma_wait3A_552 : memref<10240x64xf32, #tpu.memory_space<vmem_shared>>) dst(%arg12 : memref<128x64xf32, #tpu.memory_space<vmem>>)
      %dma_start3A_553 = arith.constant 1 : i32
      %dma_start3A_554 = arith.constant 0 : i32
      %dma_start3A_555 = tpu.memref_slice %arg10[%dma_start3A_553, %dma_start3A_554] : memref<16x128xi32, #tpu.memory_space<vmem>> -> memref<1x128xi32, #tpu.memory_space<vmem>>
      %dma_start3A_556 = tpu.memref_squeeze %dma_start3A_555 : memref<1x128xi32, #tpu.memory_space<vmem>> -> memref<128xi32, #tpu.memory_space<vmem>>
      %dma_start3A_557 = arith.constant 0 : i32
      %dma_start3A_558 = arith.constant 0 : i32
      %dma_start3A_559 = tpu.memref_slice %arg16[%dma_start3A_557, %dma_start3A_558] : memref<10240x64xf32, #tpu.memory_space<vmem_shared>> -> memref<10240x64xf32, #tpu.memory_space<vmem_shared>>
      tpu.enqueue_indirect_dma source(%arg12 : memref<128x64xf32, #tpu.memory_space<vmem>>) target(%dma_start3A_559 : memref<10240x64xf32, #tpu.memory_space<vmem_shared>>) offsets(%dma_start3A_556 : memref<128xi32, #tpu.memory_space<vmem>>) semaphore(%arg22 : memref<!tpu.dma_semaphore, #tpu.memory_space<semaphore_mem>>) {add = true}
      %dma_start3A_560 = arith.constant 3 : i32
      %dma_start3A_561 = arith.constant 0 : i32
      %dma_start3A_562 = tpu.memref_slice %arg8[%dma_start3A_560, %dma_start3A_561] : memref<16x128xi32, #tpu.memory_space<vmem>> -> memref<1x128xi32, #tpu.memory_space<vmem>>
      %dma_start3A_563 = tpu.memref_squeeze %dma_start3A_562 : memref<1x128xi32, #tpu.memory_space<vmem>> -> memref<128xi32, #tpu.memory_space<vmem>>
      %dma_start3A_564 = arith.constant 0 : i32
      %dma_start3A_565 = arith.constant 0 : i32
      %dma_start3A_566 = tpu.memref_slice %arg15[%dma_start3A_564, %dma_start3A_565] : memref<10240x64xf32, #tpu.memory_space<vmem_shared>> -> memref<10240x64xf32, #tpu.memory_space<vmem_shared>>
      tpu.enqueue_indirect_dma source(%dma_start3A_566 : memref<10240x64xf32, #tpu.memory_space<vmem_shared>>) target(%arg14 : memref<128x64xf32, #tpu.memory_space<vmem>>) offsets(%dma_start3A_563 : memref<128xi32, #tpu.memory_space<vmem>>) semaphore(%arg20 : memref<!tpu.dma_semaphore, #tpu.memory_space<semaphore_mem>>)
      %dma_wait3A_567 = arith.constant 2 : i32
      %dma_wait3A_568 = arith.constant 0 : i32
      %dma_wait3A_569 = tpu.memref_slice %arg8[%dma_wait3A_567, %dma_wait3A_568] : memref<16x128xi32, #tpu.memory_space<vmem>> -> memref<1x128xi32, #tpu.memory_space<vmem>>
      %dma_wait3A_570 = tpu.memref_squeeze %dma_wait3A_569 : memref<1x128xi32, #tpu.memory_space<vmem>> -> memref<128xi32, #tpu.memory_space<vmem>>
      %dma_wait3A_571 = arith.constant 0 : i32
      %dma_wait3A_572 = arith.constant 0 : i32
      %dma_wait3A_573 = tpu.memref_slice %arg15[%dma_wait3A_571, %dma_wait3A_572] : memref<10240x64xf32, #tpu.memory_space<vmem_shared>> -> memref<10240x64xf32, #tpu.memory_space<vmem_shared>>
      tpu.wait_indirect_dma semaphore(%arg19 : memref<!tpu.dma_semaphore, #tpu.memory_space<semaphore_mem>>) src(%dma_wait3A_573 : memref<10240x64xf32, #tpu.memory_space<vmem_shared>>) dst(%arg13 : memref<128x64xf32, #tpu.memory_space<vmem>>)
      %dma_start3A_574 = arith.constant 2 : i32
      %dma_start3A_575 = arith.constant 0 : i32
      %dma_start3A_576 = tpu.memref_slice %arg10[%dma_start3A_574, %dma_start3A_575] : memref<16x128xi32, #tpu.memory_space<vmem>> -> memref<1x128xi32, #tpu.memory_space<vmem>>
      %dma_start3A_577 = tpu.memref_squeeze %dma_start3A_576 : memref<1x128xi32, #tpu.memory_space<vmem>> -> memref<128xi32, #tpu.memory_space<vmem>>
      %dma_start3A_578 = arith.constant 0 : i32
      %dma_start3A_579 = arith.constant 0 : i32
      %dma_start3A_580 = tpu.memref_slice %arg16[%dma_start3A_578, %dma_start3A_579] : memref<10240x64xf32, #tpu.memory_space<vmem_shared>> -> memref<10240x64xf32, #tpu.memory_space<vmem_shared>>
      tpu.enqueue_indirect_dma source(%arg13 : memref<128x64xf32, #tpu.memory_space<vmem>>) target(%dma_start3A_580 : memref<10240x64xf32, #tpu.memory_space<vmem_shared>>) offsets(%dma_start3A_577 : memref<128xi32, #tpu.memory_space<vmem>>) semaphore(%arg23 : memref<!tpu.dma_semaphore, #tpu.memory_space<semaphore_mem>>) {add = true}
      %dma_wait3A_581 = arith.constant 0 : i32
      %dma_wait3A_582 = arith.constant 0 : i32
      %dma_wait3A_583 = tpu.memref_slice %arg10[%dma_wait3A_581, %dma_wait3A_582] : memref<16x128xi32, #tpu.memory_space<vmem>> -> memref<1x128xi32, #tpu.memory_space<vmem>>
      %dma_wait3A_584 = tpu.memref_squeeze %dma_wait3A_583 : memref<1x128xi32, #tpu.memory_space<vmem>> -> memref<128xi32, #tpu.memory_space<vmem>>
      %dma_wait3A_585 = arith.constant 0 : i32
      %dma_wait3A_586 = arith.constant 0 : i32
      %dma_wait3A_587 = tpu.memref_slice %arg16[%dma_wait3A_585, %dma_wait3A_586] : memref<10240x64xf32, #tpu.memory_space<vmem_shared>> -> memref<10240x64xf32, #tpu.memory_space<vmem_shared>>
      tpu.wait_indirect_dma semaphore(%arg21 : memref<!tpu.dma_semaphore, #tpu.memory_space<semaphore_mem>>) src(%arg11 : memref<128x64xf32, #tpu.memory_space<vmem>>) dst(%dma_wait3A_587 : memref<10240x64xf32, #tpu.memory_space<vmem_shared>>)
      %dma_start3A_588 = arith.constant 4 : i32
      %dma_start3A_589 = arith.constant 0 : i32
      %dma_start3A_590 = tpu.memref_slice %arg8[%dma_start3A_588, %dma_start3A_589] : memref<16x128xi32, #tpu.memory_space<vmem>> -> memref<1x128xi32, #tpu.memory_space<vmem>>
      %dma_start3A_591 = tpu.memref_squeeze %dma_start3A_590 : memref<1x128xi32, #tpu.memory_space<vmem>> -> memref<128xi32, #tpu.memory_space<vmem>>
      %dma_start3A_592 = arith.constant 0 : i32
      %dma_start3A_593 = arith.constant 0 : i32
      %dma_start3A_594 = tpu.memref_slice %arg15[%dma_start3A_592, %dma_start3A_593] : memref<10240x64xf32, #tpu.memory_space<vmem_shared>> -> memref<10240x64xf32, #tpu.memory_space<vmem_shared>>
      tpu.enqueue_indirect_dma source(%dma_start3A_594 : memref<10240x64xf32, #tpu.memory_space<vmem_shared>>) target(%arg11 : memref<128x64xf32, #tpu.memory_space<vmem>>) offsets(%dma_start3A_591 : memref<128xi32, #tpu.memory_space<vmem>>) semaphore(%arg17 : memref<!tpu.dma_semaphore, #tpu.memory_space<semaphore_mem>>)
      %dma_wait3A_595 = arith.constant 3 : i32
      %dma_wait3A_596 = arith.constant 0 : i32
      %dma_wait3A_597 = tpu.memref_slice %arg8[%dma_wait3A_595, %dma_wait3A_596] : memref<16x128xi32, #tpu.memory_space<vmem>> -> memref<1x128xi32, #tpu.memory_space<vmem>>
      %dma_wait3A_598 = tpu.memref_squeeze %dma_wait3A_597 : memref<1x128xi32, #tpu.memory_space<vmem>> -> memref<128xi32, #tpu.memory_space<vmem>>
      %dma_wait3A_599 = arith.constant 0 : i32
      %dma_wait3A_600 = arith.constant 0 : i32
      %dma_wait3A_601 = tpu.memref_slice %arg15[%dma_wait3A_599, %dma_wait3A_600] : memref<10240x64xf32, #tpu.memory_space<vmem_shared>> -> memref<10240x64xf32, #tpu.memory_space<vmem_shared>>
      tpu.wait_indirect_dma semaphore(%arg20 : memref<!tpu.dma_semaphore, #tpu.memory_space<semaphore_mem>>) src(%dma_wait3A_601 : memref<10240x64xf32, #tpu.memory_space<vmem_shared>>) dst(%arg14 : memref<128x64xf32, #tpu.memory_space<vmem>>)
      %dma_start3A_602 = arith.constant 3 : i32
      %dma_start3A_603 = arith.constant 0 : i32
      %dma_start3A_604 = tpu.memref_slice %arg10[%dma_start3A_602, %dma_start3A_603] : memref<16x128xi32, #tpu.memory_space<vmem>> -> memref<1x128xi32, #tpu.memory_space<vmem>>
      %dma_start3A_605 = tpu.memref_squeeze %dma_start3A_604 : memref<1x128xi32, #tpu.memory_space<vmem>> -> memref<128xi32, #tpu.memory_space<vmem>>
      %dma_start3A_606 = arith.constant 0 : i32
      %dma_start3A_607 = arith.constant 0 : i32
      %dma_start3A_608 = tpu.memref_slice %arg16[%dma_start3A_606, %dma_start3A_607] : memref<10240x64xf32, #tpu.memory_space<vmem_shared>> -> memref<10240x64xf32, #tpu.memory_space<vmem_shared>>
      tpu.enqueue_indirect_dma source(%arg14 : memref<128x64xf32, #tpu.memory_space<vmem>>) target(%dma_start3A_608 : memref<10240x64xf32, #tpu.memory_space<vmem_shared>>) offsets(%dma_start3A_605 : memref<128xi32, #tpu.memory_space<vmem>>) semaphore(%arg24 : memref<!tpu.dma_semaphore, #tpu.memory_space<semaphore_mem>>) {add = true}
      %dma_wait3A_609 = arith.constant 1 : i32
      %dma_wait3A_610 = arith.constant 0 : i32
      %dma_wait3A_611 = tpu.memref_slice %arg10[%dma_wait3A_609, %dma_wait3A_610] : memref<16x128xi32, #tpu.memory_space<vmem>> -> memref<1x128xi32, #tpu.memory_space<vmem>>
      %dma_wait3A_612 = tpu.memref_squeeze %dma_wait3A_611 : memref<1x128xi32, #tpu.memory_space<vmem>> -> memref<128xi32, #tpu.memory_space<vmem>>
      %dma_wait3A_613 = arith.constant 0 : i32
      %dma_wait3A_614 = arith.constant 0 : i32
      %dma_wait3A_615 = tpu.memref_slice %arg16[%dma_wait3A_613, %dma_wait3A_614] : memref<10240x64xf32, #tpu.memory_space<vmem_shared>> -> memref<10240x64xf32, #tpu.memory_space<vmem_shared>>
      tpu.wait_indirect_dma semaphore(%arg22 : memref<!tpu.dma_semaphore, #tpu.memory_space<semaphore_mem>>) src(%arg12 : memref<128x64xf32, #tpu.memory_space<vmem>>) dst(%dma_wait3A_615 : memref<10240x64xf32, #tpu.memory_space<vmem_shared>>)
      %dma_start3A_616 = arith.constant 5 : i32
      %dma_start3A_617 = arith.constant 0 : i32
      %dma_start3A_618 = tpu.memref_slice %arg8[%dma_start3A_616, %dma_start3A_617] : memref<16x128xi32, #tpu.memory_space<vmem>> -> memref<1x128xi32, #tpu.memory_space<vmem>>
      %dma_start3A_619 = tpu.memref_squeeze %dma_start3A_618 : memref<1x128xi32, #tpu.memory_space<vmem>> -> memref<128xi32, #tpu.memory_space<vmem>>
      %dma_start3A_620 = arith.constant 0 : i32
      %dma_start3A_621 = arith.constant 0 : i32
      %dma_start3A_622 = tpu.memref_slice %arg15[%dma_start3A_620, %dma_start3A_621] : memref<10240x64xf32, #tpu.memory_space<vmem_shared>> -> memref<10240x64xf32, #tpu.memory_space<vmem_shared>>
      tpu.enqueue_indirect_dma source(%dma_start3A_622 : memref<10240x64xf32, #tpu.memory_space<vmem_shared>>) target(%arg12 : memref<128x64xf32, #tpu.memory_space<vmem>>) offsets(%dma_start3A_619 : memref<128xi32, #tpu.memory_space<vmem>>) semaphore(%arg18 : memref<!tpu.dma_semaphore, #tpu.memory_space<semaphore_mem>>)
      %dma_wait3A_623 = arith.constant 4 : i32
      %dma_wait3A_624 = arith.constant 0 : i32
      %dma_wait3A_625 = tpu.memref_slice %arg8[%dma_wait3A_623, %dma_wait3A_624] : memref<16x128xi32, #tpu.memory_space<vmem>> -> memref<1x128xi32, #tpu.memory_space<vmem>>
      %dma_wait3A_626 = tpu.memref_squeeze %dma_wait3A_625 : memref<1x128xi32, #tpu.memory_space<vmem>> -> memref<128xi32, #tpu.memory_space<vmem>>
      %dma_wait3A_627 = arith.constant 0 : i32
      %dma_wait3A_628 = arith.constant 0 : i32
      %dma_wait3A_629 = tpu.memref_slice %arg15[%dma_wait3A_627, %dma_wait3A_628] : memref<10240x64xf32, #tpu.memory_space<vmem_shared>> -> memref<10240x64xf32, #tpu.memory_space<vmem_shared>>
      tpu.wait_indirect_dma semaphore(%arg17 : memref<!tpu.dma_semaphore, #tpu.memory_space<semaphore_mem>>) src(%dma_wait3A_629 : memref<10240x64xf32, #tpu.memory_space<vmem_shared>>) dst(%arg11 : memref<128x64xf32, #tpu.memory_space<vmem>>)
      %dma_start3A_630 = arith.constant 4 : i32
      %dma_start3A_631 = arith.constant 0 : i32
      %dma_start3A_632 = tpu.memref_slice %arg10[%dma_start3A_630, %dma_start3A_631] : memref<16x128xi32, #tpu.memory_space<vmem>> -> memref<1x128xi32, #tpu.memory_space<vmem>>
      %dma_start3A_633 = tpu.memref_squeeze %dma_start3A_632 : memref<1x128xi32, #tpu.memory_space<vmem>> -> memref<128xi32, #tpu.memory_space<vmem>>
      %dma_start3A_634 = arith.constant 0 : i32
      %dma_start3A_635 = arith.constant 0 : i32
      %dma_start3A_636 = tpu.memref_slice %arg16[%dma_start3A_634, %dma_start3A_635] : memref<10240x64xf32, #tpu.memory_space<vmem_shared>> -> memref<10240x64xf32, #tpu.memory_space<vmem_shared>>
      tpu.enqueue_indirect_dma source(%arg11 : memref<128x64xf32, #tpu.memory_space<vmem>>) target(%dma_start3A_636 : memref<10240x64xf32, #tpu.memory_space<vmem_shared>>) offsets(%dma_start3A_633 : memref<128xi32, #tpu.memory_space<vmem>>) semaphore(%arg21 : memref<!tpu.dma_semaphore, #tpu.memory_space<semaphore_mem>>) {add = true}
      %dma_wait3A_637 = arith.constant 2 : i32
      %dma_wait3A_638 = arith.constant 0 : i32
      %dma_wait3A_639 = tpu.memref_slice %arg10[%dma_wait3A_637, %dma_wait3A_638] : memref<16x128xi32, #tpu.memory_space<vmem>> -> memref<1x128xi32, #tpu.memory_space<vmem>>
      %dma_wait3A_640 = tpu.memref_squeeze %dma_wait3A_639 : memref<1x128xi32, #tpu.memory_space<vmem>> -> memref<128xi32, #tpu.memory_space<vmem>>
      %dma_wait3A_641 = arith.constant 0 : i32
      %dma_wait3A_642 = arith.constant 0 : i32
      %dma_wait3A_643 = tpu.memref_slice %arg16[%dma_wait3A_641, %dma_wait3A_642] : memref<10240x64xf32, #tpu.memory_space<vmem_shared>> -> memref<10240x64xf32, #tpu.memory_space<vmem_shared>>
      tpu.wait_indirect_dma semaphore(%arg23 : memref<!tpu.dma_semaphore, #tpu.memory_space<semaphore_mem>>) src(%arg13 : memref<128x64xf32, #tpu.memory_space<vmem>>) dst(%dma_wait3A_643 : memref<10240x64xf32, #tpu.memory_space<vmem_shared>>)
      %dma_start3A_644 = arith.constant 6 : i32
      %dma_start3A_645 = arith.constant 0 : i32
      %dma_start3A_646 = tpu.memref_slice %arg8[%dma_start3A_644, %dma_start3A_645] : memref<16x128xi32, #tpu.memory_space<vmem>> -> memref<1x128xi32, #tpu.memory_space<vmem>>
      %dma_start3A_647 = tpu.memref_squeeze %dma_start3A_646 : memref<1x128xi32, #tpu.memory_space<vmem>> -> memref<128xi32, #tpu.memory_space<vmem>>
      %dma_start3A_648 = arith.constant 0 : i32
      %dma_start3A_649 = arith.constant 0 : i32
      %dma_start3A_650 = tpu.memref_slice %arg15[%dma_start3A_648, %dma_start3A_649] : memref<10240x64xf32, #tpu.memory_space<vmem_shared>> -> memref<10240x64xf32, #tpu.memory_space<vmem_shared>>
      tpu.enqueue_indirect_dma source(%dma_start3A_650 : memref<10240x64xf32, #tpu.memory_space<vmem_shared>>) target(%arg13 : memref<128x64xf32, #tpu.memory_space<vmem>>) offsets(%dma_start3A_647 : memref<128xi32, #tpu.memory_space<vmem>>) semaphore(%arg19 : memref<!tpu.dma_semaphore, #tpu.memory_space<semaphore_mem>>)
      %dma_wait3A_651 = arith.constant 5 : i32
      %dma_wait3A_652 = arith.constant 0 : i32
      %dma_wait3A_653 = tpu.memref_slice %arg8[%dma_wait3A_651, %dma_wait3A_652] : memref<16x128xi32, #tpu.memory_space<vmem>> -> memref<1x128xi32, #tpu.memory_space<vmem>>
      %dma_wait3A_654 = tpu.memref_squeeze %dma_wait3A_653 : memref<1x128xi32, #tpu.memory_space<vmem>> -> memref<128xi32, #tpu.memory_space<vmem>>
      %dma_wait3A_655 = arith.constant 0 : i32
      %dma_wait3A_656 = arith.constant 0 : i32
      %dma_wait3A_657 = tpu.memref_slice %arg15[%dma_wait3A_655, %dma_wait3A_656] : memref<10240x64xf32, #tpu.memory_space<vmem_shared>> -> memref<10240x64xf32, #tpu.memory_space<vmem_shared>>
      tpu.wait_indirect_dma semaphore(%arg18 : memref<!tpu.dma_semaphore, #tpu.memory_space<semaphore_mem>>) src(%dma_wait3A_657 : memref<10240x64xf32, #tpu.memory_space<vmem_shared>>) dst(%arg12 : memref<128x64xf32, #tpu.memory_space<vmem>>)
      %dma_start3A_658 = arith.constant 5 : i32
      %dma_start3A_659 = arith.constant 0 : i32
      %dma_start3A_660 = tpu.memref_slice %arg10[%dma_start3A_658, %dma_start3A_659] : memref<16x128xi32, #tpu.memory_space<vmem>> -> memref<1x128xi32, #tpu.memory_space<vmem>>
      %dma_start3A_661 = tpu.memref_squeeze %dma_start3A_660 : memref<1x128xi32, #tpu.memory_space<vmem>> -> memref<128xi32, #tpu.memory_space<vmem>>
      %dma_start3A_662 = arith.constant 0 : i32
      %dma_start3A_663 = arith.constant 0 : i32
      %dma_start3A_664 = tpu.memref_slice %arg16[%dma_start3A_662, %dma_start3A_663] : memref<10240x64xf32, #tpu.memory_space<vmem_shared>> -> memref<10240x64xf32, #tpu.memory_space<vmem_shared>>
      tpu.enqueue_indirect_dma source(%arg12 : memref<128x64xf32, #tpu.memory_space<vmem>>) target(%dma_start3A_664 : memref<10240x64xf32, #tpu.memory_space<vmem_shared>>) offsets(%dma_start3A_661 : memref<128xi32, #tpu.memory_space<vmem>>) semaphore(%arg22 : memref<!tpu.dma_semaphore, #tpu.memory_space<semaphore_mem>>) {add = true}
      %dma_wait3A_665 = arith.constant 3 : i32
      %dma_wait3A_666 = arith.constant 0 : i32
      %dma_wait3A_667 = tpu.memref_slice %arg10[%dma_wait3A_665, %dma_wait3A_666] : memref<16x128xi32, #tpu.memory_space<vmem>> -> memref<1x128xi32, #tpu.memory_space<vmem>>
      %dma_wait3A_668 = tpu.memref_squeeze %dma_wait3A_667 : memref<1x128xi32, #tpu.memory_space<vmem>> -> memref<128xi32, #tpu.memory_space<vmem>>
      %dma_wait3A_669 = arith.constant 0 : i32
      %dma_wait3A_670 = arith.constant 0 : i32
      %dma_wait3A_671 = tpu.memref_slice %arg16[%dma_wait3A_669, %dma_wait3A_670] : memref<10240x64xf32, #tpu.memory_space<vmem_shared>> -> memref<10240x64xf32, #tpu.memory_space<vmem_shared>>
      tpu.wait_indirect_dma semaphore(%arg24 : memref<!tpu.dma_semaphore, #tpu.memory_space<semaphore_mem>>) src(%arg14 : memref<128x64xf32, #tpu.memory_space<vmem>>) dst(%dma_wait3A_671 : memref<10240x64xf32, #tpu.memory_space<vmem_shared>>)
      %dma_start3A_672 = arith.constant 7 : i32
      %dma_start3A_673 = arith.constant 0 : i32
      %dma_start3A_674 = tpu.memref_slice %arg8[%dma_start3A_672, %dma_start3A_673] : memref<16x128xi32, #tpu.memory_space<vmem>> -> memref<1x128xi32, #tpu.memory_space<vmem>>
      %dma_start3A_675 = tpu.memref_squeeze %dma_start3A_674 : memref<1x128xi32, #tpu.memory_space<vmem>> -> memref<128xi32, #tpu.memory_space<vmem>>
      %dma_start3A_676 = arith.constant 0 : i32
      %dma_start3A_677 = arith.constant 0 : i32
      %dma_start3A_678 = tpu.memref_slice %arg15[%dma_start3A_676, %dma_start3A_677] : memref<10240x64xf32, #tpu.memory_space<vmem_shared>> -> memref<10240x64xf32, #tpu.memory_space<vmem_shared>>
      tpu.enqueue_indirect_dma source(%dma_start3A_678 : memref<10240x64xf32, #tpu.memory_space<vmem_shared>>) target(%arg14 : memref<128x64xf32, #tpu.memory_space<vmem>>) offsets(%dma_start3A_675 : memref<128xi32, #tpu.memory_space<vmem>>) semaphore(%arg20 : memref<!tpu.dma_semaphore, #tpu.memory_space<semaphore_mem>>)
      %dma_wait3A_679 = arith.constant 6 : i32
      %dma_wait3A_680 = arith.constant 0 : i32
      %dma_wait3A_681 = tpu.memref_slice %arg8[%dma_wait3A_679, %dma_wait3A_680] : memref<16x128xi32, #tpu.memory_space<vmem>> -> memref<1x128xi32, #tpu.memory_space<vmem>>
      %dma_wait3A_682 = tpu.memref_squeeze %dma_wait3A_681 : memref<1x128xi32, #tpu.memory_space<vmem>> -> memref<128xi32, #tpu.memory_space<vmem>>
      %dma_wait3A_683 = arith.constant 0 : i32
      %dma_wait3A_684 = arith.constant 0 : i32
      %dma_wait3A_685 = tpu.memref_slice %arg15[%dma_wait3A_683, %dma_wait3A_684] : memref<10240x64xf32, #tpu.memory_space<vmem_shared>> -> memref<10240x64xf32, #tpu.memory_space<vmem_shared>>
      tpu.wait_indirect_dma semaphore(%arg19 : memref<!tpu.dma_semaphore, #tpu.memory_space<semaphore_mem>>) src(%dma_wait3A_685 : memref<10240x64xf32, #tpu.memory_space<vmem_shared>>) dst(%arg13 : memref<128x64xf32, #tpu.memory_space<vmem>>)
      %dma_start3A_686 = arith.constant 6 : i32
      %dma_start3A_687 = arith.constant 0 : i32
      %dma_start3A_688 = tpu.memref_slice %arg10[%dma_start3A_686, %dma_start3A_687] : memref<16x128xi32, #tpu.memory_space<vmem>> -> memref<1x128xi32, #tpu.memory_space<vmem>>
      %dma_start3A_689 = tpu.memref_squeeze %dma_start3A_688 : memref<1x128xi32, #tpu.memory_space<vmem>> -> memref<128xi32, #tpu.memory_space<vmem>>
      %dma_start3A_690 = arith.constant 0 : i32
      %dma_start3A_691 = arith.constant 0 : i32
      %dma_start3A_692 = tpu.memref_slice %arg16[%dma_start3A_690, %dma_start3A_691] : memref<10240x64xf32, #tpu.memory_space<vmem_shared>> -> memref<10240x64xf32, #tpu.memory_space<vmem_shared>>
      tpu.enqueue_indirect_dma source(%arg13 : memref<128x64xf32, #tpu.memory_space<vmem>>) target(%dma_start3A_692 : memref<10240x64xf32, #tpu.memory_space<vmem_shared>>) offsets(%dma_start3A_689 : memref<128xi32, #tpu.memory_space<vmem>>) semaphore(%arg23 : memref<!tpu.dma_semaphore, #tpu.memory_space<semaphore_mem>>) {add = true}
      %dma_wait3A_693 = arith.constant 4 : i32
      %dma_wait3A_694 = arith.constant 0 : i32
      %dma_wait3A_695 = tpu.memref_slice %arg10[%dma_wait3A_693, %dma_wait3A_694] : memref<16x128xi32, #tpu.memory_space<vmem>> -> memref<1x128xi32, #tpu.memory_space<vmem>>
      %dma_wait3A_696 = tpu.memref_squeeze %dma_wait3A_695 : memref<1x128xi32, #tpu.memory_space<vmem>> -> memref<128xi32, #tpu.memory_space<vmem>>
      %dma_wait3A_697 = arith.constant 0 : i32
      %dma_wait3A_698 = arith.constant 0 : i32
      %dma_wait3A_699 = tpu.memref_slice %arg16[%dma_wait3A_697, %dma_wait3A_698] : memref<10240x64xf32, #tpu.memory_space<vmem_shared>> -> memref<10240x64xf32, #tpu.memory_space<vmem_shared>>
      tpu.wait_indirect_dma semaphore(%arg21 : memref<!tpu.dma_semaphore, #tpu.memory_space<semaphore_mem>>) src(%arg11 : memref<128x64xf32, #tpu.memory_space<vmem>>) dst(%dma_wait3A_699 : memref<10240x64xf32, #tpu.memory_space<vmem_shared>>)
      %dma_start3A_700 = arith.constant 8 : i32
      %dma_start3A_701 = arith.constant 0 : i32
      %dma_start3A_702 = tpu.memref_slice %arg8[%dma_start3A_700, %dma_start3A_701] : memref<16x128xi32, #tpu.memory_space<vmem>> -> memref<1x128xi32, #tpu.memory_space<vmem>>
      %dma_start3A_703 = tpu.memref_squeeze %dma_start3A_702 : memref<1x128xi32, #tpu.memory_space<vmem>> -> memref<128xi32, #tpu.memory_space<vmem>>
      %dma_start3A_704 = arith.constant 0 : i32
      %dma_start3A_705 = arith.constant 0 : i32
      %dma_start3A_706 = tpu.memref_slice %arg15[%dma_start3A_704, %dma_start3A_705] : memref<10240x64xf32, #tpu.memory_space<vmem_shared>> -> memref<10240x64xf32, #tpu.memory_space<vmem_shared>>
      tpu.enqueue_indirect_dma source(%dma_start3A_706 : memref<10240x64xf32, #tpu.memory_space<vmem_shared>>) target(%arg11 : memref<128x64xf32, #tpu.memory_space<vmem>>) offsets(%dma_start3A_703 : memref<128xi32, #tpu.memory_space<vmem>>) semaphore(%arg17 : memref<!tpu.dma_semaphore, #tpu.memory_space<semaphore_mem>>)
      %dma_wait3A_707 = arith.constant 7 : i32
      %dma_wait3A_708 = arith.constant 0 : i32
      %dma_wait3A_709 = tpu.memref_slice %arg8[%dma_wait3A_707, %dma_wait3A_708] : memref<16x128xi32, #tpu.memory_space<vmem>> -> memref<1x128xi32, #tpu.memory_space<vmem>>
      %dma_wait3A_710 = tpu.memref_squeeze %dma_wait3A_709 : memref<1x128xi32, #tpu.memory_space<vmem>> -> memref<128xi32, #tpu.memory_space<vmem>>
      %dma_wait3A_711 = arith.constant 0 : i32
      %dma_wait3A_712 = arith.constant 0 : i32
      %dma_wait3A_713 = tpu.memref_slice %arg15[%dma_wait3A_711, %dma_wait3A_712] : memref<10240x64xf32, #tpu.memory_space<vmem_shared>> -> memref<10240x64xf32, #tpu.memory_space<vmem_shared>>
      tpu.wait_indirect_dma semaphore(%arg20 : memref<!tpu.dma_semaphore, #tpu.memory_space<semaphore_mem>>) src(%dma_wait3A_713 : memref<10240x64xf32, #tpu.memory_space<vmem_shared>>) dst(%arg14 : memref<128x64xf32, #tpu.memory_space<vmem>>)
      %dma_start3A_714 = arith.constant 7 : i32
      %dma_start3A_715 = arith.constant 0 : i32
      %dma_start3A_716 = tpu.memref_slice %arg10[%dma_start3A_714, %dma_start3A_715] : memref<16x128xi32, #tpu.memory_space<vmem>> -> memref<1x128xi32, #tpu.memory_space<vmem>>
      %dma_start3A_717 = tpu.memref_squeeze %dma_start3A_716 : memref<1x128xi32, #tpu.memory_space<vmem>> -> memref<128xi32, #tpu.memory_space<vmem>>
      %dma_start3A_718 = arith.constant 0 : i32
      %dma_start3A_719 = arith.constant 0 : i32
      %dma_start3A_720 = tpu.memref_slice %arg16[%dma_start3A_718, %dma_start3A_719] : memref<10240x64xf32, #tpu.memory_space<vmem_shared>> -> memref<10240x64xf32, #tpu.memory_space<vmem_shared>>
      tpu.enqueue_indirect_dma source(%arg14 : memref<128x64xf32, #tpu.memory_space<vmem>>) target(%dma_start3A_720 : memref<10240x64xf32, #tpu.memory_space<vmem_shared>>) offsets(%dma_start3A_717 : memref<128xi32, #tpu.memory_space<vmem>>) semaphore(%arg24 : memref<!tpu.dma_semaphore, #tpu.memory_space<semaphore_mem>>) {add = true}
      %dma_wait3A_721 = arith.constant 5 : i32
      %dma_wait3A_722 = arith.constant 0 : i32
      %dma_wait3A_723 = tpu.memref_slice %arg10[%dma_wait3A_721, %dma_wait3A_722] : memref<16x128xi32, #tpu.memory_space<vmem>> -> memref<1x128xi32, #tpu.memory_space<vmem>>
      %dma_wait3A_724 = tpu.memref_squeeze %dma_wait3A_723 : memref<1x128xi32, #tpu.memory_space<vmem>> -> memref<128xi32, #tpu.memory_space<vmem>>
      %dma_wait3A_725 = arith.constant 0 : i32
      %dma_wait3A_726 = arith.constant 0 : i32
      %dma_wait3A_727 = tpu.memref_slice %arg16[%dma_wait3A_725, %dma_wait3A_726] : memref<10240x64xf32, #tpu.memory_space<vmem_shared>> -> memref<10240x64xf32, #tpu.memory_space<vmem_shared>>
      tpu.wait_indirect_dma semaphore(%arg22 : memref<!tpu.dma_semaphore, #tpu.memory_space<semaphore_mem>>) src(%arg12 : memref<128x64xf32, #tpu.memory_space<vmem>>) dst(%dma_wait3A_727 : memref<10240x64xf32, #tpu.memory_space<vmem_shared>>)
      %dma_start3A_728 = arith.constant 9 : i32
      %dma_start3A_729 = arith.constant 0 : i32
      %dma_start3A_730 = tpu.memref_slice %arg8[%dma_start3A_728, %dma_start3A_729] : memref<16x128xi32, #tpu.memory_space<vmem>> -> memref<1x128xi32, #tpu.memory_space<vmem>>
      %dma_start3A_731 = tpu.memref_squeeze %dma_start3A_730 : memref<1x128xi32, #tpu.memory_space<vmem>> -> memref<128xi32, #tpu.memory_space<vmem>>
      %dma_start3A_732 = arith.constant 0 : i32
      %dma_start3A_733 = arith.constant 0 : i32
      %dma_start3A_734 = tpu.memref_slice %arg15[%dma_start3A_732, %dma_start3A_733] : memref<10240x64xf32, #tpu.memory_space<vmem_shared>> -> memref<10240x64xf32, #tpu.memory_space<vmem_shared>>
      tpu.enqueue_indirect_dma source(%dma_start3A_734 : memref<10240x64xf32, #tpu.memory_space<vmem_shared>>) target(%arg12 : memref<128x64xf32, #tpu.memory_space<vmem>>) offsets(%dma_start3A_731 : memref<128xi32, #tpu.memory_space<vmem>>) semaphore(%arg18 : memref<!tpu.dma_semaphore, #tpu.memory_space<semaphore_mem>>)
      %dma_wait3A_735 = arith.constant 8 : i32
      %dma_wait3A_736 = arith.constant 0 : i32
      %dma_wait3A_737 = tpu.memref_slice %arg8[%dma_wait3A_735, %dma_wait3A_736] : memref<16x128xi32, #tpu.memory_space<vmem>> -> memref<1x128xi32, #tpu.memory_space<vmem>>
      %dma_wait3A_738 = tpu.memref_squeeze %dma_wait3A_737 : memref<1x128xi32, #tpu.memory_space<vmem>> -> memref<128xi32, #tpu.memory_space<vmem>>
      %dma_wait3A_739 = arith.constant 0 : i32
      %dma_wait3A_740 = arith.constant 0 : i32
      %dma_wait3A_741 = tpu.memref_slice %arg15[%dma_wait3A_739, %dma_wait3A_740] : memref<10240x64xf32, #tpu.memory_space<vmem_shared>> -> memref<10240x64xf32, #tpu.memory_space<vmem_shared>>
      tpu.wait_indirect_dma semaphore(%arg17 : memref<!tpu.dma_semaphore, #tpu.memory_space<semaphore_mem>>) src(%dma_wait3A_741 : memref<10240x64xf32, #tpu.memory_space<vmem_shared>>) dst(%arg11 : memref<128x64xf32, #tpu.memory_space<vmem>>)
      %dma_start3A_742 = arith.constant 8 : i32
      %dma_start3A_743 = arith.constant 0 : i32
      %dma_start3A_744 = tpu.memref_slice %arg10[%dma_start3A_742, %dma_start3A_743] : memref<16x128xi32, #tpu.memory_space<vmem>> -> memref<1x128xi32, #tpu.memory_space<vmem>>
      %dma_start3A_745 = tpu.memref_squeeze %dma_start3A_744 : memref<1x128xi32, #tpu.memory_space<vmem>> -> memref<128xi32, #tpu.memory_space<vmem>>
      %dma_start3A_746 = arith.constant 0 : i32
      %dma_start3A_747 = arith.constant 0 : i32
      %dma_start3A_748 = tpu.memref_slice %arg16[%dma_start3A_746, %dma_start3A_747] : memref<10240x64xf32, #tpu.memory_space<vmem_shared>> -> memref<10240x64xf32, #tpu.memory_space<vmem_shared>>
      tpu.enqueue_indirect_dma source(%arg11 : memref<128x64xf32, #tpu.memory_space<vmem>>) target(%dma_start3A_748 : memref<10240x64xf32, #tpu.memory_space<vmem_shared>>) offsets(%dma_start3A_745 : memref<128xi32, #tpu.memory_space<vmem>>) semaphore(%arg21 : memref<!tpu.dma_semaphore, #tpu.memory_space<semaphore_mem>>) {add = true}
      %dma_wait3A_749 = arith.constant 6 : i32
      %dma_wait3A_750 = arith.constant 0 : i32
      %dma_wait3A_751 = tpu.memref_slice %arg10[%dma_wait3A_749, %dma_wait3A_750] : memref<16x128xi32, #tpu.memory_space<vmem>> -> memref<1x128xi32, #tpu.memory_space<vmem>>
      %dma_wait3A_752 = tpu.memref_squeeze %dma_wait3A_751 : memref<1x128xi32, #tpu.memory_space<vmem>> -> memref<128xi32, #tpu.memory_space<vmem>>
      %dma_wait3A_753 = arith.constant 0 : i32
      %dma_wait3A_754 = arith.constant 0 : i32
      %dma_wait3A_755 = tpu.memref_slice %arg16[%dma_wait3A_753, %dma_wait3A_754] : memref<10240x64xf32, #tpu.memory_space<vmem_shared>> -> memref<10240x64xf32, #tpu.memory_space<vmem_shared>>
      tpu.wait_indirect_dma semaphore(%arg23 : memref<!tpu.dma_semaphore, #tpu.memory_space<semaphore_mem>>) src(%arg13 : memref<128x64xf32, #tpu.memory_space<vmem>>) dst(%dma_wait3A_755 : memref<10240x64xf32, #tpu.memory_space<vmem_shared>>)
      %dma_start3A_756 = arith.constant 10 : i32
      %dma_start3A_757 = arith.constant 0 : i32
      %dma_start3A_758 = tpu.memref_slice %arg8[%dma_start3A_756, %dma_start3A_757] : memref<16x128xi32, #tpu.memory_space<vmem>> -> memref<1x128xi32, #tpu.memory_space<vmem>>
      %dma_start3A_759 = tpu.memref_squeeze %dma_start3A_758 : memref<1x128xi32, #tpu.memory_space<vmem>> -> memref<128xi32, #tpu.memory_space<vmem>>
      %dma_start3A_760 = arith.constant 0 : i32
      %dma_start3A_761 = arith.constant 0 : i32
      %dma_start3A_762 = tpu.memref_slice %arg15[%dma_start3A_760, %dma_start3A_761] : memref<10240x64xf32, #tpu.memory_space<vmem_shared>> -> memref<10240x64xf32, #tpu.memory_space<vmem_shared>>
      tpu.enqueue_indirect_dma source(%dma_start3A_762 : memref<10240x64xf32, #tpu.memory_space<vmem_shared>>) target(%arg13 : memref<128x64xf32, #tpu.memory_space<vmem>>) offsets(%dma_start3A_759 : memref<128xi32, #tpu.memory_space<vmem>>) semaphore(%arg19 : memref<!tpu.dma_semaphore, #tpu.memory_space<semaphore_mem>>)
      %dma_wait3A_763 = arith.constant 9 : i32
      %dma_wait3A_764 = arith.constant 0 : i32
      %dma_wait3A_765 = tpu.memref_slice %arg8[%dma_wait3A_763, %dma_wait3A_764] : memref<16x128xi32, #tpu.memory_space<vmem>> -> memref<1x128xi32, #tpu.memory_space<vmem>>
      %dma_wait3A_766 = tpu.memref_squeeze %dma_wait3A_765 : memref<1x128xi32, #tpu.memory_space<vmem>> -> memref<128xi32, #tpu.memory_space<vmem>>
      %dma_wait3A_767 = arith.constant 0 : i32
      %dma_wait3A_768 = arith.constant 0 : i32
      %dma_wait3A_769 = tpu.memref_slice %arg15[%dma_wait3A_767, %dma_wait3A_768] : memref<10240x64xf32, #tpu.memory_space<vmem_shared>> -> memref<10240x64xf32, #tpu.memory_space<vmem_shared>>
      tpu.wait_indirect_dma semaphore(%arg18 : memref<!tpu.dma_semaphore, #tpu.memory_space<semaphore_mem>>) src(%dma_wait3A_769 : memref<10240x64xf32, #tpu.memory_space<vmem_shared>>) dst(%arg12 : memref<128x64xf32, #tpu.memory_space<vmem>>)
      %dma_start3A_770 = arith.constant 9 : i32
      %dma_start3A_771 = arith.constant 0 : i32
      %dma_start3A_772 = tpu.memref_slice %arg10[%dma_start3A_770, %dma_start3A_771] : memref<16x128xi32, #tpu.memory_space<vmem>> -> memref<1x128xi32, #tpu.memory_space<vmem>>
      %dma_start3A_773 = tpu.memref_squeeze %dma_start3A_772 : memref<1x128xi32, #tpu.memory_space<vmem>> -> memref<128xi32, #tpu.memory_space<vmem>>
      %dma_start3A_774 = arith.constant 0 : i32
      %dma_start3A_775 = arith.constant 0 : i32
      %dma_start3A_776 = tpu.memref_slice %arg16[%dma_start3A_774, %dma_start3A_775] : memref<10240x64xf32, #tpu.memory_space<vmem_shared>> -> memref<10240x64xf32, #tpu.memory_space<vmem_shared>>
      tpu.enqueue_indirect_dma source(%arg12 : memref<128x64xf32, #tpu.memory_space<vmem>>) target(%dma_start3A_776 : memref<10240x64xf32, #tpu.memory_space<vmem_shared>>) offsets(%dma_start3A_773 : memref<128xi32, #tpu.memory_space<vmem>>) semaphore(%arg22 : memref<!tpu.dma_semaphore, #tpu.memory_space<semaphore_mem>>) {add = true}
      %dma_wait3A_777 = arith.constant 7 : i32
      %dma_wait3A_778 = arith.constant 0 : i32
      %dma_wait3A_779 = tpu.memref_slice %arg10[%dma_wait3A_777, %dma_wait3A_778] : memref<16x128xi32, #tpu.memory_space<vmem>> -> memref<1x128xi32, #tpu.memory_space<vmem>>
      %dma_wait3A_780 = tpu.memref_squeeze %dma_wait3A_779 : memref<1x128xi32, #tpu.memory_space<vmem>> -> memref<128xi32, #tpu.memory_space<vmem>>
      %dma_wait3A_781 = arith.constant 0 : i32
      %dma_wait3A_782 = arith.constant 0 : i32
      %dma_wait3A_783 = tpu.memref_slice %arg16[%dma_wait3A_781, %dma_wait3A_782] : memref<10240x64xf32, #tpu.memory_space<vmem_shared>> -> memref<10240x64xf32, #tpu.memory_space<vmem_shared>>
      tpu.wait_indirect_dma semaphore(%arg24 : memref<!tpu.dma_semaphore, #tpu.memory_space<semaphore_mem>>) src(%arg14 : memref<128x64xf32, #tpu.memory_space<vmem>>) dst(%dma_wait3A_783 : memref<10240x64xf32, #tpu.memory_space<vmem_shared>>)
      %dma_start3A_784 = arith.constant 11 : i32
      %dma_start3A_785 = arith.constant 0 : i32
      %dma_start3A_786 = tpu.memref_slice %arg8[%dma_start3A_784, %dma_start3A_785] : memref<16x128xi32, #tpu.memory_space<vmem>> -> memref<1x128xi32, #tpu.memory_space<vmem>>
      %dma_start3A_787 = tpu.memref_squeeze %dma_start3A_786 : memref<1x128xi32, #tpu.memory_space<vmem>> -> memref<128xi32, #tpu.memory_space<vmem>>
      %dma_start3A_788 = arith.constant 0 : i32
      %dma_start3A_789 = arith.constant 0 : i32
      %dma_start3A_790 = tpu.memref_slice %arg15[%dma_start3A_788, %dma_start3A_789] : memref<10240x64xf32, #tpu.memory_space<vmem_shared>> -> memref<10240x64xf32, #tpu.memory_space<vmem_shared>>
      tpu.enqueue_indirect_dma source(%dma_start3A_790 : memref<10240x64xf32, #tpu.memory_space<vmem_shared>>) target(%arg14 : memref<128x64xf32, #tpu.memory_space<vmem>>) offsets(%dma_start3A_787 : memref<128xi32, #tpu.memory_space<vmem>>) semaphore(%arg20 : memref<!tpu.dma_semaphore, #tpu.memory_space<semaphore_mem>>)
      %dma_wait3A_791 = arith.constant 10 : i32
      %dma_wait3A_792 = arith.constant 0 : i32
      %dma_wait3A_793 = tpu.memref_slice %arg8[%dma_wait3A_791, %dma_wait3A_792] : memref<16x128xi32, #tpu.memory_space<vmem>> -> memref<1x128xi32, #tpu.memory_space<vmem>>
      %dma_wait3A_794 = tpu.memref_squeeze %dma_wait3A_793 : memref<1x128xi32, #tpu.memory_space<vmem>> -> memref<128xi32, #tpu.memory_space<vmem>>
      %dma_wait3A_795 = arith.constant 0 : i32
      %dma_wait3A_796 = arith.constant 0 : i32
      %dma_wait3A_797 = tpu.memref_slice %arg15[%dma_wait3A_795, %dma_wait3A_796] : memref<10240x64xf32, #tpu.memory_space<vmem_shared>> -> memref<10240x64xf32, #tpu.memory_space<vmem_shared>>
      tpu.wait_indirect_dma semaphore(%arg19 : memref<!tpu.dma_semaphore, #tpu.memory_space<semaphore_mem>>) src(%dma_wait3A_797 : memref<10240x64xf32, #tpu.memory_space<vmem_shared>>) dst(%arg13 : memref<128x64xf32, #tpu.memory_space<vmem>>)
      %dma_start3A_798 = arith.constant 10 : i32
      %dma_start3A_799 = arith.constant 0 : i32
      %dma_start3A_800 = tpu.memref_slice %arg10[%dma_start3A_798, %dma_start3A_799] : memref<16x128xi32, #tpu.memory_space<vmem>> -> memref<1x128xi32, #tpu.memory_space<vmem>>
      %dma_start3A_801 = tpu.memref_squeeze %dma_start3A_800 : memref<1x128xi32, #tpu.memory_space<vmem>> -> memref<128xi32, #tpu.memory_space<vmem>>
      %dma_start3A_802 = arith.constant 0 : i32
      %dma_start3A_803 = arith.constant 0 : i32
      %dma_start3A_804 = tpu.memref_slice %arg16[%dma_start3A_802, %dma_start3A_803] : memref<10240x64xf32, #tpu.memory_space<vmem_shared>> -> memref<10240x64xf32, #tpu.memory_space<vmem_shared>>
      tpu.enqueue_indirect_dma source(%arg13 : memref<128x64xf32, #tpu.memory_space<vmem>>) target(%dma_start3A_804 : memref<10240x64xf32, #tpu.memory_space<vmem_shared>>) offsets(%dma_start3A_801 : memref<128xi32, #tpu.memory_space<vmem>>) semaphore(%arg23 : memref<!tpu.dma_semaphore, #tpu.memory_space<semaphore_mem>>) {add = true}
      %dma_wait3A_805 = arith.constant 8 : i32
      %dma_wait3A_806 = arith.constant 0 : i32
      %dma_wait3A_807 = tpu.memref_slice %arg10[%dma_wait3A_805, %dma_wait3A_806] : memref<16x128xi32, #tpu.memory_space<vmem>> -> memref<1x128xi32, #tpu.memory_space<vmem>>
      %dma_wait3A_808 = tpu.memref_squeeze %dma_wait3A_807 : memref<1x128xi32, #tpu.memory_space<vmem>> -> memref<128xi32, #tpu.memory_space<vmem>>
      %dma_wait3A_809 = arith.constant 0 : i32
      %dma_wait3A_810 = arith.constant 0 : i32
      %dma_wait3A_811 = tpu.memref_slice %arg16[%dma_wait3A_809, %dma_wait3A_810] : memref<10240x64xf32, #tpu.memory_space<vmem_shared>> -> memref<10240x64xf32, #tpu.memory_space<vmem_shared>>
      tpu.wait_indirect_dma semaphore(%arg21 : memref<!tpu.dma_semaphore, #tpu.memory_space<semaphore_mem>>) src(%arg11 : memref<128x64xf32, #tpu.memory_space<vmem>>) dst(%dma_wait3A_811 : memref<10240x64xf32, #tpu.memory_space<vmem_shared>>)
      %dma_start3A_812 = arith.constant 12 : i32
      %dma_start3A_813 = arith.constant 0 : i32
      %dma_start3A_814 = tpu.memref_slice %arg8[%dma_start3A_812, %dma_start3A_813] : memref<16x128xi32, #tpu.memory_space<vmem>> -> memref<1x128xi32, #tpu.memory_space<vmem>>
      %dma_start3A_815 = tpu.memref_squeeze %dma_start3A_814 : memref<1x128xi32, #tpu.memory_space<vmem>> -> memref<128xi32, #tpu.memory_space<vmem>>
      %dma_start3A_816 = arith.constant 0 : i32
      %dma_start3A_817 = arith.constant 0 : i32
      %dma_start3A_818 = tpu.memref_slice %arg15[%dma_start3A_816, %dma_start3A_817] : memref<10240x64xf32, #tpu.memory_space<vmem_shared>> -> memref<10240x64xf32, #tpu.memory_space<vmem_shared>>
      tpu.enqueue_indirect_dma source(%dma_start3A_818 : memref<10240x64xf32, #tpu.memory_space<vmem_shared>>) target(%arg11 : memref<128x64xf32, #tpu.memory_space<vmem>>) offsets(%dma_start3A_815 : memref<128xi32, #tpu.memory_space<vmem>>) semaphore(%arg17 : memref<!tpu.dma_semaphore, #tpu.memory_space<semaphore_mem>>)
      %dma_wait3A_819 = arith.constant 11 : i32
      %dma_wait3A_820 = arith.constant 0 : i32
      %dma_wait3A_821 = tpu.memref_slice %arg8[%dma_wait3A_819, %dma_wait3A_820] : memref<16x128xi32, #tpu.memory_space<vmem>> -> memref<1x128xi32, #tpu.memory_space<vmem>>
      %dma_wait3A_822 = tpu.memref_squeeze %dma_wait3A_821 : memref<1x128xi32, #tpu.memory_space<vmem>> -> memref<128xi32, #tpu.memory_space<vmem>>
      %dma_wait3A_823 = arith.constant 0 : i32
      %dma_wait3A_824 = arith.constant 0 : i32
      %dma_wait3A_825 = tpu.memref_slice %arg15[%dma_wait3A_823, %dma_wait3A_824] : memref<10240x64xf32, #tpu.memory_space<vmem_shared>> -> memref<10240x64xf32, #tpu.memory_space<vmem_shared>>
      tpu.wait_indirect_dma semaphore(%arg20 : memref<!tpu.dma_semaphore, #tpu.memory_space<semaphore_mem>>) src(%dma_wait3A_825 : memref<10240x64xf32, #tpu.memory_space<vmem_shared>>) dst(%arg14 : memref<128x64xf32, #tpu.memory_space<vmem>>)
      %dma_start3A_826 = arith.constant 11 : i32
      %dma_start3A_827 = arith.constant 0 : i32
      %dma_start3A_828 = tpu.memref_slice %arg10[%dma_start3A_826, %dma_start3A_827] : memref<16x128xi32, #tpu.memory_space<vmem>> -> memref<1x128xi32, #tpu.memory_space<vmem>>
      %dma_start3A_829 = tpu.memref_squeeze %dma_start3A_828 : memref<1x128xi32, #tpu.memory_space<vmem>> -> memref<128xi32, #tpu.memory_space<vmem>>
      %dma_start3A_830 = arith.constant 0 : i32
      %dma_start3A_831 = arith.constant 0 : i32
      %dma_start3A_832 = tpu.memref_slice %arg16[%dma_start3A_830, %dma_start3A_831] : memref<10240x64xf32, #tpu.memory_space<vmem_shared>> -> memref<10240x64xf32, #tpu.memory_space<vmem_shared>>
      tpu.enqueue_indirect_dma source(%arg14 : memref<128x64xf32, #tpu.memory_space<vmem>>) target(%dma_start3A_832 : memref<10240x64xf32, #tpu.memory_space<vmem_shared>>) offsets(%dma_start3A_829 : memref<128xi32, #tpu.memory_space<vmem>>) semaphore(%arg24 : memref<!tpu.dma_semaphore, #tpu.memory_space<semaphore_mem>>) {add = true}
      %dma_wait3A_833 = arith.constant 9 : i32
      %dma_wait3A_834 = arith.constant 0 : i32
      %dma_wait3A_835 = tpu.memref_slice %arg10[%dma_wait3A_833, %dma_wait3A_834] : memref<16x128xi32, #tpu.memory_space<vmem>> -> memref<1x128xi32, #tpu.memory_space<vmem>>
      %dma_wait3A_836 = tpu.memref_squeeze %dma_wait3A_835 : memref<1x128xi32, #tpu.memory_space<vmem>> -> memref<128xi32, #tpu.memory_space<vmem>>
      %dma_wait3A_837 = arith.constant 0 : i32
      %dma_wait3A_838 = arith.constant 0 : i32
      %dma_wait3A_839 = tpu.memref_slice %arg16[%dma_wait3A_837, %dma_wait3A_838] : memref<10240x64xf32, #tpu.memory_space<vmem_shared>> -> memref<10240x64xf32, #tpu.memory_space<vmem_shared>>
      tpu.wait_indirect_dma semaphore(%arg22 : memref<!tpu.dma_semaphore, #tpu.memory_space<semaphore_mem>>) src(%arg12 : memref<128x64xf32, #tpu.memory_space<vmem>>) dst(%dma_wait3A_839 : memref<10240x64xf32, #tpu.memory_space<vmem_shared>>)
      %dma_start3A_840 = arith.constant 13 : i32
      %dma_start3A_841 = arith.constant 0 : i32
      %dma_start3A_842 = tpu.memref_slice %arg8[%dma_start3A_840, %dma_start3A_841] : memref<16x128xi32, #tpu.memory_space<vmem>> -> memref<1x128xi32, #tpu.memory_space<vmem>>
      %dma_start3A_843 = tpu.memref_squeeze %dma_start3A_842 : memref<1x128xi32, #tpu.memory_space<vmem>> -> memref<128xi32, #tpu.memory_space<vmem>>
      %dma_start3A_844 = arith.constant 0 : i32
      %dma_start3A_845 = arith.constant 0 : i32
      %dma_start3A_846 = tpu.memref_slice %arg15[%dma_start3A_844, %dma_start3A_845] : memref<10240x64xf32, #tpu.memory_space<vmem_shared>> -> memref<10240x64xf32, #tpu.memory_space<vmem_shared>>
      tpu.enqueue_indirect_dma source(%dma_start3A_846 : memref<10240x64xf32, #tpu.memory_space<vmem_shared>>) target(%arg12 : memref<128x64xf32, #tpu.memory_space<vmem>>) offsets(%dma_start3A_843 : memref<128xi32, #tpu.memory_space<vmem>>) semaphore(%arg18 : memref<!tpu.dma_semaphore, #tpu.memory_space<semaphore_mem>>)
      %dma_wait3A_847 = arith.constant 12 : i32
      %dma_wait3A_848 = arith.constant 0 : i32
      %dma_wait3A_849 = tpu.memref_slice %arg8[%dma_wait3A_847, %dma_wait3A_848] : memref<16x128xi32, #tpu.memory_space<vmem>> -> memref<1x128xi32, #tpu.memory_space<vmem>>
      %dma_wait3A_850 = tpu.memref_squeeze %dma_wait3A_849 : memref<1x128xi32, #tpu.memory_space<vmem>> -> memref<128xi32, #tpu.memory_space<vmem>>
      %dma_wait3A_851 = arith.constant 0 : i32
      %dma_wait3A_852 = arith.constant 0 : i32
      %dma_wait3A_853 = tpu.memref_slice %arg15[%dma_wait3A_851, %dma_wait3A_852] : memref<10240x64xf32, #tpu.memory_space<vmem_shared>> -> memref<10240x64xf32, #tpu.memory_space<vmem_shared>>
      tpu.wait_indirect_dma semaphore(%arg17 : memref<!tpu.dma_semaphore, #tpu.memory_space<semaphore_mem>>) src(%dma_wait3A_853 : memref<10240x64xf32, #tpu.memory_space<vmem_shared>>) dst(%arg11 : memref<128x64xf32, #tpu.memory_space<vmem>>)
      %dma_start3A_854 = arith.constant 12 : i32
      %dma_start3A_855 = arith.constant 0 : i32
      %dma_start3A_856 = tpu.memref_slice %arg10[%dma_start3A_854, %dma_start3A_855] : memref<16x128xi32, #tpu.memory_space<vmem>> -> memref<1x128xi32, #tpu.memory_space<vmem>>
      %dma_start3A_857 = tpu.memref_squeeze %dma_start3A_856 : memref<1x128xi32, #tpu.memory_space<vmem>> -> memref<128xi32, #tpu.memory_space<vmem>>
      %dma_start3A_858 = arith.constant 0 : i32
      %dma_start3A_859 = arith.constant 0 : i32
      %dma_start3A_860 = tpu.memref_slice %arg16[%dma_start3A_858, %dma_start3A_859] : memref<10240x64xf32, #tpu.memory_space<vmem_shared>> -> memref<10240x64xf32, #tpu.memory_space<vmem_shared>>
      tpu.enqueue_indirect_dma source(%arg11 : memref<128x64xf32, #tpu.memory_space<vmem>>) target(%dma_start3A_860 : memref<10240x64xf32, #tpu.memory_space<vmem_shared>>) offsets(%dma_start3A_857 : memref<128xi32, #tpu.memory_space<vmem>>) semaphore(%arg21 : memref<!tpu.dma_semaphore, #tpu.memory_space<semaphore_mem>>) {add = true}
      %dma_wait3A_861 = arith.constant 10 : i32
      %dma_wait3A_862 = arith.constant 0 : i32
      %dma_wait3A_863 = tpu.memref_slice %arg10[%dma_wait3A_861, %dma_wait3A_862] : memref<16x128xi32, #tpu.memory_space<vmem>> -> memref<1x128xi32, #tpu.memory_space<vmem>>
      %dma_wait3A_864 = tpu.memref_squeeze %dma_wait3A_863 : memref<1x128xi32, #tpu.memory_space<vmem>> -> memref<128xi32, #tpu.memory_space<vmem>>
      %dma_wait3A_865 = arith.constant 0 : i32
      %dma_wait3A_866 = arith.constant 0 : i32
      %dma_wait3A_867 = tpu.memref_slice %arg16[%dma_wait3A_865, %dma_wait3A_866] : memref<10240x64xf32, #tpu.memory_space<vmem_shared>> -> memref<10240x64xf32, #tpu.memory_space<vmem_shared>>
      tpu.wait_indirect_dma semaphore(%arg23 : memref<!tpu.dma_semaphore, #tpu.memory_space<semaphore_mem>>) src(%arg13 : memref<128x64xf32, #tpu.memory_space<vmem>>) dst(%dma_wait3A_867 : memref<10240x64xf32, #tpu.memory_space<vmem_shared>>)
      %dma_start3A_868 = arith.constant 14 : i32
      %dma_start3A_869 = arith.constant 0 : i32
      %dma_start3A_870 = tpu.memref_slice %arg8[%dma_start3A_868, %dma_start3A_869] : memref<16x128xi32, #tpu.memory_space<vmem>> -> memref<1x128xi32, #tpu.memory_space<vmem>>
      %dma_start3A_871 = tpu.memref_squeeze %dma_start3A_870 : memref<1x128xi32, #tpu.memory_space<vmem>> -> memref<128xi32, #tpu.memory_space<vmem>>
      %dma_start3A_872 = arith.constant 0 : i32
      %dma_start3A_873 = arith.constant 0 : i32
      %dma_start3A_874 = tpu.memref_slice %arg15[%dma_start3A_872, %dma_start3A_873] : memref<10240x64xf32, #tpu.memory_space<vmem_shared>> -> memref<10240x64xf32, #tpu.memory_space<vmem_shared>>
      tpu.enqueue_indirect_dma source(%dma_start3A_874 : memref<10240x64xf32, #tpu.memory_space<vmem_shared>>) target(%arg13 : memref<128x64xf32, #tpu.memory_space<vmem>>) offsets(%dma_start3A_871 : memref<128xi32, #tpu.memory_space<vmem>>) semaphore(%arg19 : memref<!tpu.dma_semaphore, #tpu.memory_space<semaphore_mem>>)
      %dma_wait3A_875 = arith.constant 13 : i32
      %dma_wait3A_876 = arith.constant 0 : i32
      %dma_wait3A_877 = tpu.memref_slice %arg8[%dma_wait3A_875, %dma_wait3A_876] : memref<16x128xi32, #tpu.memory_space<vmem>> -> memref<1x128xi32, #tpu.memory_space<vmem>>
      %dma_wait3A_878 = tpu.memref_squeeze %dma_wait3A_877 : memref<1x128xi32, #tpu.memory_space<vmem>> -> memref<128xi32, #tpu.memory_space<vmem>>
      %dma_wait3A_879 = arith.constant 0 : i32
      %dma_wait3A_880 = arith.constant 0 : i32
      %dma_wait3A_881 = tpu.memref_slice %arg15[%dma_wait3A_879, %dma_wait3A_880] : memref<10240x64xf32, #tpu.memory_space<vmem_shared>> -> memref<10240x64xf32, #tpu.memory_space<vmem_shared>>
      tpu.wait_indirect_dma semaphore(%arg18 : memref<!tpu.dma_semaphore, #tpu.memory_space<semaphore_mem>>) src(%dma_wait3A_881 : memref<10240x64xf32, #tpu.memory_space<vmem_shared>>) dst(%arg12 : memref<128x64xf32, #tpu.memory_space<vmem>>)
      %dma_start3A_882 = arith.constant 13 : i32
      %dma_start3A_883 = arith.constant 0 : i32
      %dma_start3A_884 = tpu.memref_slice %arg10[%dma_start3A_882, %dma_start3A_883] : memref<16x128xi32, #tpu.memory_space<vmem>> -> memref<1x128xi32, #tpu.memory_space<vmem>>
      %dma_start3A_885 = tpu.memref_squeeze %dma_start3A_884 : memref<1x128xi32, #tpu.memory_space<vmem>> -> memref<128xi32, #tpu.memory_space<vmem>>
      %dma_start3A_886 = arith.constant 0 : i32
      %dma_start3A_887 = arith.constant 0 : i32
      %dma_start3A_888 = tpu.memref_slice %arg16[%dma_start3A_886, %dma_start3A_887] : memref<10240x64xf32, #tpu.memory_space<vmem_shared>> -> memref<10240x64xf32, #tpu.memory_space<vmem_shared>>
      tpu.enqueue_indirect_dma source(%arg12 : memref<128x64xf32, #tpu.memory_space<vmem>>) target(%dma_start3A_888 : memref<10240x64xf32, #tpu.memory_space<vmem_shared>>) offsets(%dma_start3A_885 : memref<128xi32, #tpu.memory_space<vmem>>) semaphore(%arg22 : memref<!tpu.dma_semaphore, #tpu.memory_space<semaphore_mem>>) {add = true}
      %dma_wait3A_889 = arith.constant 11 : i32
      %dma_wait3A_890 = arith.constant 0 : i32
      %dma_wait3A_891 = tpu.memref_slice %arg10[%dma_wait3A_889, %dma_wait3A_890] : memref<16x128xi32, #tpu.memory_space<vmem>> -> memref<1x128xi32, #tpu.memory_space<vmem>>
      %dma_wait3A_892 = tpu.memref_squeeze %dma_wait3A_891 : memref<1x128xi32, #tpu.memory_space<vmem>> -> memref<128xi32, #tpu.memory_space<vmem>>
      %dma_wait3A_893 = arith.constant 0 : i32
      %dma_wait3A_894 = arith.constant 0 : i32
      %dma_wait3A_895 = tpu.memref_slice %arg16[%dma_wait3A_893, %dma_wait3A_894] : memref<10240x64xf32, #tpu.memory_space<vmem_shared>> -> memref<10240x64xf32, #tpu.memory_space<vmem_shared>>
      tpu.wait_indirect_dma semaphore(%arg24 : memref<!tpu.dma_semaphore, #tpu.memory_space<semaphore_mem>>) src(%arg14 : memref<128x64xf32, #tpu.memory_space<vmem>>) dst(%dma_wait3A_895 : memref<10240x64xf32, #tpu.memory_space<vmem_shared>>)
      %dma_start3A_896 = arith.constant 15 : i32
      %dma_start3A_897 = arith.constant 0 : i32
      %dma_start3A_898 = tpu.memref_slice %arg8[%dma_start3A_896, %dma_start3A_897] : memref<16x128xi32, #tpu.memory_space<vmem>> -> memref<1x128xi32, #tpu.memory_space<vmem>>
      %dma_start3A_899 = tpu.memref_squeeze %dma_start3A_898 : memref<1x128xi32, #tpu.memory_space<vmem>> -> memref<128xi32, #tpu.memory_space<vmem>>
      %dma_start3A_900 = arith.constant 0 : i32
      %dma_start3A_901 = arith.constant 0 : i32
      %dma_start3A_902 = tpu.memref_slice %arg15[%dma_start3A_900, %dma_start3A_901] : memref<10240x64xf32, #tpu.memory_space<vmem_shared>> -> memref<10240x64xf32, #tpu.memory_space<vmem_shared>>
      tpu.enqueue_indirect_dma source(%dma_start3A_902 : memref<10240x64xf32, #tpu.memory_space<vmem_shared>>) target(%arg14 : memref<128x64xf32, #tpu.memory_space<vmem>>) offsets(%dma_start3A_899 : memref<128xi32, #tpu.memory_space<vmem>>) semaphore(%arg20 : memref<!tpu.dma_semaphore, #tpu.memory_space<semaphore_mem>>)
      %dma_wait3A_903 = arith.constant 14 : i32
      %dma_wait3A_904 = arith.constant 0 : i32
      %dma_wait3A_905 = tpu.memref_slice %arg8[%dma_wait3A_903, %dma_wait3A_904] : memref<16x128xi32, #tpu.memory_space<vmem>> -> memref<1x128xi32, #tpu.memory_space<vmem>>
      %dma_wait3A_906 = tpu.memref_squeeze %dma_wait3A_905 : memref<1x128xi32, #tpu.memory_space<vmem>> -> memref<128xi32, #tpu.memory_space<vmem>>
      %dma_wait3A_907 = arith.constant 0 : i32
      %dma_wait3A_908 = arith.constant 0 : i32
      %dma_wait3A_909 = tpu.memref_slice %arg15[%dma_wait3A_907, %dma_wait3A_908] : memref<10240x64xf32, #tpu.memory_space<vmem_shared>> -> memref<10240x64xf32, #tpu.memory_space<vmem_shared>>
      tpu.wait_indirect_dma semaphore(%arg19 : memref<!tpu.dma_semaphore, #tpu.memory_space<semaphore_mem>>) src(%dma_wait3A_909 : memref<10240x64xf32, #tpu.memory_space<vmem_shared>>) dst(%arg13 : memref<128x64xf32, #tpu.memory_space<vmem>>)
      %dma_start3A_910 = arith.constant 14 : i32
      %dma_start3A_911 = arith.constant 0 : i32
      %dma_start3A_912 = tpu.memref_slice %arg10[%dma_start3A_910, %dma_start3A_911] : memref<16x128xi32, #tpu.memory_space<vmem>> -> memref<1x128xi32, #tpu.memory_space<vmem>>
      %dma_start3A_913 = tpu.memref_squeeze %dma_start3A_912 : memref<1x128xi32, #tpu.memory_space<vmem>> -> memref<128xi32, #tpu.memory_space<vmem>>
      %dma_start3A_914 = arith.constant 0 : i32
      %dma_start3A_915 = arith.constant 0 : i32
      %dma_start3A_916 = tpu.memref_slice %arg16[%dma_start3A_914, %dma_start3A_915] : memref<10240x64xf32, #tpu.memory_space<vmem_shared>> -> memref<10240x64xf32, #tpu.memory_space<vmem_shared>>
      tpu.enqueue_indirect_dma source(%arg13 : memref<128x64xf32, #tpu.memory_space<vmem>>) target(%dma_start3A_916 : memref<10240x64xf32, #tpu.memory_space<vmem_shared>>) offsets(%dma_start3A_913 : memref<128xi32, #tpu.memory_space<vmem>>) semaphore(%arg23 : memref<!tpu.dma_semaphore, #tpu.memory_space<semaphore_mem>>) {add = true}
      %dma_wait3A_917 = arith.constant 15 : i32
      %dma_wait3A_918 = arith.constant 0 : i32
      %dma_wait3A_919 = tpu.memref_slice %arg8[%dma_wait3A_917, %dma_wait3A_918] : memref<16x128xi32, #tpu.memory_space<vmem>> -> memref<1x128xi32, #tpu.memory_space<vmem>>
      %dma_wait3A_920 = tpu.memref_squeeze %dma_wait3A_919 : memref<1x128xi32, #tpu.memory_space<vmem>> -> memref<128xi32, #tpu.memory_space<vmem>>
      %dma_wait3A_921 = arith.constant 0 : i32
      %dma_wait3A_922 = arith.constant 0 : i32
      %dma_wait3A_923 = tpu.memref_slice %arg15[%dma_wait3A_921, %dma_wait3A_922] : memref<10240x64xf32, #tpu.memory_space<vmem_shared>> -> memref<10240x64xf32, #tpu.memory_space<vmem_shared>>
      tpu.wait_indirect_dma semaphore(%arg20 : memref<!tpu.dma_semaphore, #tpu.memory_space<semaphore_mem>>) src(%dma_wait3A_923 : memref<10240x64xf32, #tpu.memory_space<vmem_shared>>) dst(%arg14 : memref<128x64xf32, #tpu.memory_space<vmem>>)
      %dma_start3A_924 = arith.constant 15 : i32
      %dma_start3A_925 = arith.constant 0 : i32
      %dma_start3A_926 = tpu.memref_slice %arg10[%dma_start3A_924, %dma_start3A_925] : memref<16x128xi32, #tpu.memory_space<vmem>> -> memref<1x128xi32, #tpu.memory_space<vmem>>
      %dma_start3A_927 = tpu.memref_squeeze %dma_start3A_926 : memref<1x128xi32, #tpu.memory_space<vmem>> -> memref<128xi32, #tpu.memory_space<vmem>>
      %dma_start3A_928 = arith.constant 0 : i32
      %dma_start3A_929 = arith.constant 0 : i32
      %dma_start3A_930 = tpu.memref_slice %arg16[%dma_start3A_928, %dma_start3A_929] : memref<10240x64xf32, #tpu.memory_space<vmem_shared>> -> memref<10240x64xf32, #tpu.memory_space<vmem_shared>>
      tpu.enqueue_indirect_dma source(%arg14 : memref<128x64xf32, #tpu.memory_space<vmem>>) target(%dma_start3A_930 : memref<10240x64xf32, #tpu.memory_space<vmem_shared>>) offsets(%dma_start3A_927 : memref<128xi32, #tpu.memory_space<vmem>>) semaphore(%arg24 : memref<!tpu.dma_semaphore, #tpu.memory_space<semaphore_mem>>) {add = true}
      %dma_wait3A_931 = arith.constant 12 : i32
      %dma_wait3A_932 = arith.constant 0 : i32
      %dma_wait3A_933 = tpu.memref_slice %arg10[%dma_wait3A_931, %dma_wait3A_932] : memref<16x128xi32, #tpu.memory_space<vmem>> -> memref<1x128xi32, #tpu.memory_space<vmem>>
      %dma_wait3A_934 = tpu.memref_squeeze %dma_wait3A_933 : memref<1x128xi32, #tpu.memory_space<vmem>> -> memref<128xi32, #tpu.memory_space<vmem>>
      %dma_wait3A_935 = arith.constant 0 : i32
      %dma_wait3A_936 = arith.constant 0 : i32
      %dma_wait3A_937 = tpu.memref_slice %arg16[%dma_wait3A_935, %dma_wait3A_936] : memref<10240x64xf32, #tpu.memory_space<vmem_shared>> -> memref<10240x64xf32, #tpu.memory_space<vmem_shared>>
      tpu.wait_indirect_dma semaphore(%arg21 : memref<!tpu.dma_semaphore, #tpu.memory_space<semaphore_mem>>) src(%arg11 : memref<128x64xf32, #tpu.memory_space<vmem>>) dst(%dma_wait3A_937 : memref<10240x64xf32, #tpu.memory_space<vmem_shared>>)
      %dma_wait3A_938 = arith.constant 13 : i32
      %dma_wait3A_939 = arith.constant 0 : i32
      %dma_wait3A_940 = tpu.memref_slice %arg10[%dma_wait3A_938, %dma_wait3A_939] : memref<16x128xi32, #tpu.memory_space<vmem>> -> memref<1x128xi32, #tpu.memory_space<vmem>>
      %dma_wait3A_941 = tpu.memref_squeeze %dma_wait3A_940 : memref<1x128xi32, #tpu.memory_space<vmem>> -> memref<128xi32, #tpu.memory_space<vmem>>
      %dma_wait3A_942 = arith.constant 0 : i32
      %dma_wait3A_943 = arith.constant 0 : i32
      %dma_wait3A_944 = tpu.memref_slice %arg16[%dma_wait3A_942, %dma_wait3A_943] : memref<10240x64xf32, #tpu.memory_space<vmem_shared>> -> memref<10240x64xf32, #tpu.memory_space<vmem_shared>>
      tpu.wait_indirect_dma semaphore(%arg22 : memref<!tpu.dma_semaphore, #tpu.memory_space<semaphore_mem>>) src(%arg12 : memref<128x64xf32, #tpu.memory_space<vmem>>) dst(%dma_wait3A_944 : memref<10240x64xf32, #tpu.memory_space<vmem_shared>>)
      %dma_wait3A_945 = arith.constant 14 : i32
      %dma_wait3A_946 = arith.constant 0 : i32
      %dma_wait3A_947 = tpu.memref_slice %arg10[%dma_wait3A_945, %dma_wait3A_946] : memref<16x128xi32, #tpu.memory_space<vmem>> -> memref<1x128xi32, #tpu.memory_space<vmem>>
      %dma_wait3A_948 = tpu.memref_squeeze %dma_wait3A_947 : memref<1x128xi32, #tpu.memory_space<vmem>> -> memref<128xi32, #tpu.memory_space<vmem>>
      %dma_wait3A_949 = arith.constant 0 : i32
      %dma_wait3A_950 = arith.constant 0 : i32
      %dma_wait3A_951 = tpu.memref_slice %arg16[%dma_wait3A_949, %dma_wait3A_950] : memref<10240x64xf32, #tpu.memory_space<vmem_shared>> -> memref<10240x64xf32, #tpu.memory_space<vmem_shared>>
      tpu.wait_indirect_dma semaphore(%arg23 : memref<!tpu.dma_semaphore, #tpu.memory_space<semaphore_mem>>) src(%arg13 : memref<128x64xf32, #tpu.memory_space<vmem>>) dst(%dma_wait3A_951 : memref<10240x64xf32, #tpu.memory_space<vmem_shared>>)
      %dma_wait3A_952 = arith.constant 15 : i32
      %dma_wait3A_953 = arith.constant 0 : i32
      %dma_wait3A_954 = tpu.memref_slice %arg10[%dma_wait3A_952, %dma_wait3A_953] : memref<16x128xi32, #tpu.memory_space<vmem>> -> memref<1x128xi32, #tpu.memory_space<vmem>>
      %dma_wait3A_955 = tpu.memref_squeeze %dma_wait3A_954 : memref<1x128xi32, #tpu.memory_space<vmem>> -> memref<128xi32, #tpu.memory_space<vmem>>
      %dma_wait3A_956 = arith.constant 0 : i32
      %dma_wait3A_957 = arith.constant 0 : i32
      %dma_wait3A_958 = tpu.memref_slice %arg16[%dma_wait3A_956, %dma_wait3A_957] : memref<10240x64xf32, #tpu.memory_space<vmem_shared>> -> memref<10240x64xf32, #tpu.memory_space<vmem_shared>>
      tpu.wait_indirect_dma semaphore(%arg24 : memref<!tpu.dma_semaphore, #tpu.memory_space<semaphore_mem>>) src(%arg14 : memref<128x64xf32, #tpu.memory_space<vmem>>) dst(%dma_wait3A_958 : memref<10240x64xf32, #tpu.memory_space<vmem_shared>>)
      %add3A_959 = arith.constant 1 : i32
      %add3A_960 = arith.addi %add3A_503, %add3A_959 : i32
      %lt3A_961 = arith.constant 10 : i32
      %lt3A_962 = arith.cmpi slt, %add3A_960, %lt3A_961 : i32
      %convert_element_type3A_963 = arith.extui %lt3A_962 : i1 to i32
      %cond3A_964 = arith.constant 0 : i32
      %cond3A_965 = arith.cmpi ne, %convert_element_type3A_963, %cond3A_964 : i32
      scf.if %cond3A_965 {
        %add3A_967 = arith.constant 1 : i32
        %add3A_968 = arith.addi %add3A_503, %add3A_967 : i32
        %mul3A_969 = arith.constant 16 : i32
        %mul3A_970 = arith.muli %add3A_968, %mul3A_969 : i32
        %dma_wait3A_971 = arith.constant 0 : i32
        %dma_wait3A_972 = tpu.memref_slice %arg5[%arg1, %mul3A_970, %dma_wait3A_971] : memref<16x160x128xi32, #tpu.memory_space<hbm>> -> memref<1x16x128xi32, #tpu.memory_space<hbm>>
        %dma_wait3A_973 = tpu.memref_squeeze %dma_wait3A_972 : memref<1x16x128xi32, #tpu.memory_space<hbm>> -> memref<16x128xi32, #tpu.memory_space<hbm>>
        %dma_wait3A_974 = arith.constant 0 : i32
        %dma_wait3A_975 = tpu.memref_slice %arg5[%arg1, %mul3A_970, %dma_wait3A_974] : memref<16x160x128xi32, #tpu.memory_space<hbm>> -> memref<1x16x128xi32, #tpu.memory_space<hbm>>
        %dma_wait3A_976 = tpu.memref_squeeze %dma_wait3A_975 : memref<1x16x128xi32, #tpu.memory_space<hbm>> -> memref<16x128xi32, #tpu.memory_space<hbm>>
        tpu.wait_dma2 semaphore(%arg25 : memref<!tpu.dma_semaphore, #tpu.memory_space<semaphore_mem>>) src(%dma_wait3A_976 : memref<16x128xi32, #tpu.memory_space<hbm>>) dst(%arg7 : memref<16x128xi32, #tpu.memory_space<vmem>>)
        %add3A_977 = arith.constant 1 : i32
        %add3A_978 = arith.addi %add3A_503, %add3A_977 : i32
        %mul3A_979 = arith.constant 16 : i32
        %mul3A_980 = arith.muli %add3A_978, %mul3A_979 : i32
        %dma_wait3A_981 = arith.constant 0 : i32
        %dma_wait3A_982 = tpu.memref_slice %arg4[%arg1, %mul3A_980, %dma_wait3A_981] : memref<16x160x128xi32, #tpu.memory_space<hbm>> -> memref<1x16x128xi32, #tpu.memory_space<hbm>>
        %dma_wait3A_983 = tpu.memref_squeeze %dma_wait3A_982 : memref<1x16x128xi32, #tpu.memory_space<hbm>> -> memref<16x128xi32, #tpu.memory_space<hbm>>
        %dma_wait3A_984 = arith.constant 0 : i32
        %dma_wait3A_985 = tpu.memref_slice %arg4[%arg1, %mul3A_980, %dma_wait3A_984] : memref<16x160x128xi32, #tpu.memory_space<hbm>> -> memref<1x16x128xi32, #tpu.memory_space<hbm>>
        %dma_wait3A_986 = tpu.memref_squeeze %dma_wait3A_985 : memref<1x16x128xi32, #tpu.memory_space<hbm>> -> memref<16x128xi32, #tpu.memory_space<hbm>>
        tpu.wait_dma2 semaphore(%arg25 : memref<!tpu.dma_semaphore, #tpu.memory_space<semaphore_mem>>) src(%dma_wait3A_986 : memref<16x128xi32, #tpu.memory_space<hbm>>) dst(%arg9 : memref<16x128xi32, #tpu.memory_space<vmem>>)
      } else {
      }
      %scan3A_966 = arith.constant 0 : i32
      scf.yield %scan3A_966 : i32
    }
    %scan3A_33 = arith.constant 5 : i32
    %barrier3A_34 = arith.constant 0 : index
    tpu.barrier barrier_id(%barrier3A_34)
    %mul3A = arith.constant 640 : i32
    %mul3A_35 = arith.muli %arg1, %mul3A : i32
    %mul3A_36 = arith.constant 640 : i32
    %mul3A_37 = arith.muli %arg1, %mul3A_36 : i32
    "tpu.region"() ({
      %run_scoped3A = tpu.sem_alloc : memref<!tpu.dma_semaphore, #tpu.memory_space<semaphore_mem>>
      %dma_start3A = arith.constant 0 : i32
      %dma_start3A_38 = tpu.memref_slice %arg6[%arg0, %mul3A_37, %dma_start3A] : memref<2x10240x64xf32, #tpu.memory_space<hbm>> -> memref<1x640x64xf32, #tpu.memory_space<hbm>>
      %dma_start3A_39 = tpu.memref_squeeze %dma_start3A_38 : memref<1x640x64xf32, #tpu.memory_space<hbm>> -> memref<640x64xf32, #tpu.memory_space<hbm>>
      %dma_start3A_40 = arith.constant 0 : i32
      %dma_start3A_41 = tpu.memref_slice %arg16[%mul3A_35, %dma_start3A_40] : memref<10240x64xf32, #tpu.memory_space<vmem_shared>> -> memref<640x64xf32, #tpu.memory_space<vmem_shared>>
      tpu.enqueue_dma source(%dma_start3A_41 : memref<640x64xf32, #tpu.memory_space<vmem_shared>>) target(%dma_start3A_39 : memref<640x64xf32, #tpu.memory_space<hbm>>) target_semaphore(%run_scoped3A : memref<!tpu.dma_semaphore, #tpu.memory_space<semaphore_mem>>)
      %dma_wait3A = arith.constant 0 : i32
      %dma_wait3A_42 = tpu.memref_slice %arg6[%arg0, %mul3A_37, %dma_wait3A] : memref<2x10240x64xf32, #tpu.memory_space<hbm>> -> memref<1x640x64xf32, #tpu.memory_space<hbm>>
      %dma_wait3A_43 = tpu.memref_squeeze %dma_wait3A_42 : memref<1x640x64xf32, #tpu.memory_space<hbm>> -> memref<640x64xf32, #tpu.memory_space<hbm>>
      %dma_wait3A_44 = arith.constant 0 : i32
      %dma_wait3A_45 = tpu.memref_slice %arg16[%mul3A_35, %dma_wait3A_44] : memref<10240x64xf32, #tpu.memory_space<vmem_shared>> -> memref<640x64xf32, #tpu.memory_space<vmem_shared>>
      tpu.wait_dma2 semaphore(%run_scoped3A : memref<!tpu.dma_semaphore, #tpu.memory_space<semaphore_mem>>) src(%dma_wait3A_45 : memref<640x64xf32, #tpu.memory_space<vmem_shared>>) dst(%dma_wait3A_43 : memref<640x64xf32, #tpu.memory_space<hbm>>)
      tpu.yield
    }) : () -> ()
    return
  }
}

module attributes {stable_mosaic.version = 14 : i64} {
  func.func @body(%arg0: i32, %arg1: memref<512x128xf32, #tpu.memory_space<vmem>>, %arg2: memref<128x128xf32, #tpu.memory_space<vmem>>, %arg3: memref<2x512x1xf32, #tpu.memory_space<vmem>>, %arg4: memref<512x64xf32, #tpu.memory_space<vmem>>, %arg5: memref<512x64xf32, #tpu.memory_space<vmem>>) attributes {dimension_semantics = [#tpu.dimension_semantics<arbitrary>], iteration_bounds = array<i64: 20>, scalar_prefetch = 0 : i64, scratch_operands = 0 : i64, tpu.core_type = #tpu.core_type<tc>, window_params = [{transform_indices = @transform_0, window_bounds = array<i64: 512, 128>}, {pipeline_mode = #tpu.pipeline_mode<synchronous>, transform_indices = @transform_1, window_bounds = array<i64: 128, 128>}, {transform_indices = @transform_2, window_bounds = array<i64: 2, 512, 1>}, {transform_indices = @transform_3, window_bounds = array<i64: 512, 64>}, {transform_indices = @transform_4, window_bounds = array<i64: 512, 64>}]} {
    %get3A = arith.constant 0 : index
    %get3A_0 = arith.constant 0 : index
    %get3A_1 = vector.load %arg1[%get3A, %get3A_0] : memref<512x128xf32, #tpu.memory_space<vmem>>, vector<512x128xf32>
    %get3A_2 = arith.constant 0 : index
    %get3A_3 = arith.constant 0 : index
    %get3A_4 = vector.load %arg2[%get3A_2, %get3A_3] : memref<128x128xf32, #tpu.memory_space<vmem>>, vector<128x128xf32>
    %dot_general3A = arith.constant dense<0.000000e+00> : vector<512x128xf32>
    %dot_general3A_5 = tpu.matmul %get3A_1, %get3A_4, %dot_general3A {dimension_numbers = #tpu.dot_dimension_numbers<[1], [0], [0], [1], [0, 0, 1, 1], [], []>, transpose_lhs_hint = false} : vector<512x128xf32>, vector<128x128xf32>, vector<512x128xf32> -> vector<512x128xf32>
    %get3A_6 = arith.constant 0 : index
    %get3A_7 = arith.constant 0 : index
    %get3A_8 = arith.constant 0 : index
    %get3A_9 = vector.load %arg3[%get3A_6, %get3A_7, %get3A_8] : memref<2x512x1xf32, #tpu.memory_space<vmem>>, vector<2x512x1xf32>
    %slice3A = vector.extract_strided_slice %get3A_9 {offsets = [0, 0, 0], sizes = [1, 512, 1], strides = [1, 1, 1]} : vector<2x512x1xf32> to vector<1x512x1xf32>
    %squeeze3A = vector.shape_cast %slice3A : vector<1x512x1xf32> to vector<512x1xf32>
    %slice3A_10 = vector.extract_strided_slice %get3A_9 {offsets = [1, 0, 0], sizes = [1, 512, 1], strides = [1, 1, 1]} : vector<2x512x1xf32> to vector<1x512x1xf32>
    %squeeze3A_11 = vector.shape_cast %slice3A_10 : vector<1x512x1xf32> to vector<512x1xf32>
    %add3A = arith.addf %squeeze3A, %squeeze3A_11 : vector<512x1xf32>
    %add3A_12 = arith.constant 2.000000e+00 : f32
    %add3A_13 = vector.broadcast %add3A_12 : f32 to vector<512x1xf32>
    %add3A_14 = arith.addf %add3A, %add3A_13 : vector<512x1xf32>
    %rsqrt3A = math.rsqrt %add3A_14 : vector<512x1xf32>
    %mul3A = vector.broadcast %rsqrt3A : vector<512x1xf32> to vector<512x128xf32>
    %mul3A_15 = arith.mulf %dot_general3A_5, %mul3A : vector<512x128xf32>
    %slice3A_16 = vector.extract_strided_slice %mul3A_15 {offsets = [0, 0], sizes = [512, 64], strides = [1, 1]} : vector<512x128xf32> to vector<512x64xf32>
    %swap3A = arith.constant 0 : index
    %swap3A_17 = arith.constant 0 : index
    %swap3A_18 = vector.load %arg4[%swap3A, %swap3A_17] : memref<512x64xf32, #tpu.memory_space<vmem>>, vector<512x64xf32>
    tpu.vector_store %arg4[%swap3A, %swap3A_17], %slice3A_16 {strides = array<i32>} : memref<512x64xf32, #tpu.memory_space<vmem>>, vector<512x64xf32>,
    %slice3A_19 = vector.extract_strided_slice %mul3A_15 {offsets = [0, 64], sizes = [512, 64], strides = [1, 1]} : vector<512x128xf32> to vector<512x64xf32>
    %swap3A_20 = arith.constant 0 : index
    %swap3A_21 = arith.constant 0 : index
    %swap3A_22 = vector.load %arg5[%swap3A_20, %swap3A_21] : memref<512x64xf32, #tpu.memory_space<vmem>>, vector<512x64xf32>
    tpu.vector_store %arg5[%swap3A_20, %swap3A_21], %slice3A_19 {strides = array<i32>} : memref<512x64xf32, #tpu.memory_space<vmem>>, vector<512x64xf32>,
    return
  }
  func.func @transform_0(%arg0: i32) -> (i32, i32) {
    %c0_i32 = arith.constant 0 : i32
    %c0_i32_0 = arith.constant 0 : i32
    return %arg0, %c0_i32 : i32, i32
  }
  func.func @transform_1(%arg0: i32) -> (i32, i32) {
    %c0_i32 = arith.constant 0 : i32
    %c0_i32_0 = arith.constant 0 : i32
    %c0_i32_1 = arith.constant 0 : i32
    return %c0_i32, %c0_i32_0 : i32, i32
  }
  func.func @transform_2(%arg0: i32) -> (i32, i32, i32) {
    %c0_i32 = arith.constant 0 : i32
    %c0_i32_0 = arith.constant 0 : i32
    %c0_i32_1 = arith.constant 0 : i32
    return %c0_i32, %arg0, %c0_i32_0 : i32, i32, i32
  }
  func.func @transform_3(%arg0: i32) -> (i32, i32) {
    %c0_i32 = arith.constant 0 : i32
    %c0_i32_0 = arith.constant 0 : i32
    return %arg0, %c0_i32 : i32, i32
  }
  func.func @transform_4(%arg0: i32) -> (i32, i32) {
    %c0_i32 = arith.constant 0 : i32
    %c0_i32_0 = arith.constant 0 : i32
    return %arg0, %c0_i32 : i32, i32
  }
}

module attributes {stable_mosaic.version = 14 : i64} {
  func.func @body(%arg0: i32, %arg1: memref<2x512x64xf32, #tpu.memory_space<vmem>>, %arg2: memref<512x64xf32, #tpu.memory_space<vmem>>, %arg3: memref<512x64xf32, #tpu.memory_space<vmem>>, %arg4: memref<2x512x1xf32, #tpu.memory_space<vmem>>, %arg5: memref<512x128xf32, #tpu.memory_space<vmem>>) attributes {dimension_semantics = [#tpu.dimension_semantics<arbitrary>], iteration_bounds = array<i64: 20>, scalar_prefetch = 0 : i64, scratch_operands = 0 : i64, tpu.core_type = #tpu.core_type<tc>, window_params = [{transform_indices = @transform_0, window_bounds = array<i64: 2, 512, 64>}, {transform_indices = @transform_1, window_bounds = array<i64: 512, 64>}, {transform_indices = @transform_2, window_bounds = array<i64: 512, 64>}, {transform_indices = @transform_3, window_bounds = array<i64: 2, 512, 1>}, {transform_indices = @transform_4, window_bounds = array<i64: 512, 128>}]} {
    %get3A = arith.constant 0 : index
    %get3A_0 = arith.constant 0 : index
    %get3A_1 = arith.constant 0 : index
    %get3A_2 = vector.load %arg4[%get3A, %get3A_0, %get3A_1] : memref<2x512x1xf32, #tpu.memory_space<vmem>>, vector<2x512x1xf32>
    %slice3A = vector.extract_strided_slice %get3A_2 {offsets = [0, 0, 0], sizes = [1, 512, 1], strides = [1, 1, 1]} : vector<2x512x1xf32> to vector<1x512x1xf32>
    %squeeze3A = vector.shape_cast %slice3A : vector<1x512x1xf32> to vector<512x1xf32>
    %slice3A_3 = vector.extract_strided_slice %get3A_2 {offsets = [1, 0, 0], sizes = [1, 512, 1], strides = [1, 1, 1]} : vector<2x512x1xf32> to vector<1x512x1xf32>
    %squeeze3A_4 = vector.shape_cast %slice3A_3 : vector<1x512x1xf32> to vector<512x1xf32>
    %add3A = arith.addf %squeeze3A, %squeeze3A_4 : vector<512x1xf32>
    %add3A_5 = arith.constant 2.000000e+00 : f32
    %add3A_6 = vector.broadcast %add3A_5 : f32 to vector<512x1xf32>
    %add3A_7 = arith.addf %add3A, %add3A_6 : vector<512x1xf32>
    %rsqrt3A = math.rsqrt %add3A_7 : vector<512x1xf32>
    %get3A_8 = arith.constant 0 : index
    %get3A_9 = arith.constant 0 : index
    %get3A_10 = arith.constant 0 : index
    %get3A_11 = vector.load %arg1[%get3A_8, %get3A_9, %get3A_10] : memref<2x512x64xf32, #tpu.memory_space<vmem>>, vector<1x512x64xf32>
    %get3A_12 = vector.shape_cast %get3A_11 : vector<1x512x64xf32> to vector<512x64xf32>
    %get3A_13 = arith.constant 0 : index
    %get3A_14 = arith.constant 0 : index
    %get3A_15 = vector.load %arg2[%get3A_13, %get3A_14] : memref<512x64xf32, #tpu.memory_space<vmem>>, vector<512x64xf32>
    %mul3A = arith.constant 2.000000e+00 : f32
    %mul3A_16 = vector.broadcast %mul3A : f32 to vector<512x64xf32>
    %mul3A_17 = arith.mulf %mul3A_16, %get3A_15 : vector<512x64xf32>
    %add3A_18 = arith.addf %get3A_12, %mul3A_17 : vector<512x64xf32>
    %get3A_19 = arith.constant 1 : index
    %get3A_20 = arith.constant 0 : index
    %get3A_21 = arith.constant 0 : index
    %get3A_22 = vector.load %arg1[%get3A_19, %get3A_20, %get3A_21] : memref<2x512x64xf32, #tpu.memory_space<vmem>>, vector<1x512x64xf32>
    %get3A_23 = vector.shape_cast %get3A_22 : vector<1x512x64xf32> to vector<512x64xf32>
    %get3A_24 = arith.constant 0 : index
    %get3A_25 = arith.constant 0 : index
    %get3A_26 = vector.load %arg3[%get3A_24, %get3A_25] : memref<512x64xf32, #tpu.memory_space<vmem>>, vector<512x64xf32>
    %mul3A_27 = arith.constant 2.000000e+00 : f32
    %mul3A_28 = vector.broadcast %mul3A_27 : f32 to vector<512x64xf32>
    %mul3A_29 = arith.mulf %mul3A_28, %get3A_26 : vector<512x64xf32>
    %add3A_30 = arith.addf %get3A_23, %mul3A_29 : vector<512x64xf32>
    %mul3A_31 = vector.broadcast %rsqrt3A : vector<512x1xf32> to vector<512x64xf32>
    %mul3A_32 = arith.mulf %add3A_18, %mul3A_31 : vector<512x64xf32>
    %max3A = arith.constant 0.000000e+00 : f32
    %max3A_33 = vector.broadcast %max3A : f32 to vector<512x64xf32>
    %max3A_34 = arith.maximumf %mul3A_32, %max3A_33 : vector<512x64xf32>
    %swap3A = arith.constant 0 : index
    %swap3A_35 = arith.constant 0 : index
    %swap3A_36 = vector.load %arg5[%swap3A, %swap3A_35] : memref<512x128xf32, #tpu.memory_space<vmem>>, vector<512x64xf32>
    tpu.vector_store %arg5[%swap3A, %swap3A_35], %max3A_34 {strides = array<i32>} : memref<512x128xf32, #tpu.memory_space<vmem>>, vector<512x64xf32>,
    %mul3A_37 = vector.broadcast %rsqrt3A : vector<512x1xf32> to vector<512x64xf32>
    %mul3A_38 = arith.mulf %add3A_30, %mul3A_37 : vector<512x64xf32>
    %max3A_39 = arith.constant 0.000000e+00 : f32
    %max3A_40 = vector.broadcast %max3A_39 : f32 to vector<512x64xf32>
    %max3A_41 = arith.maximumf %mul3A_38, %max3A_40 : vector<512x64xf32>
    %swap3A_42 = arith.constant 0 : index
    %swap3A_43 = arith.constant 64 : index
    %swap3A_44 = vector.load %arg5[%swap3A_42, %swap3A_43] : memref<512x128xf32, #tpu.memory_space<vmem>>, vector<512x64xf32>
    tpu.vector_store %arg5[%swap3A_42, %swap3A_43], %max3A_41 {strides = array<i32>} : memref<512x128xf32, #tpu.memory_space<vmem>>, vector<512x64xf32>,
    return
  }
  func.func @transform_0(%arg0: i32) -> (i32, i32, i32) {
    %c0_i32 = arith.constant 0 : i32
    %c0_i32_0 = arith.constant 0 : i32
    %c0_i32_1 = arith.constant 0 : i32
    return %c0_i32, %arg0, %c0_i32_0 : i32, i32, i32
  }
  func.func @transform_1(%arg0: i32) -> (i32, i32) {
    %c0_i32 = arith.constant 0 : i32
    %c0_i32_0 = arith.constant 0 : i32
    return %arg0, %c0_i32 : i32, i32
  }
  func.func @transform_2(%arg0: i32) -> (i32, i32) {
    %c0_i32 = arith.constant 0 : i32
    %c0_i32_0 = arith.constant 0 : i32
    return %arg0, %c0_i32 : i32, i32
  }
  func.func @transform_3(%arg0: i32) -> (i32, i32, i32) {
    %c0_i32 = arith.constant 0 : i32
    %c0_i32_0 = arith.constant 0 : i32
    %c0_i32_1 = arith.constant 0 : i32
    return %c0_i32, %arg0, %c0_i32_0 : i32, i32, i32
  }
  func.func @transform_4(%arg0: i32) -> (i32, i32) {
    %c0_i32 = arith.constant 0 : i32
    %c0_i32_0 = arith.constant 0 : i32
    return %arg0, %c0_i32 : i32, i32
  }
}

</mosaic_0001>

<sc_bundles>
// kernel: kernel.6.cloned.1.call-start
scs
__scs_entry_jumppad:
0x0: {  	(pc) =	sbr.rel $0x88, $3  }
0x1: {  	(tag) =	ssettag $0x0;
	lr =	simm.s32 $0x1  }
0x2: {  	[smem:$0x3F9E] =	sst lr;
	_ =	strace $0xD0000000  }
0x3: {  	_ = 	snop  }
0x4: {  	_ = 	snop  }
0x5: {  	_ = 	snop  }
0x6: {  	_ = 	snop  }
0x7: {  	_ = 	snop  }
__scs_overlays_trampoline_lowered:
0x8: {  	[smem:$0x3FAD] =	sst s0  }
0x9: {  	[smem:$0x3FAE] =	sst s1  }
0xa: {  	[smem:$0x3FAF] =	sst s2  }
0xb: {  	[smem:$0x3FB0] =	sst s3  }
0xc: {  	[smem:$0x3FB1] =	sst s4  }
0xd: {  	[smem:$0x3FB2] =	sst s5  }
0xe: {  	[smem:$0x3FB3] =	sst s6  }
0xf: {  	[smem:$0x3FB4] =	sst s7  }
0x10: {  	[smem:$0x3FB5] =	sst s8  }
0x11: {  	[smem:$0x3FB6] =	sst s9;
	s0 =	simm.s32 @!p0 $0x0  }
0x12: {  	s1 =	sld [smem:$0x3F9C];
	s0 =	simm.s32 @p0 $0x1  }
0x13: {  	[smem:$0x3FB7] =	sst s0;
	s0 =	simm.s32 @!p1 $0x0  }
0x14: {  	s2 =	sld [smem:$0x3F9B];
	s0 =	simm.s32 @p1 $0x1  }
0x15: {  	[smem:$0x3FB8] =	sst s0;
	s0 =	simm.s32 @!p2 $0x0  }
0x16: {  	s3 =	sld [smem:$0x3FDB];
	s0 =	simm.s32 @p2 $0x1  }
0x17: {  	s4 =	simm.s32 $0x1BF5;
	[smem:$0x3FBA] =	sst s0  }
0x18: {  	s0 =	sld [smem:$0x3F9D];
	_ =	swait.ge [sflag:s4], $0x0  }
0x19: {  	s7 =	sld [smem:$0x3F9E]  }
0x1a: {  	s8 =	sadd.s32 $0xFFFFE003, lr  }
0x1b: {  	s9 =	sadd.s32 $0xFFFFFEF7, lr;
	s5 =	simm.s32 $0xFFFFFFFF;
	p2 =	slt.u32 s8, $0xFFFFF086  }
0x1c: {  	p1 =	slt.u32 s9, $0xF7A;
	s5 =	simm.s32 @!p2 $0x0  }
0x1d: {  	s5 =	simm.s32 @p1 $0x1;
	p0 =	seq.s32 s7, s2  }
0x1e: {  	s7 =	smul.u32 @!p0 $0xF7A, s2;
	p2 =	seq.s32 @!p0 s5, $0x0  }
0x1f: {  	s9 =	smul.u32 $0xF7A, s1;
	s8 =	simm.s32 @!p0 $0x1BF5;
	p2 =	por !p2, p0  }
0x20: {  	[sflag:s8] =	ssyncset.s32 @!p0 $0xFFFFF086;
	s6 =	sadd.s32 @!p0 s3, s7;
	s7 =	simm.s32 @!p0 $0x108  }
0x21: {  	s3 =	sadd.s32 s3, s9;
	s6 =	sadd.s32 @!p0 $0x88, s6;
	s7 =	simm.s32 @p2 $0x1082  }
0x22: {  	[simem:s7], [sflag:s8] =	dma.local @!p0 [hbm:s6], $0xF7A  }
0x23: {  	s9 =	sor.u32 $0xD0000000, s2;
	s6 =	simm.s32 $0x108;
	_ =	swait.ge @!p0 [sflag:s8], $0x0  }
0x24: {  	s3 =	sadd.s32 $0x88, s3;
	s6 =	simm.s32 @!p1 $0x1082;
	[sflag:s4] =	ssyncset.s32 $0xFFFFF086  }
0x25: {  	[simem:s6], [sflag:s4] =	dma.local [hbm:s3], $0xF7A  }
0x26: {  	[smem:$0x3F9E] =	sst s1;
	(tag) =	ssettag s2;
	_ =	strace s9  }
0x27: {  	s1 =	sld [smem:$0x3FAE]  }
0x28: {  	s2 =	sld [smem:$0x3FAF]  }
0x29: {  	s4 =	sld [smem:$0x3FB1]  }
0x2a: {  	p0 =	seq.s32 s5, $0x0;
	s5 =	sld [smem:$0x3FB2]  }
0x2b: {  	s6 =	sld [smem:$0x3FB3]  }
0x2c: {  	s7 =	sld [smem:$0x3FB4]  }
0x2d: {  	s3 =	simm.s32 $0x108;
	s8 =	sld [smem:$0x3FB5]  }
0x2e: {  	s3 =	simm.s32 @!p0 $0x1082;
	s9 =	sld [smem:$0x3FB6]  }
0x2f: {  	lr =	sadd.s32 s0, s3;
	s0 =	sld [smem:$0x3FAD]  }
0x30: {  	s3 =	sld [smem:$0x3FB0]  }
0x31: {  	[smem:$0x3FB9] =	sst s10  }
0x32: {  	s10 =	sld [smem:$0x3FB7];
	_ =	sdelay $0x3  }
0x33: {  	p0 =	seq.s32 s10, $0x1;
	s10 =	sld [smem:$0x3FB9];
	_ =	sdelay $0x3  }
0x34: {  	[smem:$0x3FB9] =	sst s10  }
0x35: {  	s10 =	sld [smem:$0x3FB8];
	_ =	sdelay $0x3  }
0x36: {  	p1 =	seq.s32 s10, $0x1;
	s10 =	sld [smem:$0x3FB9];
	_ =	sdelay $0x3  }
0x37: {  	[smem:$0x3FB9] =	sst s10  }
0x38: {  	s10 =	sld [smem:$0x3FBA]  }
0x39: {  	_ = 	snop;
	(pc) =	sbr.ind lr, $3  }
0x3a: {  	_ = 	snop  }
0x3b: {  	_ = 	snop  }
0x3c: {  	p2 =	seq.s32 s10, $0x1;
	s10 =	sld [smem:$0x3FB9]  }
0x3d: {  	_ =	shalt  }
0x3e: {  	_ =	shalt  }
0x3f: {  	_ =	shalt  }
0x40: {  	_ =	shalt  }
0x41: {  	_ =	shalt  }
0x42: {  	_ =	shalt  }
0x43: {  	_ =	shalt  }
0x44: {  	_ =	shalt  }
0x45: {  	_ =	shalt  }
0x46: {  	_ =	shalt  }
0x47: {  	_ =	shalt  }
0x48: {  	_ =	shalt  }
0x49: {  	_ =	shalt  }
0x4a: {  	_ =	shalt  }
0x4b: {  	_ =	shalt  }
0x4c: {  	_ =	shalt  }
0x4d: {  	_ =	shalt  }
0x4e: {  	_ =	shalt  }
0x4f: {  	_ =	shalt  }
0x50: {  	_ =	shalt  }
0x51: {  	_ =	shalt  }
0x52: {  	_ =	shalt  }
0x53: {  	_ =	shalt  }
0x54: {  	_ =	shalt  }
0x55: {  	_ =	shalt  }
0x56: {  	_ =	shalt  }
0x57: {  	_ =	shalt  }
0x58: {  	_ =	shalt  }
0x59: {  	_ =	shalt  }
0x5a: {  	_ =	shalt  }
0x5b: {  	_ =	shalt  }
0x5c: {  	_ =	shalt  }
0x5d: {  	_ =	shalt  }
0x5e: {  	_ =	shalt  }
0x5f: {  	_ =	shalt  }
0x60: {  	_ =	shalt  }
0x61: {  	_ =	shalt  }
0x62: {  	_ =	shalt  }
0x63: {  	_ =	shalt  }
0x64: {  	_ =	shalt  }
0x65: {  	_ =	shalt  }
0x66: {  	_ =	shalt  }
0x67: {  	_ =	shalt  }
0x68: {  	_ =	shalt  }
0x69: {  	_ =	shalt  }
0x6a: {  	_ =	shalt  }
0x6b: {  	_ =	shalt  }
0x6c: {  	_ =	shalt  }
0x6d: {  	_ =	shalt  }
0x6e: {  	_ =	shalt  }
0x6f: {  	_ =	shalt  }
0x70: {  	_ =	shalt  }
0x71: {  	_ =	shalt  }
0x72: {  	_ =	shalt  }
0x73: {  	_ =	shalt  }
0x74: {  	_ =	shalt  }
0x75: {  	_ =	shalt  }
0x76: {  	_ =	shalt  }
0x77: {  	_ =	shalt  }
0x78: {  	_ =	shalt  }
0x79: {  	_ =	shalt  }
0x7a: {  	_ =	shalt  }
0x7b: {  	_ =	shalt  }
0x7c: {  	_ =	shalt  }
0x7d: {  	_ =	shalt  }
0x7e: {  	_ =	shalt  }
0x7f: {  	_ =	shalt  }
0x80: {  	_ =	shalt  }
0x81: {  	_ =	shalt  }
0x82: {  	_ =	shalt  }
0x83: {  	_ =	shalt  }
0x84: {  	_ =	shalt  }
0x85: {  	_ =	shalt  }
0x86: {  	_ =	shalt  }
0x87: {  	_ =	shalt  }
.Lfunc_end0:
.L_simem_size_0:
called_computation_lowered:
.L_overlay_start_0:
0x88: {  	s2 =	sld [smem:$0x3FD9]  }
0x89: {  	s3 =	sld [smem:$0x3FFE];
	_ =	sdelay $0x1  }
0x8a: {  	s1 =	srdreg.scid  }
0x8b: {  	s0 =	sand.u32 $0x1, s1  }
0x8c: {  	s17 =	sshll.u32 s0, $0xA;
	s2 =	sadd.s32 s3, s2  }
0x8d: {  	s2 =	sadd.s32 s2, s17  }
0x8e: {  	[smem:$0x3FC5] =	sst s2  }
0x8f: {  	_ = 	snop  }
0x90: {  	s2 =	sld [smem:$0x3FD0];
	(tm) =	ssettm $0x1  }
0x91: {  	s18 =	sld [smem:$0x3FFB];
	_ =	sdelay $0x3  }
0x92: {  	_ =	strace s18  }
0x93: {  	s3 =	sld [smem:$0x3FFC];
	_ =	sdelay $0x3  }
0x94: {  	_ =	strace s3  }
0x95: {  	s3 =	sld [smem:$0x3FFD];
	_ =	sdelay $0x3  }
0x96: {  	_ =	strace s3  }
0x97: {  	_ =	strace $0x8FFFFFFF  }
0x98: {  	s19 =	sld [smem:$0x3FDB];
	_ =	sdelay $0x1  }
0x99: {  	s4 =	simm.s32 $_scs_section_size  }
0x9a: {  	s5 =	simm.s32 $_size__tile_overlayer_lowered;
	s6 =	simm.s32 $_tile_overlayer_lowered  }
0x9b: {  	s22 =	simm.s32 $0x1BFF;
	s21 =	sshll.u32 s6, $0x1;
	s3 =	sadd.s32 s4, s19  }
0x9c: {  	s7 =	simm.s32 $0x0;
	s20 =	sshll.u32 s5, $0x1;
	s5 =	sadd.s32 s21, s3  }
0x9d: {  	[timem:s7], [sflag:s22] =	dma.local [hbm:s5], s20  }
0x9e: {  	_ =	swait.ge [sflag:s22], s20  }
0x9f: {  	s4 =	ssub.s32 $0x0, s20;
	[sflag:s22] =	ssyncset.done $0x0  }
0xa0: {  	[sflag:s22] =	ssyncadd.s32 s4;
	_ =	sdelay $0x1  }
0xa1: {  	s23 =	simm.s32 $0x1B8B  }
0xa2: {  	_ =	swait.ge [sflag:s23], $0x1  }
0xa3: {  	[sflag:s23] =	ssyncset.done $0x0  }
0xa4: {  	s25 =	simm.s32 $0x1B8E;
	s24 =	sld [smem:$0x3FFE];
	[sflag:s23] =	ssyncadd.s32 $0xFFFFFFFF  }
0xa5: {  	s26 =	simm.s32 $execute0_lowered;
	[smem:$0x3FD2] =	sst s25  }
0xa6: {  	s5 =	sshll.u32 s26, $0x1;
	_ =	strace $0x80000046;
	[dreg:$0x1] =	wrdreg $0xFFFFFFFF  }
0xa7: {  	s28 =	simm.s32 $_size_execute0_lowered;
	s3 =	sadd.s32 s3, s5;
	[dreg:$0x0] =	wrdreg $0x0  }
0xa8: {  	s5 =	sshll.u32 s28, $0x1;
	[dreg:$0x2] =	wrdreg s3  }
0xa9: {  	[dreg:$0x3] =	wrdreg s5  }
0xaa: {  	[dreg:$0x4] =	wrdreg $0xC0  }
0xab: {  	_ =	task [dreg:s7], $0x5FFFF  }
0xac: {  	[dreg:$0x1] =	wrdreg $0xFFFFFFFF  }
0xad: {  	[dreg:$0x0] =	wrdreg $0x60  }
0xae: {  	[dreg:$0x2] =	wrdreg s24  }
0xaf: {  	[dreg:$0x3] =	wrdreg s2  }
0xb0: {  	[dreg:$0x4] =	wrdreg $0x2B000  }
0xb1: {  	[dreg:$0x5] =	wrdreg $0x9  }
0xb2: {  	_ =	task.clear_ibuf [dreg:s7], $0x6FFFF;
	_ =	strace $0x90000046  }
0xb3: {  	s29 =	simm.s32 $0x9;
	_ =	strace $0x80000048  }
0xb4: {  	_ =	swait.ge [sflag:s29], $0x1  }
0xb5: {  	[sflag:s29] =	ssyncadd.s32 $0xFFFFFFFF  }
0xb6: {  	_ =	strace $0x90000048  }
0xb7: {  	_ =	sfence  }
0xb8: {  	s30 =	sld [smem:$0x0];
	_ =	sdelay $0x2  }
0xb9: {  	s31 =	sshll.u32 s1, $0xD;
	s1 =	sshrl.u32 s1, $0x2  }
0xba: {  	s3 =	sand.u32 $0x4000, s31;
	s1 =	sadd.s32 s1, s30  }
0xbb: {  	s0 =	sor.u32 s3, s0;
	s1 =	sshll.u32 s1, $0x11  }
0xbc: {  	s0 =	sor.u32 s1, s0  }
0xbd: {  	s0 =	sadd.s32 $0x8F2B, s0  }
0xbe: {  	[sflag:s0] =	ssyncadd.remote.s32 $0x1  }
0xbf: {  	_ =	sfence.sel $0xFFFF  }
0xc0: {  	[dreg:$0x0] =	wrdreg $0xFFFFFFFF;
	(pc) =	sbr.abs _section_cstart, $3  }
0xc1: {  	[dreg:$0x1] =	wrdreg $0xFFFFFFFF  }
0xc2: {  	_ =	task.clear_ibuf [dreg:s7], $0x2FFFF;
	_ =	strace $0x9FFFFFFF  }
0xc3: {  	(tm) =	ssettm $0x7FFFFFFF  }
tec
execute0_lowered:
.L_overlay_start_1:
0x0: {  	(tag) =	ssettag $0x1  }
0x1: {  	s4 =	rddreg [dreg:$0x0]  }
0x2: {  	s0 =	srdreg.scid;
	s6 =	rddreg [dreg:$0x1]  }
0x3: {  	s2 =	rddreg [dreg:$0x2];
	s1 =	stileid.u32  }
0x4: {  	s3 =	simm.s32 $0x0;
	s11 =	simm.s32 $0x2800;
	s12 =	simm.s32 $0x1  }
0x5: {  	s15 =	simm.s32 $0x20;
	s16 =	simm.s32 $0x10;
	s17 =	simm.s32 $0x0  }
0x6: {  	s5 =	sand.u32 $0x1, s0;
	s0 =	rddreg [dreg:$0x3];
	s8 =	smul.u32 $0x500, s1  }
0x7: {  	[smem:$0x7FF] =	sst s3;
	s10 =	smul.u32 $0xA00, s1;
	s13 =	sshll.u32 s1, $0x6  }
0x8: {  	s7 =	sshll.u32 s5, $0x4;
	_ =	strace $0x80000047;
	s9 =	ssub.s32 $0x2, s5  }
0x9: {  	s5 =	sshll.u32 s5, $0x7;
	s13 =	sor.u32 $0x1C02, s13;
	s7 =	sor.u32 s1, s7  }
0xa: {  	s29 =	sshrl.u32 s9, $0x1;
	s5 =	sor.u32 s5, s8;
	s30 =	sshrl.u32 s10, $0x2  }
0xb: {  	s8 =	simm.s32 $0x2;
	s7 =	smul.u32 $0x500, s7;
	s31 =	sshrl.u32 s5, $0x3  }
0xc: {  	s10 =	simm.s32 $0x80;
	s5 =	sadd.s32 s30, s2;
	s6 =	sadd.s32 s6, s31  }
0xd: {  	s14 =	sshrl.u32 s5, $0x3;
	s4 =	sadd.s32 s7, s4;
	s7 =	ssub.s32 s9, s29  }
0xe: {  	v0 =	vimm.f32 $1.000000000e+00;
	v1 =	vimm.f32 $0.0e+00;
	s9 =	simm.s32 $0x2880;
	s4 =	sadd.s32 $0xC00, s4;
	s7 =	smax.u32 s7, $0x1  }
.LBB2_1:
0xf: {  	[tilespmem:$0x2800] =	vst v0  }
0x10: {  	[tilespmem:$0x2810] =	vst v0  }
0x11: {  	[tilespmem:$0x2820] =	vst v0  }
0x12: {  	[tilespmem:$0x2830] =	vst v0  }
0x13: {  	[tilespmem:$0x2840] =	vst v0  }
0x14: {  	[tilespmem:$0x2850] =	vst v0  }
0x15: {  	[tilespmem:$0x2860] =	vst v0  }
0x16: {  	[tilespmem:$0x2870] =	vst v0  }
0x17: {  	[tilespmem:$0x2880] =	vst v1  }
0x18: {  	[tilespmem:$0x2890] =	vst v1  }
0x19: {  	[tilespmem:$0x28A0] =	vst v1  }
0x1a: {  	[tilespmem:$0x28B0] =	vst v1  }
0x1b: {  	[tilespmem:$0x28C0] =	vst v1  }
0x1c: {  	[tilespmem:$0x28D0] =	vst v1  }
0x1d: {  	[tilespmem:$0x28E0] =	vst v1  }
0x1e: {  	[tilespmem:$0x28F0] =	vst v1  }
0x1f: {  	[tilespmem:$0x2900] =	vst v1  }
0x20: {  	[tilespmem:$0x2910] =	vst v1  }
0x21: {  	[tilespmem:$0x2920] =	vst v1  }
0x22: {  	[tilespmem:$0x2930] =	vst v1  }
0x23: {  	[tilespmem:$0x2940] =	vst v1  }
0x24: {  	[tilespmem:$0x2950] =	vst v1  }
0x25: {  	[tilespmem:$0x2960] =	vst v1  }
0x26: {  	[tilespmem:$0x2970] =	vst v1  }
0x27: {  	[tilespmem:$0x2980] =	vst v1  }
0x28: {  	[tilespmem:$0x2990] =	vst v1  }
0x29: {  	[tilespmem:$0x29A0] =	vst v1  }
0x2a: {  	[tilespmem:$0x29B0] =	vst v1  }
0x2b: {  	[tilespmem:$0x29C0] =	vst v1  }
0x2c: {  	[tilespmem:$0x29D0] =	vst v1  }
0x2d: {  	[tilespmem:$0x29E0] =	vst v1  }
0x2e: {  	[tilespmem:$0x29F0] =	vst v1  }
0x2f: {  	[tilespmem:$0x2A00] =	vst v1  }
0x30: {  	[tilespmem:$0x2A10] =	vst v1  }
0x31: {  	[tilespmem:$0x2A20] =	vst v1  }
0x32: {  	[tilespmem:$0x2A30] =	vst v1  }
0x33: {  	[tilespmem:$0x2A40] =	vst v1  }
0x34: {  	[tilespmem:$0x2A50] =	vst v1  }
0x35: {  	[tilespmem:$0x2A60] =	vst v1  }
0x36: {  	[tilespmem:$0x2A70] =	vst v1  }
0x37: {  	[tilespmem:$0x2A80] =	vst v1  }
0x38: {  	[tilespmem:$0x2A90] =	vst v1  }
0x39: {  	[tilespmem:$0x2AA0] =	vst v1  }
0x3a: {  	[tilespmem:$0x2AB0] =	vst v1  }
0x3b: {  	[tilespmem:$0x2AC0] =	vst v1  }
0x3c: {  	[tilespmem:$0x2AD0] =	vst v1  }
0x3d: {  	[tilespmem:$0x2AE0] =	vst v1  }
0x3e: {  	[tilespmem:$0x2AF0] =	vst v1  }
0x3f: {  	[tilespmem:s3], [sflag:$0x2] =	stream.linear.gather [hbm4b:s4+s3], $0x2800, $0x38;
	[tilespmem:$0x2D80] =	vst v63  }
0x40: {  	_ =	swait.ge [sflag:s8], $0x2800  }
0x41: {  	[sflag:s8] =	ssyncset.done $0x0  }
0x42: {  	[sflag:s8] =	ssyncadd.s32 $0xFFFFD800  }
0x43: {  	[spmem:s5] =	stream.linear.scatter [tilespmem:s9], [sflag:$0x2], $0x280, $0x38;
	[tilespmem:$0x2D80] =	vst v63  }
0x44: {  	_ =	swait.ge [sflag:s8], $0x280  }
0x45: {  	[sflag:s8] =	ssyncset.done $0x0  }
0x46: {  	[sflag:s8] =	ssyncadd.s32 $0xFFFFFD80  }
0x47: {  	s18 =	simm.s32 $0x0;
	[bflag:$0x0] =	sbarrier.arrive $0xFFFF  }
.LBB2_2:
0x48: {  	p0 =	sne.s32 s18, $0x9E00  }
.Ltmp0:
0x49: {  	_ = 	snop;
	(pc) =	sbr.rel @p0 .LBB2_2-.Ltmp0, $3  }
0x4a: {  	_ =	sdelay $0x1  }
0x4b: {  	s19 =	sshra.s32 s18, $0x2;
	s18 =	sadd.s32 $0x200, s18  }
0x4c: {  	[spmem:s2] =	stream.indirect.scatter.add.f32 [tilespmem:s11], [sflag:$0x1], $0x1, s19, s10, $0xb8;
	[tilespmem:$0x2D80] =	vst v63  }
0x4d: {  	_ =	swait.ge [sflag:s12], $0x80  }
0x4e: {  	s18 =	simm.s32 $0x4F;
	[sflag:s12] =	ssyncset.done $0x0  }
.LBB2_4:
0x4f: {  	p0 =	sne.s32 s18, $0x1;
	s18 =	sadd.s32 $0xFFFFFFFF, s18;
	[sflag:s12] =	ssyncadd.s32 $0xFFFFFF80  }
.Ltmp1:
0x50: {  	(pc) =	sbr.rel @p0 .LBB2_4-.Ltmp1, $3  }
0x51: {  	_ =	sdelay $0x1  }
0x52: {  	_ =	swait.ge [sflag:s12], $0x80  }
0x53: {  	[sflag:s12] =	ssyncset.done $0x0  }
0x54: {  	s17 =	sadd.s32 $0x1, s17  }
0x55: {  	[sflag:s12] =	ssyncadd.s32 $0xFFFFFF80;
	p0 =	sne.s32 s17, s7  }
.Ltmp2:
0x56: {  	[bflag:$0x0] =	sbarrier.arrive $0xFFFF;
	(pc) =	sbr.rel @p0 .LBB2_1-.Ltmp2, $4  }
0x57: {  	[hbm:s6@s15], [sflag:s13] =	dma.strided [spmem:s14@s16], $0x50, s12, $0x10   }
0x58: {  	_ =	swait.ge [sflag:s8], $0x50  }
0x59: {  	[sflag:s8] =	ssyncset.done $0x0  }
0x5a: {  	[sflag:s8] =	ssyncadd.s32 $0xFFFFFFB0  }
0x5b: {  	_ =	sfence.sel $0x180000  }
0x5c: {  	[bflag:$0x0] =	sbarrier.arrive $0xFFFF  }
0x5d: {  	p0 =	sne.s32 s1, $0x0;
	_ =	strace $0x90000047  }
0x5e: {  	s0 =	sadd.s32 @!p0 $0x100000, s0;
	[bflag:$0x2] =	sbarrier.arrive $0xFFFF  }
0x5f: {  	[sflag:s0] =	ssyncadd.tile.s32 @!p0 $0x1;
	_ =	shalt  }
.Lfunc_end2:
_tile_overlayer_lowered:
.L_overlay_start_2:
0x60: {  	(tag) =	ssettag $0x2  }
0x61: {  	s0 =	rddreg [dreg:$0x0];
	s2 =	stileid.u32  }
0x62: {  	s1 =	rddreg [dreg:$0x1];
	p0 =	sne.s32 s2, $0x0  }
0x63: {  	s3 =	rddreg [dreg:$0x2];
	[bflag:$0x3] =	sbarrier.arrive $0xFFFF;
	s2 =	simm.s32 @!p0 $0x1C02  }
0x64: {  	[timem:s3], [sflag:s2] =	dma.local @!p0 [hbm:s0], s1  }
0x65: {  	s0 =	simm.s32 @!p0 $0x2  }
0x66: {  	_ =	swait.ge @!p0 [sflag:s0], s1  }
0x67: {  	s1 =	ssub.s32 @!p0 $0x0, s1;
	[sflag:s0] =	ssyncset.done @!p0 $0x0  }
0x68: {  	[sflag:s0] =	ssyncadd.s32 @!p0 s1  }
0x69: {  	[bflag:$0x3] =	sbarrier.arrive $0xFFFF  }
0x6a: {  	_ =	shalt  }

// kernel: kernel.9.cloned.1.call-start
scs
__scs_entry_jumppad:
0x0: {  	(pc) =	sbr.rel $0x88, $3  }
0x1: {  	(tag) =	ssettag $0x0;
	lr =	simm.s32 $0x1  }
0x2: {  	[smem:$0x3F9E] =	sst lr;
	_ =	strace $0xD0000000  }
0x3: {  	_ = 	snop  }
0x4: {  	_ = 	snop  }
0x5: {  	_ = 	snop  }
0x6: {  	_ = 	snop  }
0x7: {  	_ = 	snop  }
__scs_overlays_trampoline_lowered:
0x8: {  	[smem:$0x3FAD] =	sst s0  }
0x9: {  	[smem:$0x3FAE] =	sst s1  }
0xa: {  	[smem:$0x3FAF] =	sst s2  }
0xb: {  	[smem:$0x3FB0] =	sst s3  }
0xc: {  	[smem:$0x3FB1] =	sst s4  }
0xd: {  	[smem:$0x3FB2] =	sst s5  }
0xe: {  	[smem:$0x3FB3] =	sst s6  }
0xf: {  	[smem:$0x3FB4] =	sst s7  }
0x10: {  	[smem:$0x3FB5] =	sst s8  }
0x11: {  	[smem:$0x3FB6] =	sst s9;
	s0 =	simm.s32 @!p0 $0x0  }
0x12: {  	s1 =	sld [smem:$0x3F9C];
	s0 =	simm.s32 @p0 $0x1  }
0x13: {  	[smem:$0x3FB7] =	sst s0;
	s0 =	simm.s32 @!p1 $0x0  }
0x14: {  	s2 =	sld [smem:$0x3F9B];
	s0 =	simm.s32 @p1 $0x1  }
0x15: {  	[smem:$0x3FB8] =	sst s0;
	s0 =	simm.s32 @!p2 $0x0  }
0x16: {  	s3 =	sld [smem:$0x3FDB];
	s0 =	simm.s32 @p2 $0x1  }
0x17: {  	s4 =	simm.s32 $0x1BF5;
	[smem:$0x3FBA] =	sst s0  }
0x18: {  	s0 =	sld [smem:$0x3F9D];
	_ =	swait.ge [sflag:s4], $0x0  }
0x19: {  	s7 =	sld [smem:$0x3F9E]  }
0x1a: {  	s8 =	sadd.s32 $0xFFFFE003, lr  }
0x1b: {  	s9 =	sadd.s32 $0xFFFFFEF7, lr;
	s5 =	simm.s32 $0xFFFFFFFF;
	p2 =	slt.u32 s8, $0xFFFFF086  }
0x1c: {  	p1 =	slt.u32 s9, $0xF7A;
	s5 =	simm.s32 @!p2 $0x0  }
0x1d: {  	s5 =	simm.s32 @p1 $0x1;
	p0 =	seq.s32 s7, s2  }
0x1e: {  	s7 =	smul.u32 @!p0 $0xF7A, s2;
	p2 =	seq.s32 @!p0 s5, $0x0  }
0x1f: {  	s9 =	smul.u32 $0xF7A, s1;
	s8 =	simm.s32 @!p0 $0x1BF5;
	p2 =	por !p2, p0  }
0x20: {  	[sflag:s8] =	ssyncset.s32 @!p0 $0xFFFFF086;
	s6 =	sadd.s32 @!p0 s3, s7;
	s7 =	simm.s32 @!p0 $0x108  }
0x21: {  	s3 =	sadd.s32 s3, s9;
	s6 =	sadd.s32 @!p0 $0x88, s6;
	s7 =	simm.s32 @p2 $0x1082  }
0x22: {  	[simem:s7], [sflag:s8] =	dma.local @!p0 [hbm:s6], $0xF7A  }
0x23: {  	s9 =	sor.u32 $0xD0000000, s2;
	s6 =	simm.s32 $0x108;
	_ =	swait.ge @!p0 [sflag:s8], $0x0  }
0x24: {  	s3 =	sadd.s32 $0x88, s3;
	s6 =	simm.s32 @!p1 $0x1082;
	[sflag:s4] =	ssyncset.s32 $0xFFFFF086  }
0x25: {  	[simem:s6], [sflag:s4] =	dma.local [hbm:s3], $0xF7A  }
0x26: {  	[smem:$0x3F9E] =	sst s1;
	(tag) =	ssettag s2;
	_ =	strace s9  }
0x27: {  	s1 =	sld [smem:$0x3FAE]  }
0x28: {  	s2 =	sld [smem:$0x3FAF]  }
0x29: {  	s4 =	sld [smem:$0x3FB1]  }
0x2a: {  	p0 =	seq.s32 s5, $0x0;
	s5 =	sld [smem:$0x3FB2]  }
0x2b: {  	s6 =	sld [smem:$0x3FB3]  }
0x2c: {  	s7 =	sld [smem:$0x3FB4]  }
0x2d: {  	s3 =	simm.s32 $0x108;
	s8 =	sld [smem:$0x3FB5]  }
0x2e: {  	s3 =	simm.s32 @!p0 $0x1082;
	s9 =	sld [smem:$0x3FB6]  }
0x2f: {  	lr =	sadd.s32 s0, s3;
	s0 =	sld [smem:$0x3FAD]  }
0x30: {  	s3 =	sld [smem:$0x3FB0]  }
0x31: {  	[smem:$0x3FB9] =	sst s10  }
0x32: {  	s10 =	sld [smem:$0x3FB7];
	_ =	sdelay $0x3  }
0x33: {  	p0 =	seq.s32 s10, $0x1;
	s10 =	sld [smem:$0x3FB9];
	_ =	sdelay $0x3  }
0x34: {  	[smem:$0x3FB9] =	sst s10  }
0x35: {  	s10 =	sld [smem:$0x3FB8];
	_ =	sdelay $0x3  }
0x36: {  	p1 =	seq.s32 s10, $0x1;
	s10 =	sld [smem:$0x3FB9];
	_ =	sdelay $0x3  }
0x37: {  	[smem:$0x3FB9] =	sst s10  }
0x38: {  	s10 =	sld [smem:$0x3FBA]  }
0x39: {  	_ = 	snop;
	(pc) =	sbr.ind lr, $3  }
0x3a: {  	_ = 	snop  }
0x3b: {  	_ = 	snop  }
0x3c: {  	p2 =	seq.s32 s10, $0x1;
	s10 =	sld [smem:$0x3FB9]  }
0x3d: {  	_ =	shalt  }
0x3e: {  	_ =	shalt  }
0x3f: {  	_ =	shalt  }
0x40: {  	_ =	shalt  }
0x41: {  	_ =	shalt  }
0x42: {  	_ =	shalt  }
0x43: {  	_ =	shalt  }
0x44: {  	_ =	shalt  }
0x45: {  	_ =	shalt  }
0x46: {  	_ =	shalt  }
0x47: {  	_ =	shalt  }
0x48: {  	_ =	shalt  }
0x49: {  	_ =	shalt  }
0x4a: {  	_ =	shalt  }
0x4b: {  	_ =	shalt  }
0x4c: {  	_ =	shalt  }
0x4d: {  	_ =	shalt  }
0x4e: {  	_ =	shalt  }
0x4f: {  	_ =	shalt  }
0x50: {  	_ =	shalt  }
0x51: {  	_ =	shalt  }
0x52: {  	_ =	shalt  }
0x53: {  	_ =	shalt  }
0x54: {  	_ =	shalt  }
0x55: {  	_ =	shalt  }
0x56: {  	_ =	shalt  }
0x57: {  	_ =	shalt  }
0x58: {  	_ =	shalt  }
0x59: {  	_ =	shalt  }
0x5a: {  	_ =	shalt  }
0x5b: {  	_ =	shalt  }
0x5c: {  	_ =	shalt  }
0x5d: {  	_ =	shalt  }
0x5e: {  	_ =	shalt  }
0x5f: {  	_ =	shalt  }
0x60: {  	_ =	shalt  }
0x61: {  	_ =	shalt  }
0x62: {  	_ =	shalt  }
0x63: {  	_ =	shalt  }
0x64: {  	_ =	shalt  }
0x65: {  	_ =	shalt  }
0x66: {  	_ =	shalt  }
0x67: {  	_ =	shalt  }
0x68: {  	_ =	shalt  }
0x69: {  	_ =	shalt  }
0x6a: {  	_ =	shalt  }
0x6b: {  	_ =	shalt  }
0x6c: {  	_ =	shalt  }
0x6d: {  	_ =	shalt  }
0x6e: {  	_ =	shalt  }
0x6f: {  	_ =	shalt  }
0x70: {  	_ =	shalt  }
0x71: {  	_ =	shalt  }
0x72: {  	_ =	shalt  }
0x73: {  	_ =	shalt  }
0x74: {  	_ =	shalt  }
0x75: {  	_ =	shalt  }
0x76: {  	_ =	shalt  }
0x77: {  	_ =	shalt  }
0x78: {  	_ =	shalt  }
0x79: {  	_ =	shalt  }
0x7a: {  	_ =	shalt  }
0x7b: {  	_ =	shalt  }
0x7c: {  	_ =	shalt  }
0x7d: {  	_ =	shalt  }
0x7e: {  	_ =	shalt  }
0x7f: {  	_ =	shalt  }
0x80: {  	_ =	shalt  }
0x81: {  	_ =	shalt  }
0x82: {  	_ =	shalt  }
0x83: {  	_ =	shalt  }
0x84: {  	_ =	shalt  }
0x85: {  	_ =	shalt  }
0x86: {  	_ =	shalt  }
0x87: {  	_ =	shalt  }
.Lfunc_end0:
.L_simem_size_0:
called_computation.1_lowered:
.L_overlay_start_0:
0x88: {  	s2 =	sld [smem:$0x3FD9]  }
0x89: {  	s3 =	sld [smem:$0x3FFE];
	_ =	sdelay $0x1  }
0x8a: {  	s1 =	srdreg.scid  }
0x8b: {  	s0 =	sand.u32 $0x1, s1  }
0x8c: {  	s17 =	sshll.u32 s0, $0xA;
	s2 =	sadd.s32 s3, s2  }
0x8d: {  	s2 =	sadd.s32 s2, s17  }
0x8e: {  	[smem:$0x3FC5] =	sst s2  }
0x8f: {  	_ = 	snop  }
0x90: {  	s2 =	sld [smem:$0x3FD0];
	(tm) =	ssettm $0x1  }
0x91: {  	s18 =	sld [smem:$0x3FFB];
	_ =	sdelay $0x3  }
0x92: {  	_ =	strace s18  }
0x93: {  	s3 =	sld [smem:$0x3FFC];
	_ =	sdelay $0x3  }
0x94: {  	_ =	strace s3  }
0x95: {  	s3 =	sld [smem:$0x3FFD];
	_ =	sdelay $0x3  }
0x96: {  	_ =	strace s3  }
0x97: {  	_ =	strace $0x8FFFFFFF  }
0x98: {  	s19 =	sld [smem:$0x3FDB];
	_ =	sdelay $0x1  }
0x99: {  	s4 =	simm.s32 $_scs_section_size  }
0x9a: {  	s5 =	simm.s32 $_size__tile_overlayer_lowered;
	s6 =	simm.s32 $_tile_overlayer_lowered  }
0x9b: {  	s22 =	simm.s32 $0x1BFF;
	s21 =	sshll.u32 s6, $0x1;
	s3 =	sadd.s32 s4, s19  }
0x9c: {  	s7 =	simm.s32 $0x0;
	s20 =	sshll.u32 s5, $0x1;
	s5 =	sadd.s32 s21, s3  }
0x9d: {  	[timem:s7], [sflag:s22] =	dma.local [hbm:s5], s20  }
0x9e: {  	_ =	swait.ge [sflag:s22], s20  }
0x9f: {  	s4 =	ssub.s32 $0x0, s20;
	[sflag:s22] =	ssyncset.done $0x0  }
0xa0: {  	[sflag:s22] =	ssyncadd.s32 s4;
	_ =	sdelay $0x1  }
0xa1: {  	s23 =	simm.s32 $0x1B8B  }
0xa2: {  	_ =	swait.ge [sflag:s23], $0x1  }
0xa3: {  	[sflag:s23] =	ssyncset.done $0x0  }
0xa4: {  	s25 =	simm.s32 $0x1B8E;
	s24 =	sld [smem:$0x3FFE];
	[sflag:s23] =	ssyncadd.s32 $0xFFFFFFFF  }
0xa5: {  	s26 =	simm.s32 $execute0_lowered;
	[smem:$0x3FD2] =	sst s25  }
0xa6: {  	s5 =	sshll.u32 s26, $0x1;
	_ =	strace $0x80000049;
	[dreg:$0x1] =	wrdreg $0xFFFFFFFF  }
0xa7: {  	s28 =	simm.s32 $_size_execute0_lowered;
	s3 =	sadd.s32 s3, s5;
	[dreg:$0x0] =	wrdreg $0x0  }
0xa8: {  	s5 =	sshll.u32 s28, $0x1;
	[dreg:$0x2] =	wrdreg s3  }
0xa9: {  	[dreg:$0x3] =	wrdreg s5  }
0xaa: {  	[dreg:$0x4] =	wrdreg $0xC0  }
0xab: {  	_ =	task [dreg:s7], $0x5FFFF  }
0xac: {  	[dreg:$0x1] =	wrdreg $0xFFFFFFFF  }
0xad: {  	[dreg:$0x0] =	wrdreg $0x60  }
0xae: {  	[dreg:$0x2] =	wrdreg s2  }
0xaf: {  	[dreg:$0x3] =	wrdreg s24  }
0xb0: {  	[dreg:$0x4] =	wrdreg $0x140000  }
0xb1: {  	[dreg:$0x5] =	wrdreg $0xA0000  }
0xb2: {  	[dreg:$0x6] =	wrdreg $0x9  }
0xb3: {  	_ =	task.clear_ibuf [dreg:s7], $0x7FFFF;
	_ =	strace $0x90000049  }
0xb4: {  	s29 =	simm.s32 $0x9;
	_ =	strace $0x8000004B  }
0xb5: {  	_ =	swait.ge [sflag:s29], $0x1  }
0xb6: {  	[sflag:s29] =	ssyncadd.s32 $0xFFFFFFFF  }
0xb7: {  	_ =	strace $0x9000004B  }
0xb8: {  	_ =	sfence  }
0xb9: {  	s30 =	sld [smem:$0x0];
	_ =	sdelay $0x2  }
0xba: {  	s31 =	sshll.u32 s1, $0xD;
	s1 =	sshrl.u32 s1, $0x2  }
0xbb: {  	s3 =	sand.u32 $0x4000, s31;
	s1 =	sadd.s32 s1, s30  }
0xbc: {  	s0 =	sor.u32 s3, s0;
	s1 =	sshll.u32 s1, $0x11  }
0xbd: {  	s0 =	sor.u32 s1, s0  }
0xbe: {  	s0 =	sadd.s32 $0x8F2B, s0  }
0xbf: {  	[sflag:s0] =	ssyncadd.remote.s32 $0x1  }
0xc0: {  	_ =	sfence.sel $0xFFFF  }
0xc1: {  	[dreg:$0x0] =	wrdreg $0xFFFFFFFF;
	(pc) =	sbr.abs _section_cstart, $3  }
0xc2: {  	[dreg:$0x1] =	wrdreg $0xFFFFFFFF  }
0xc3: {  	_ =	task.clear_ibuf [dreg:s7], $0x2FFFF;
	_ =	strace $0x9FFFFFFF  }
0xc4: {  	(tm) =	ssettm $0x7FFFFFFF  }
0xc5: {  	_ =	shalt  }
tec
execute0_lowered:
.L_overlay_start_1:
0x0: {  	(tag) =	ssettag $0x1  }
0x1: {  	s0 =	rddreg [dreg:$0x0]  }
0x2: {  	s2 =	rddreg [dreg:$0x1]  }
0x3: {  	s1 =	rddreg [dreg:$0x2]  }
0x4: {  	s3 =	rddreg [dreg:$0x3];
	s4 =	simm.s32 $0x0  }
0x5: {  	s5 =	srdreg.scid;
	s17 =	stileid.u32;
	s28 =	simm.s32 $0x2000  }
0x6: {  	s29 =	simm.s32 $0x9;
	s30 =	simm.s32 $0x4000;
	s6 =	smul.u32 $0xA000, s17  }
0x7: {  	s31 =	simm.s32 $0xA;
	[smem:$0x7FF] =	sst s4;
	s12 =	smul.u32 $0x28000, s17  }
0x8: {  	s5 =	sand.u32 $0x1, s5;
	s8 =	sadd.s32 $0x64C00, s2;
	s14 =	smul.u32 $0x5000, s17  }
0x9: {  	s9 =	sadd.s32 $0xC00, s2;
	s10 =	sadd.s32 $0xAC00, s2;
	s24 =	smul.u32 $0xA00, s17  }
0xa: {  	_ =	strace $0x8000004A;
	s7 =	smul.u32 $0xA0000, s5;
	s11 =	ssub.s32 $0x2, s5  }
0xb: {  	p0 =	seq.s32 s5, $0x1;
	s13 =	sshrl.u32 s11, $0x1;
	s14 =	sshrl.u32 s14, $0x3  }
0xc: {  	s20 =	sshrl.u32 s6, $0x3;
	s0 =	smov.u32 @p0 s8;
	s17 =	sadd.s32 s24, s9  }
0xd: {  	s8 =	simm.s32 $0x1;
	s7 =	sadd.s32 s6, s7;
	s26 =	ssub.s32 s11, s13  }
0xe: {  	s13 =	sshrl.u32 s12, $0x2;
	s15 =	sadd.s32 s10, s14;
	s5 =	sadd.s32 s9, s14  }
0xf: {  	s11 =	sadd.s32 $0x4000, s6;
	s14 =	sadd.s32 $0x6000, s6;
	s9 =	simm.s32 $0xF00  }
0x10: {  	s7 =	sshrl.u32 s7, $0x3;
	s19 =	sadd.s32 s13, s1;
	[dreg:$0x6] =	wrdreg s15  }
0x11: {  	[dreg:$0x7] =	wrdreg s5;
	s16 =	smax.u32 s26, $0x1;
	s22 =	sshrl.u32 s11, $0x3  }
0x12: {  	s15 =	sshrl.u32 s14, $0x3;
	s5 =	sadd.s32 s0, s20;
	[dreg:$0x9] =	wrdreg s16  }
0x13: {  	s20 =	sadd.s32 s6, s3;
	s2 =	sadd.s32 s7, s2;
	[dreg:$0xb] =	wrdreg s5  }
0x14: {  	s18 =	sadd.s32 $0x2000, s19;
	s7 =	sadd.s32 $0x2000, s6;
	[dreg:$0x12] =	wrdreg s20  }
0x15: {  	s16 =	sadd.s32 $0x8000, s6;
	s25 =	sadd.s32 s0, s22;
	[dreg:$0x5] =	wrdreg s19  }
0x16: {  	s26 =	sadd.s32 s0, s15;
	s13 =	sadd.s32 $0x4000, s19;
	[dreg:$0xa] =	wrdreg s18  }
0x17: {  	s15 =	sadd.s32 $0x6000, s19;
	s22 =	sadd.s32 s11, s3;
	[dreg:$0xd] =	wrdreg s25  }
0x18: {  	s11 =	simm.s32 $0x2;
	s20 =	simm.s32 $0x1F00;
	[dreg:$0xe] =	wrdreg s26  }
0x19: {  	s2 =	sadd.s32 $0x78C00, s2;
	s21 =	sshrl.u32 s7, $0x3;
	[dreg:$0x10] =	wrdreg s13  }
0x1a: {  	s23 =	sshrl.u32 s16, $0x3;
	s18 =	sadd.s32 s24, s10;
	[dreg:$0x11] =	wrdreg s15  }
0x1b: {  	[dreg:$0x14] =	wrdreg s22;
	s24 =	sadd.s32 s16, s3;
	s26 =	sadd.s32 $0x8000, s19  }
0x1c: {  	s10 =	simm.s32 $0x6000;
	s15 =	simm.s32 $0x3;
	s19 =	simm.s32 $0x5  }
0x1d: {  	s13 =	simm.s32 $0x1E80;
	s16 =	simm.s32 $0xF80;
	[dreg:$0x8] =	wrdreg s2  }
0x1e: {  	s22 =	simm.s32 $0x0;
	s2 =	sadd.s32 s6, s1;
	[dreg:$0x16] =	wrdreg s24  }
0x1f: {  	s12 =	sadd.s32 s0, s21;
	s0 =	sadd.s32 s0, s23;
	[dreg:$0x18] =	wrdreg s26  }
0x20: {  	s21 =	sadd.s32 s7, s3;
	s23 =	sadd.s32 s14, s3;
	[dreg:$0xc] =	wrdreg s12  }
.Ltmp0:
0x21: {  	s6 =	simm.s32 $0x1800;
	[dreg:$0xf] =	wrdreg s0;
	(pc) =	sbr.rel .LBB2_1-.Ltmp0, $4  }
0x22: {  	s7 =	simm.s32 $0x80;
	s14 =	simm.s32 $0x8000;
	[dreg:$0x13] =	wrdreg s21  }
0x23: {  	s26 =	simm.s32 $0x7;
	[dreg:$0x15] =	wrdreg s23;
	s25 =	sshrl.u32 s2, $0x3  }
0x24: {  	s2 =	simm.s32 $0x800;
	s21 =	simm.s32 $0x4;
	s23 =	simm.s32 $0x6  }
0x25: {  	v0 =	vimm.f32 $0.0e+00;
	s12 =	simm.s32 $0x8;
	s0 =	simm.s32 $0x1F80;
	[dreg:$0x17] =	wrdreg s25  }
.LBB2_6:
0x26: {  	s5 =	stileid.u32;
	[bflag:$0x0] =	sbarrier.arrive $0xFFFF  }
0x27: {  	s5 =	sshll.u32 s5, $0x6;
	s22 =	rddreg [dreg:$0x8]  }
0x28: {  	s24 =	rddreg [dreg:$0x17];
	s5 =	sor.u32 $0x1C0A, s5  }
0x29: {  	[hbm:s22], [sflag:s5] =	dma.local [spmem:s24], $0x1400  }
0x2a: {  	_ =	swait.ge [sflag:s31], $0x1400  }
0x2b: {  	s24 =	rddreg [dreg:$0x19]  }
0x2c: {  	s25 =	rddreg [dreg:$0x9];
	s22 =	sadd.s32 $0x1, s24  }
0x2d: {  	p0 =	sne.s32 s22, s25  }
.Ltmp1:
0x2e: {  	_ = 	snop;
	(pc) =	sbr.rel @!p0 .LBB2_7-.Ltmp1, $3  }
0x2f: {  	_ =	sdelay $0x1  }
0x30: {  	[sflag:s31] =	ssyncset.done $0x0  }
0x31: {  	[sflag:s31] =	ssyncadd.s32 $0xFFFFEC00  }
.LBB2_1:
0x32: {  	[dreg:$0x19] =	wrdreg s22;
	s24 =	simm.s32 $0x100;
	s22 =	simm.s32 $0x0  }
.LBB2_2:
0x33: {  	p0 =	sne.s32 s24, $0x7F00;
	[tilespmem:s22+$0x2030] =	vst v0;
	s25 =	smov.u32 s24;
	s24 =	sadd.s32 $0x100, s24  }
.Ltmp2:
0x34: {  	[tilespmem:s22+$0x2020] =	vst v0;
	(pc) =	sbr.rel @p0 .LBB2_2-.Ltmp2, $3  }
0x35: {  	[tilespmem:s22+$0x2000] =	vst v0  }
0x36: {  	[tilespmem:s22+$0x2010] =	vst v0;
	_ =	sdelay $0x1  }
0x37: {  	s22 =	sshra.s32 s25, $0x2  }
0x38: {  	[tilespmem:s22+$0x2030] =	vst v0  }
0x39: {  	[tilespmem:s22+$0x2020] =	vst v0  }
0x3a: {  	[tilespmem:s22+$0x2000] =	vst v0  }
0x3b: {  	[tilespmem:s22+$0x2010] =	vst v0;
	s5 =	rddreg [dreg:$0x5]  }
0x3c: {  	[spmem:s5] =	stream.linear.scatter [tilespmem:s28], [sflag:$0x9], $0x2000, $0x38;
	[tilespmem:$0x1E000] =	vst v63  }
0x3d: {  	s24 =	rddreg [dreg:$0xa]  }
0x3e: {  	[spmem:s24] =	stream.linear.scatter [tilespmem:s28], [sflag:$0x9], $0x2000, $0x38;
	[tilespmem:$0x1E000] =	vst v63  }
0x3f: {  	s25 =	rddreg [dreg:$0x10]  }
0x40: {  	[spmem:s25] =	stream.linear.scatter [tilespmem:s28], [sflag:$0x9], $0x2000, $0x38;
	[tilespmem:$0x1E000] =	vst v63  }
0x41: {  	s22 =	rddreg [dreg:$0x11]  }
0x42: {  	[spmem:s22] =	stream.linear.scatter [tilespmem:s28], [sflag:$0x9], $0x2000, $0x38;
	[tilespmem:$0x1E000] =	vst v63  }
0x43: {  	s24 =	rddreg [dreg:$0x18]  }
0x44: {  	[spmem:s24] =	stream.linear.scatter [tilespmem:s28], [sflag:$0x9], $0x2000, $0x38;
	[tilespmem:$0x1E000] =	vst v63  }
0x45: {  	_ =	swait.ge [sflag:s29], $0x2000  }
0x46: {  	[sflag:s29] =	ssyncset.done $0x0  }
0x47: {  	[sflag:s29] =	ssyncadd.s32 $0xFFFFE000  }
0x48: {  	_ =	swait.ge [sflag:s29], $0x2000  }
0x49: {  	[sflag:s29] =	ssyncset.done $0x0  }
0x4a: {  	[sflag:s29] =	ssyncadd.s32 $0xFFFFE000  }
0x4b: {  	_ =	swait.ge [sflag:s29], $0x2000  }
0x4c: {  	[sflag:s29] =	ssyncset.done $0x0  }
0x4d: {  	[sflag:s29] =	ssyncadd.s32 $0xFFFFE000  }
0x4e: {  	_ =	swait.ge [sflag:s29], $0x2000  }
0x4f: {  	[sflag:s29] =	ssyncset.done $0x0  }
0x50: {  	[sflag:s29] =	ssyncadd.s32 $0xFFFFE000  }
0x51: {  	_ =	swait.ge [sflag:s29], $0x2000  }
0x52: {  	[sflag:s29] =	ssyncset.done $0x0  }
0x53: {  	s25 =	rddreg [dreg:$0xb];
	[sflag:s29] =	ssyncadd.s32 $0xFFFFE000  }
0x54: {  	[tilespmem:s30], [sflag:$0xA] =	stream.linear.gather [hbm4b:s25+s4], $0x2000, $0x38;
	[tilespmem:$0x1E000] =	vst v63  }
0x55: {  	_ =	swait.ge [sflag:s31], $0x2000  }
0x56: {  	[sflag:s31] =	ssyncset.done $0x0  }
0x57: {  	s22 =	rddreg [dreg:$0x12];
	[sflag:s31] =	ssyncadd.s32 $0xFFFFE000  }
0x58: {  	[spmem:s22] =	stream.linear.scatter [tilespmem:s30], [sflag:$0xA], $0x2000, $0x38;
	[tilespmem:$0x1E000] =	vst v63  }
0x59: {  	_ =	swait.ge [sflag:s31], $0x2000  }
0x5a: {  	[sflag:s31] =	ssyncset.done $0x0  }
0x5b: {  	s24 =	rddreg [dreg:$0xc];
	[sflag:s31] =	ssyncadd.s32 $0xFFFFE000  }
0x5c: {  	[tilespmem:s30], [sflag:$0xA] =	stream.linear.gather [hbm4b:s24+s4], $0x2000, $0x38;
	[tilespmem:$0x1E000] =	vst v63  }
0x5d: {  	_ =	swait.ge [sflag:s31], $0x2000  }
0x5e: {  	[sflag:s31] =	ssyncset.done $0x0  }
0x5f: {  	s25 =	rddreg [dreg:$0x13];
	[sflag:s31] =	ssyncadd.s32 $0xFFFFE000  }
0x60: {  	[spmem:s25] =	stream.linear.scatter [tilespmem:s30], [sflag:$0xA], $0x2000, $0x38;
	[tilespmem:$0x1E000] =	vst v63  }
0x61: {  	_ =	swait.ge [sflag:s31], $0x2000  }
0x62: {  	[sflag:s31] =	ssyncset.done $0x0  }
0x63: {  	s22 =	rddreg [dreg:$0xd];
	[sflag:s31] =	ssyncadd.s32 $0xFFFFE000  }
0x64: {  	[tilespmem:s30], [sflag:$0xA] =	stream.linear.gather [hbm4b:s22+s4], $0x2000, $0x38;
	[tilespmem:$0x1E000] =	vst v63  }
0x65: {  	_ =	swait.ge [sflag:s31], $0x2000  }
0x66: {  	[sflag:s31] =	ssyncset.done $0x0  }
0x67: {  	s24 =	rddreg [dreg:$0x14];
	[sflag:s31] =	ssyncadd.s32 $0xFFFFE000  }
0x68: {  	[spmem:s24] =	stream.linear.scatter [tilespmem:s30], [sflag:$0xA], $0x2000, $0x38;
	[tilespmem:$0x1E000] =	vst v63  }
0x69: {  	_ =	swait.ge [sflag:s31], $0x2000  }
0x6a: {  	[sflag:s31] =	ssyncset.done $0x0  }
0x6b: {  	s25 =	rddreg [dreg:$0xe];
	[sflag:s31] =	ssyncadd.s32 $0xFFFFE000  }
0x6c: {  	[tilespmem:s30], [sflag:$0xA] =	stream.linear.gather [hbm4b:s25+s4], $0x2000, $0x38;
	[tilespmem:$0x1E000] =	vst v63  }
0x6d: {  	_ =	swait.ge [sflag:s31], $0x2000  }
0x6e: {  	[sflag:s31] =	ssyncset.done $0x0  }
0x6f: {  	s22 =	rddreg [dreg:$0x15];
	[sflag:s31] =	ssyncadd.s32 $0xFFFFE000  }
0x70: {  	[spmem:s22] =	stream.linear.scatter [tilespmem:s30], [sflag:$0xA], $0x2000, $0x38;
	[tilespmem:$0x1E000] =	vst v63  }
0x71: {  	_ =	swait.ge [sflag:s31], $0x2000  }
0x72: {  	[sflag:s31] =	ssyncset.done $0x0  }
0x73: {  	s24 =	rddreg [dreg:$0xf];
	[sflag:s31] =	ssyncadd.s32 $0xFFFFE000  }
0x74: {  	[tilespmem:s30], [sflag:$0xA] =	stream.linear.gather [hbm4b:s24+s4], $0x2000, $0x38;
	[tilespmem:$0x1E000] =	vst v63  }
0x75: {  	_ =	swait.ge [sflag:s31], $0x2000  }
0x76: {  	[sflag:s31] =	ssyncset.done $0x0  }
0x77: {  	s25 =	rddreg [dreg:$0x16];
	[sflag:s31] =	ssyncadd.s32 $0xFFFFE000  }
0x78: {  	[spmem:s25] =	stream.linear.scatter [tilespmem:s30], [sflag:$0xA], $0x2000, $0x38;
	[tilespmem:$0x1E000] =	vst v63  }
0x79: {  	_ =	swait.ge [sflag:s31], $0x2000  }
0x7a: {  	[sflag:s31] =	ssyncset.done $0x0  }
0x7b: {  	[sflag:s31] =	ssyncadd.s32 $0xFFFFE000  }
0x7c: {  	[bflag:$0x0] =	sbarrier.arrive $0xFFFF  }
0x7d: {  	s22 =	rddreg [dreg:$0x6]  }
0x7e: {  	[tilespmem:s4], [sflag:$0xA] =	stream.linear.gather [hbm4b:s22+s4], $0x800, $0x38;
	[tilespmem:$0x1E000] =	vst v63  }
0x7f: {  	_ =	swait.ge [sflag:s31], $0x800  }
0x80: {  	[sflag:s31] =	ssyncset.done $0x0  }
0x81: {  	s25 =	simm.s32 $0x1000;
	s24 =	rddreg [dreg:$0x7];
	[sflag:s31] =	ssyncadd.s32 $0xFFFFF800  }
0x82: {  	[tilespmem:s25], [sflag:$0xA] =	stream.linear.gather [hbm4b:s24+s4], $0x800, $0x38;
	[tilespmem:$0x1E000] =	vst v63  }
0x83: {  	_ =	swait.ge [sflag:s31], $0x800  }
0x84: {  	[sflag:s31] =	ssyncset.done $0x0  }
0x85: {  	s22 =	simm.s32 $0xFFFFF800;
	[sflag:s31] =	ssyncadd.s32 $0xFFFFF800  }
.LBB2_4:
0x86: {  	s24 =	sadd.s32 s22, s18  }
0x87: {  	s5 =	sadd.s32 s22, s17;
	s24 =	sadd.s32 $0x900, s24  }
0x88: {  	[tilespmem:s2], [sflag:$0x9] =	stream.linear.gather [hbm4b:s24+s4], $0x800, $0x38;
	[tilespmem:$0x1E000] =	vst v63  }
0x89: {  	s24 =	sadd.s32 $0x900, s5  }
0x8a: {  	[tilespmem:s6], [sflag:$0x9] =	stream.linear.gather [hbm4b:s24+s4], $0x800, $0x38;
	[tilespmem:$0x1E000] =	vst v63  }
0x8b: {  	_ = 	snop  }
0x8c: {  	[tilespmem:s28], [sflag:$0x1] =	stream.indirect.gather [spmem:s3], $0x40, s4, s7, $0xb8;
	[tilespmem:$0x1E000] =	vst v63  }
0x8d: {  	_ = 	snop  }
0x8e: {  	[tilespmem:s30], [sflag:$0x2] =	stream.indirect.gather [spmem:s3], $0x40, s7, s7, $0xb8;
	[tilespmem:$0x1E000] =	vst v63  }
0x8f: {  	_ =	swait.ge [sflag:s8], $0x2000  }
0x90: {  	[sflag:s8] =	ssyncset.done $0x0  }
0x91: {  	s5 =	simm.s32 $0x1000;
	[sflag:s8] =	ssyncadd.s32 $0xFFFFE000  }
0x92: {  	[spmem:s1] =	stream.indirect.scatter.add.f32 [tilespmem:s28], [sflag:$0x5], $0x40, s5, s7, $0xb8;
	[tilespmem:$0x1E000] =	vst v63  }
0x93: {  	s24 =	simm.s32 $0x100  }
0x94: {  	[tilespmem:s10], [sflag:$0x3] =	stream.indirect.gather [spmem:s3], $0x40, s24, s7, $0xb8;
	[tilespmem:$0x1E000] =	vst v63  }
0x95: {  	_ =	swait.ge [sflag:s11], $0x2000  }
0x96: {  	[sflag:s11] =	ssyncset.done $0x0  }
0x97: {  	s25 =	simm.s32 $0x1080;
	[sflag:s11] =	ssyncadd.s32 $0xFFFFE000  }
0x98: {  	[spmem:s1] =	stream.indirect.scatter.add.f32 [tilespmem:s30], [sflag:$0x6], $0x40, s25, s7, $0xb8;
	[tilespmem:$0x1E000] =	vst v63  }
0x99: {  	s24 =	simm.s32 $0x180  }
0x9a: {  	[tilespmem:s14], [sflag:$0x4] =	stream.indirect.gather [spmem:s3], $0x40, s24, s7, $0xb8;
	[tilespmem:$0x1E000] =	vst v63  }
0x9b: {  	_ =	swait.ge [sflag:s15], $0x2000  }
0x9c: {  	[sflag:s15] =	ssyncset.done $0x0  }
0x9d: {  	s25 =	simm.s32 $0x1100;
	[sflag:s15] =	ssyncadd.s32 $0xFFFFE000  }
0x9e: {  	[spmem:s1] =	stream.indirect.scatter.add.f32 [tilespmem:s10], [sflag:$0x7], $0x40, s25, s7, $0xb8;
	[tilespmem:$0x1E000] =	vst v63  }
0x9f: {  	_ =	swait.ge [sflag:s19], $0x2000  }
0xa0: {  	[sflag:s19] =	ssyncset.done $0x0  }
0xa1: {  	s24 =	simm.s32 $0x200;
	[sflag:s19] =	ssyncadd.s32 $0xFFFFE000  }
0xa2: {  	[tilespmem:s28], [sflag:$0x1] =	stream.indirect.gather [spmem:s3], $0x40, s24, s7, $0xb8;
	[tilespmem:$0x1E000] =	vst v63  }
0xa3: {  	_ =	swait.ge [sflag:s21], $0x2000  }
0xa4: {  	[sflag:s21] =	ssyncset.done $0x0  }
0xa5: {  	s25 =	simm.s32 $0x1180;
	[sflag:s21] =	ssyncadd.s32 $0xFFFFE000  }
0xa6: {  	[spmem:s1] =	stream.indirect.scatter.add.f32 [tilespmem:s14], [sflag:$0x8], $0x40, s25, s7, $0xb8;
	[tilespmem:$0x1E000] =	vst v63  }
0xa7: {  	_ =	swait.ge [sflag:s23], $0x2000  }
0xa8: {  	[sflag:s23] =	ssyncset.done $0x0  }
0xa9: {  	s24 =	simm.s32 $0x280;
	[sflag:s23] =	ssyncadd.s32 $0xFFFFE000  }
0xaa: {  	[tilespmem:s30], [sflag:$0x2] =	stream.indirect.gather [spmem:s3], $0x40, s24, s7, $0xb8;
	[tilespmem:$0x1E000] =	vst v63  }
0xab: {  	_ =	swait.ge [sflag:s8], $0x2000  }
0xac: {  	[sflag:s8] =	ssyncset.done $0x0  }
0xad: {  	s25 =	simm.s32 $0x1200;
	[sflag:s8] =	ssyncadd.s32 $0xFFFFE000  }
0xae: {  	[spmem:s1] =	stream.indirect.scatter.add.f32 [tilespmem:s28], [sflag:$0x5], $0x40, s25, s7, $0xb8;
	[tilespmem:$0x1E000] =	vst v63  }
0xaf: {  	_ =	swait.ge [sflag:s26], $0x2000  }
0xb0: {  	[sflag:s26] =	ssyncset.done $0x0  }
0xb1: {  	s24 =	simm.s32 $0x300;
	[sflag:s26] =	ssyncadd.s32 $0xFFFFE000  }
0xb2: {  	[tilespmem:s10], [sflag:$0x3] =	stream.indirect.gather [spmem:s3], $0x40, s24, s7, $0xb8;
	[tilespmem:$0x1E000] =	vst v63  }
0xb3: {  	_ =	swait.ge [sflag:s11], $0x2000  }
0xb4: {  	[sflag:s11] =	ssyncset.done $0x0  }
0xb5: {  	s25 =	simm.s32 $0x1280;
	[sflag:s11] =	ssyncadd.s32 $0xFFFFE000  }
0xb6: {  	[spmem:s1] =	stream.indirect.scatter.add.f32 [tilespmem:s30], [sflag:$0x6], $0x40, s25, s7, $0xb8;
	[tilespmem:$0x1E000] =	vst v63  }
0xb7: {  	_ =	swait.ge [sflag:s12], $0x2000  }
0xb8: {  	[sflag:s12] =	ssyncset.done $0x0  }
0xb9: {  	s24 =	simm.s32 $0x380;
	[sflag:s12] =	ssyncadd.s32 $0xFFFFE000  }
0xba: {  	[tilespmem:s14], [sflag:$0x4] =	stream.indirect.gather [spmem:s3], $0x40, s24, s7, $0xb8;
	[tilespmem:$0x1E000] =	vst v63  }
0xbb: {  	_ =	swait.ge [sflag:s15], $0x2000  }
0xbc: {  	[sflag:s15] =	ssyncset.done $0x0  }
0xbd: {  	s25 =	simm.s32 $0x1300;
	[sflag:s15] =	ssyncadd.s32 $0xFFFFE000  }
0xbe: {  	[spmem:s1] =	stream.indirect.scatter.add.f32 [tilespmem:s10], [sflag:$0x7], $0x40, s25, s7, $0xb8;
	[tilespmem:$0x1E000] =	vst v63  }
0xbf: {  	_ =	swait.ge [sflag:s19], $0x2000  }
0xc0: {  	[sflag:s19] =	ssyncset.done $0x0  }
0xc1: {  	s24 =	simm.s32 $0x400;
	[sflag:s19] =	ssyncadd.s32 $0xFFFFE000  }
0xc2: {  	[tilespmem:s28], [sflag:$0x1] =	stream.indirect.gather [spmem:s3], $0x40, s24, s7, $0xb8;
	[tilespmem:$0x1E000] =	vst v63  }
0xc3: {  	_ =	swait.ge [sflag:s21], $0x2000  }
0xc4: {  	[sflag:s21] =	ssyncset.done $0x0  }
0xc5: {  	s25 =	simm.s32 $0x1380;
	[sflag:s21] =	ssyncadd.s32 $0xFFFFE000  }
0xc6: {  	[spmem:s1] =	stream.indirect.scatter.add.f32 [tilespmem:s14], [sflag:$0x8], $0x40, s25, s7, $0xb8;
	[tilespmem:$0x1E000] =	vst v63  }
0xc7: {  	_ =	swait.ge [sflag:s23], $0x2000  }
0xc8: {  	[sflag:s23] =	ssyncset.done $0x0  }
0xc9: {  	s24 =	simm.s32 $0x480;
	[sflag:s23] =	ssyncadd.s32 $0xFFFFE000  }
0xca: {  	[tilespmem:s30], [sflag:$0x2] =	stream.indirect.gather [spmem:s3], $0x40, s24, s7, $0xb8;
	[tilespmem:$0x1E000] =	vst v63  }
0xcb: {  	_ =	swait.ge [sflag:s8], $0x2000  }
0xcc: {  	[sflag:s8] =	ssyncset.done $0x0  }
0xcd: {  	s25 =	simm.s32 $0x1400;
	[sflag:s8] =	ssyncadd.s32 $0xFFFFE000  }
0xce: {  	[spmem:s1] =	stream.indirect.scatter.add.f32 [tilespmem:s28], [sflag:$0x5], $0x40, s25, s7, $0xb8;
	[tilespmem:$0x1E000] =	vst v63  }
0xcf: {  	_ =	swait.ge [sflag:s26], $0x2000  }
0xd0: {  	[sflag:s26] =	ssyncset.done $0x0  }
0xd1: {  	s24 =	simm.s32 $0x500;
	[sflag:s26] =	ssyncadd.s32 $0xFFFFE000  }
0xd2: {  	[tilespmem:s10], [sflag:$0x3] =	stream.indirect.gather [spmem:s3], $0x40, s24, s7, $0xb8;
	[tilespmem:$0x1E000] =	vst v63  }
0xd3: {  	_ =	swait.ge [sflag:s11], $0x2000  }
0xd4: {  	[sflag:s11] =	ssyncset.done $0x0  }
0xd5: {  	s25 =	simm.s32 $0x1480;
	[sflag:s11] =	ssyncadd.s32 $0xFFFFE000  }
0xd6: {  	[spmem:s1] =	stream.indirect.scatter.add.f32 [tilespmem:s30], [sflag:$0x6], $0x40, s25, s7, $0xb8;
	[tilespmem:$0x1E000] =	vst v63  }
0xd7: {  	_ =	swait.ge [sflag:s12], $0x2000  }
0xd8: {  	[sflag:s12] =	ssyncset.done $0x0  }
0xd9: {  	s24 =	simm.s32 $0x580;
	[sflag:s12] =	ssyncadd.s32 $0xFFFFE000  }
0xda: {  	[tilespmem:s14], [sflag:$0x4] =	stream.indirect.gather [spmem:s3], $0x40, s24, s7, $0xb8;
	[tilespmem:$0x1E000] =	vst v63  }
0xdb: {  	_ =	swait.ge [sflag:s15], $0x2000  }
0xdc: {  	[sflag:s15] =	ssyncset.done $0x0  }
0xdd: {  	s25 =	simm.s32 $0x1500;
	[sflag:s15] =	ssyncadd.s32 $0xFFFFE000  }
0xde: {  	[spmem:s1] =	stream.indirect.scatter.add.f32 [tilespmem:s10], [sflag:$0x7], $0x40, s25, s7, $0xb8;
	[tilespmem:$0x1E000] =	vst v63  }
0xdf: {  	_ =	swait.ge [sflag:s19], $0x2000  }
0xe0: {  	[sflag:s19] =	ssyncset.done $0x0  }
0xe1: {  	s24 =	simm.s32 $0x600;
	[sflag:s19] =	ssyncadd.s32 $0xFFFFE000  }
0xe2: {  	[tilespmem:s28], [sflag:$0x1] =	stream.indirect.gather [spmem:s3], $0x40, s24, s7, $0xb8;
	[tilespmem:$0x1E000] =	vst v63  }
0xe3: {  	_ =	swait.ge [sflag:s21], $0x2000  }
0xe4: {  	[sflag:s21] =	ssyncset.done $0x0  }
0xe5: {  	s25 =	simm.s32 $0x1580;
	[sflag:s21] =	ssyncadd.s32 $0xFFFFE000  }
0xe6: {  	[spmem:s1] =	stream.indirect.scatter.add.f32 [tilespmem:s14], [sflag:$0x8], $0x40, s25, s7, $0xb8;
	[tilespmem:$0x1E000] =	vst v63  }
0xe7: {  	_ =	swait.ge [sflag:s23], $0x2000  }
0xe8: {  	[sflag:s23] =	ssyncset.done $0x0  }
0xe9: {  	s24 =	simm.s32 $0x680;
	[sflag:s23] =	ssyncadd.s32 $0xFFFFE000  }
0xea: {  	[tilespmem:s30], [sflag:$0x2] =	stream.indirect.gather [spmem:s3], $0x40, s24, s7, $0xb8;
	[tilespmem:$0x1E000] =	vst v63  }
0xeb: {  	_ =	swait.ge [sflag:s8], $0x2000  }
0xec: {  	[sflag:s8] =	ssyncset.done $0x0  }
0xed: {  	s25 =	simm.s32 $0x1600;
	[sflag:s8] =	ssyncadd.s32 $0xFFFFE000  }
0xee: {  	[spmem:s1] =	stream.indirect.scatter.add.f32 [tilespmem:s28], [sflag:$0x5], $0x40, s25, s7, $0xb8;
	[tilespmem:$0x1E000] =	vst v63  }
0xef: {  	_ =	swait.ge [sflag:s26], $0x2000  }
0xf0: {  	[sflag:s26] =	ssyncset.done $0x0  }
0xf1: {  	s24 =	simm.s32 $0x700;
	[sflag:s26] =	ssyncadd.s32 $0xFFFFE000  }
0xf2: {  	[tilespmem:s10], [sflag:$0x3] =	stream.indirect.gather [spmem:s3], $0x40, s24, s7, $0xb8;
	[tilespmem:$0x1E000] =	vst v63  }
0xf3: {  	_ =	swait.ge [sflag:s11], $0x2000  }
0xf4: {  	[sflag:s11] =	ssyncset.done $0x0  }
0xf5: {  	s25 =	simm.s32 $0x1680;
	[sflag:s11] =	ssyncadd.s32 $0xFFFFE000  }
0xf6: {  	[spmem:s1] =	stream.indirect.scatter.add.f32 [tilespmem:s30], [sflag:$0x6], $0x40, s25, s7, $0xb8;
	[tilespmem:$0x1E000] =	vst v63  }
0xf7: {  	_ =	swait.ge [sflag:s12], $0x2000  }
0xf8: {  	[sflag:s12] =	ssyncset.done $0x0  }
0xf9: {  	s24 =	simm.s32 $0x780;
	[sflag:s12] =	ssyncadd.s32 $0xFFFFE000  }
0xfa: {  	[tilespmem:s14], [sflag:$0x4] =	stream.indirect.gather [spmem:s3], $0x40, s24, s7, $0xb8;
	[tilespmem:$0x1E000] =	vst v63  }
0xfb: {  	_ =	swait.ge [sflag:s15], $0x2000  }
0xfc: {  	[sflag:s15] =	ssyncset.done $0x0  }
0xfd: {  	s25 =	simm.s32 $0x1700;
	[sflag:s15] =	ssyncadd.s32 $0xFFFFE000  }
0xfe: {  	[spmem:s1] =	stream.indirect.scatter.add.f32 [tilespmem:s10], [sflag:$0x7], $0x40, s25, s7, $0xb8;
	[tilespmem:$0x1E000] =	vst v63  }
0xff: {  	_ =	swait.ge [sflag:s21], $0x2000  }
0x100: {  	[sflag:s21] =	ssyncset.done $0x0  }
0x101: {  	s24 =	simm.s32 $0x1780;
	[sflag:s21] =	ssyncadd.s32 $0xFFFFE000  }
0x102: {  	[spmem:s1] =	stream.indirect.scatter.add.f32 [tilespmem:s14], [sflag:$0x8], $0x40, s24, s7, $0xb8;
	[tilespmem:$0x1E000] =	vst v63  }
0x103: {  	_ =	swait.ge [sflag:s19], $0x2000  }
0x104: {  	[sflag:s19] =	ssyncset.done $0x0  }
0x105: {  	[sflag:s19] =	ssyncadd.s32 $0xFFFFE000  }
0x106: {  	_ =	swait.ge [sflag:s23], $0x2000  }
0x107: {  	[sflag:s23] =	ssyncset.done $0x0  }
0x108: {  	[sflag:s23] =	ssyncadd.s32 $0xFFFFE000  }
0x109: {  	_ =	swait.ge [sflag:s26], $0x2000  }
0x10a: {  	[sflag:s26] =	ssyncset.done $0x0  }
0x10b: {  	[sflag:s26] =	ssyncadd.s32 $0xFFFFE000  }
0x10c: {  	_ =	swait.ge [sflag:s12], $0x2000  }
0x10d: {  	[sflag:s12] =	ssyncset.done $0x0  }
0x10e: {  	[sflag:s12] =	ssyncadd.s32 $0xFFFFE000  }
0x10f: {  	_ =	swait.ge [sflag:s29], $0x800  }
0x110: {  	[sflag:s29] =	ssyncset.done $0x0  }
0x111: {  	[sflag:s29] =	ssyncadd.s32 $0xFFFFF800  }
0x112: {  	p0 =	seq.s32 s22, $0x0;
	_ =	swait.ge [sflag:s29], $0x800  }
0x113: {  	s24 =	sadd.s32 @!p0 s22, s18;
	[sflag:s29] =	ssyncset.done $0x0  }
0x114: {  	s25 =	simm.s32 @!p0 $0x0;
	s24 =	sadd.s32 @!p0 $0xA00, s24;
	[sflag:s29] =	ssyncadd.s32 $0xFFFFF800  }
0x115: {  	[tilespmem:s25], [sflag:$0x9] =	stream.linear.gather @!p0 [hbm4b:s24+s25], $0x800, $0x38;
	[tilespmem:$0x1E000] =	vst v63  }
0x116: {  	s24 =	sadd.s32 @!p0 s22, s17  }
0x117: {  	s5 =	simm.s32 @!p0 $0x1000;
	s24 =	sadd.s32 @!p0 $0xA00, s24  }
0x118: {  	[tilespmem:s5], [sflag:$0x9] =	stream.linear.gather @!p0 [hbm4b:s24+s25], $0x800, $0x38;
	[tilespmem:$0x1E000] =	vst v63  }
0x119: {  	_ = 	snop  }
0x11a: {  	[tilespmem:s28], [sflag:$0x1] =	stream.indirect.gather [spmem:s3], $0x40, s2, s7, $0xb8;
	[tilespmem:$0x1E000] =	vst v63  }
0x11b: {  	s25 =	simm.s32 $0x880  }
0x11c: {  	[tilespmem:s30], [sflag:$0x2] =	stream.indirect.gather [spmem:s3], $0x40, s25, s7, $0xb8;
	[tilespmem:$0x1E000] =	vst v63  }
0x11d: {  	_ =	swait.ge [sflag:s8], $0x2000  }
0x11e: {  	[sflag:s8] =	ssyncset.done $0x0  }
0x11f: {  	[sflag:s8] =	ssyncadd.s32 $0xFFFFE000  }
0x120: {  	[spmem:s1] =	stream.indirect.scatter.add.f32 [tilespmem:s28], [sflag:$0x5], $0x40, s6, s7, $0xb8;
	[tilespmem:$0x1E000] =	vst v63  }
0x121: {  	s24 =	simm.s32 $0x900  }
0x122: {  	[tilespmem:s10], [sflag:$0x3] =	stream.indirect.gather [spmem:s3], $0x40, s24, s7, $0xb8;
	[tilespmem:$0x1E000] =	vst v63  }
0x123: {  	_ =	swait.ge [sflag:s11], $0x2000  }
0x124: {  	[sflag:s11] =	ssyncset.done $0x0  }
0x125: {  	s25 =	simm.s32 $0x1880;
	[sflag:s11] =	ssyncadd.s32 $0xFFFFE000  }
0x126: {  	[spmem:s1] =	stream.indirect.scatter.add.f32 [tilespmem:s30], [sflag:$0x6], $0x40, s25, s7, $0xb8;
	[tilespmem:$0x1E000] =	vst v63  }
0x127: {  	s24 =	simm.s32 $0x980  }
0x128: {  	[tilespmem:s14], [sflag:$0x4] =	stream.indirect.gather [spmem:s3], $0x40, s24, s7, $0xb8;
	[tilespmem:$0x1E000] =	vst v63  }
0x129: {  	_ =	swait.ge [sflag:s15], $0x2000  }
0x12a: {  	[sflag:s15] =	ssyncset.done $0x0  }
0x12b: {  	s25 =	simm.s32 $0x1900;
	[sflag:s15] =	ssyncadd.s32 $0xFFFFE000  }
0x12c: {  	[spmem:s1] =	stream.indirect.scatter.add.f32 [tilespmem:s10], [sflag:$0x7], $0x40, s25, s7, $0xb8;
	[tilespmem:$0x1E000] =	vst v63  }
0x12d: {  	_ =	swait.ge [sflag:s19], $0x2000  }
0x12e: {  	[sflag:s19] =	ssyncset.done $0x0  }
0x12f: {  	s24 =	simm.s32 $0xA00;
	[sflag:s19] =	ssyncadd.s32 $0xFFFFE000  }
0x130: {  	[tilespmem:s28], [sflag:$0x1] =	stream.indirect.gather [spmem:s3], $0x40, s24, s7, $0xb8;
	[tilespmem:$0x1E000] =	vst v63  }
0x131: {  	_ =	swait.ge [sflag:s21], $0x2000  }
0x132: {  	[sflag:s21] =	ssyncset.done $0x0  }
0x133: {  	s25 =	simm.s32 $0x1980;
	[sflag:s21] =	ssyncadd.s32 $0xFFFFE000  }
0x134: {  	[spmem:s1] =	stream.indirect.scatter.add.f32 [tilespmem:s14], [sflag:$0x8], $0x40, s25, s7, $0xb8;
	[tilespmem:$0x1E000] =	vst v63  }
0x135: {  	_ =	swait.ge [sflag:s23], $0x2000  }
0x136: {  	[sflag:s23] =	ssyncset.done $0x0  }
0x137: {  	s24 =	simm.s32 $0xA80;
	[sflag:s23] =	ssyncadd.s32 $0xFFFFE000  }
0x138: {  	[tilespmem:s30], [sflag:$0x2] =	stream.indirect.gather [spmem:s3], $0x40, s24, s7, $0xb8;
	[tilespmem:$0x1E000] =	vst v63  }
0x139: {  	_ =	swait.ge [sflag:s8], $0x2000  }
0x13a: {  	[sflag:s8] =	ssyncset.done $0x0  }
0x13b: {  	s25 =	simm.s32 $0x1A00;
	[sflag:s8] =	ssyncadd.s32 $0xFFFFE000  }
0x13c: {  	[spmem:s1] =	stream.indirect.scatter.add.f32 [tilespmem:s28], [sflag:$0x5], $0x40, s25, s7, $0xb8;
	[tilespmem:$0x1E000] =	vst v63  }
0x13d: {  	_ =	swait.ge [sflag:s26], $0x2000  }
0x13e: {  	[sflag:s26] =	ssyncset.done $0x0  }
0x13f: {  	s24 =	simm.s32 $0xB00;
	[sflag:s26] =	ssyncadd.s32 $0xFFFFE000  }
0x140: {  	[tilespmem:s10], [sflag:$0x3] =	stream.indirect.gather [spmem:s3], $0x40, s24, s7, $0xb8;
	[tilespmem:$0x1E000] =	vst v63  }
0x141: {  	_ =	swait.ge [sflag:s11], $0x2000  }
0x142: {  	[sflag:s11] =	ssyncset.done $0x0  }
0x143: {  	s25 =	simm.s32 $0x1A80;
	[sflag:s11] =	ssyncadd.s32 $0xFFFFE000  }
0x144: {  	[spmem:s1] =	stream.indirect.scatter.add.f32 [tilespmem:s30], [sflag:$0x6], $0x40, s25, s7, $0xb8;
	[tilespmem:$0x1E000] =	vst v63  }
0x145: {  	_ =	swait.ge [sflag:s12], $0x2000  }
0x146: {  	[sflag:s12] =	ssyncset.done $0x0  }
0x147: {  	s24 =	simm.s32 $0xB80;
	[sflag:s12] =	ssyncadd.s32 $0xFFFFE000  }
0x148: {  	[tilespmem:s14], [sflag:$0x4] =	stream.indirect.gather [spmem:s3], $0x40, s24, s7, $0xb8;
	[tilespmem:$0x1E000] =	vst v63  }
0x149: {  	_ =	swait.ge [sflag:s15], $0x2000  }
0x14a: {  	[sflag:s15] =	ssyncset.done $0x0  }
0x14b: {  	s25 =	simm.s32 $0x1B00;
	[sflag:s15] =	ssyncadd.s32 $0xFFFFE000  }
0x14c: {  	[spmem:s1] =	stream.indirect.scatter.add.f32 [tilespmem:s10], [sflag:$0x7], $0x40, s25, s7, $0xb8;
	[tilespmem:$0x1E000] =	vst v63  }
0x14d: {  	_ =	swait.ge [sflag:s19], $0x2000  }
0x14e: {  	[sflag:s19] =	ssyncset.done $0x0  }
0x14f: {  	s24 =	simm.s32 $0xC00;
	[sflag:s19] =	ssyncadd.s32 $0xFFFFE000  }
0x150: {  	[tilespmem:s28], [sflag:$0x1] =	stream.indirect.gather [spmem:s3], $0x40, s24, s7, $0xb8;
	[tilespmem:$0x1E000] =	vst v63  }
0x151: {  	_ =	swait.ge [sflag:s21], $0x2000  }
0x152: {  	[sflag:s21] =	ssyncset.done $0x0  }
0x153: {  	s25 =	simm.s32 $0x1B80;
	[sflag:s21] =	ssyncadd.s32 $0xFFFFE000  }
0x154: {  	[spmem:s1] =	stream.indirect.scatter.add.f32 [tilespmem:s14], [sflag:$0x8], $0x40, s25, s7, $0xb8;
	[tilespmem:$0x1E000] =	vst v63  }
0x155: {  	_ =	swait.ge [sflag:s23], $0x2000  }
0x156: {  	[sflag:s23] =	ssyncset.done $0x0  }
0x157: {  	s24 =	simm.s32 $0xC80;
	[sflag:s23] =	ssyncadd.s32 $0xFFFFE000  }
0x158: {  	[tilespmem:s30], [sflag:$0x2] =	stream.indirect.gather [spmem:s3], $0x40, s24, s7, $0xb8;
	[tilespmem:$0x1E000] =	vst v63  }
0x159: {  	_ =	swait.ge [sflag:s8], $0x2000  }
0x15a: {  	[sflag:s8] =	ssyncset.done $0x0  }
0x15b: {  	s25 =	simm.s32 $0x1C00;
	[sflag:s8] =	ssyncadd.s32 $0xFFFFE000  }
0x15c: {  	[spmem:s1] =	stream.indirect.scatter.add.f32 [tilespmem:s28], [sflag:$0x5], $0x40, s25, s7, $0xb8;
	[tilespmem:$0x1E000] =	vst v63  }
0x15d: {  	_ =	swait.ge [sflag:s26], $0x2000  }
0x15e: {  	[sflag:s26] =	ssyncset.done $0x0  }
0x15f: {  	s24 =	simm.s32 $0xD00;
	[sflag:s26] =	ssyncadd.s32 $0xFFFFE000  }
0x160: {  	[tilespmem:s10], [sflag:$0x3] =	stream.indirect.gather [spmem:s3], $0x40, s24, s7, $0xb8;
	[tilespmem:$0x1E000] =	vst v63  }
0x161: {  	_ =	swait.ge [sflag:s11], $0x2000  }
0x162: {  	[sflag:s11] =	ssyncset.done $0x0  }
0x163: {  	s25 =	simm.s32 $0x1C80;
	[sflag:s11] =	ssyncadd.s32 $0xFFFFE000  }
0x164: {  	[spmem:s1] =	stream.indirect.scatter.add.f32 [tilespmem:s30], [sflag:$0x6], $0x40, s25, s7, $0xb8;
	[tilespmem:$0x1E000] =	vst v63  }
0x165: {  	_ =	swait.ge [sflag:s12], $0x2000  }
0x166: {  	[sflag:s12] =	ssyncset.done $0x0  }
0x167: {  	s24 =	simm.s32 $0xD80;
	[sflag:s12] =	ssyncadd.s32 $0xFFFFE000  }
0x168: {  	[tilespmem:s14], [sflag:$0x4] =	stream.indirect.gather [spmem:s3], $0x40, s24, s7, $0xb8;
	[tilespmem:$0x1E000] =	vst v63  }
0x169: {  	_ =	swait.ge [sflag:s15], $0x2000  }
0x16a: {  	[sflag:s15] =	ssyncset.done $0x0  }
0x16b: {  	s25 =	simm.s32 $0x1D00;
	[sflag:s15] =	ssyncadd.s32 $0xFFFFE000  }
0x16c: {  	[spmem:s1] =	stream.indirect.scatter.add.f32 [tilespmem:s10], [sflag:$0x7], $0x40, s25, s7, $0xb8;
	[tilespmem:$0x1E000] =	vst v63  }
0x16d: {  	_ =	swait.ge [sflag:s19], $0x2000  }
0x16e: {  	[sflag:s19] =	ssyncset.done $0x0  }
0x16f: {  	s24 =	simm.s32 $0xE00;
	[sflag:s19] =	ssyncadd.s32 $0xFFFFE000  }
0x170: {  	[tilespmem:s28], [sflag:$0x1] =	stream.indirect.gather [spmem:s3], $0x40, s24, s7, $0xb8;
	[tilespmem:$0x1E000] =	vst v63  }
0x171: {  	_ =	swait.ge [sflag:s21], $0x2000  }
0x172: {  	[sflag:s21] =	ssyncset.done $0x0  }
0x173: {  	s25 =	simm.s32 $0x1D80;
	[sflag:s21] =	ssyncadd.s32 $0xFFFFE000  }
0x174: {  	[spmem:s1] =	stream.indirect.scatter.add.f32 [tilespmem:s14], [sflag:$0x8], $0x40, s25, s7, $0xb8;
	[tilespmem:$0x1E000] =	vst v63  }
0x175: {  	_ =	swait.ge [sflag:s23], $0x2000  }
0x176: {  	[sflag:s23] =	ssyncset.done $0x0  }
0x177: {  	s24 =	simm.s32 $0xE80;
	[sflag:s23] =	ssyncadd.s32 $0xFFFFE000  }
0x178: {  	[tilespmem:s30], [sflag:$0x2] =	stream.indirect.gather [spmem:s3], $0x40, s24, s7, $0xb8;
	[tilespmem:$0x1E000] =	vst v63  }
0x179: {  	_ =	swait.ge [sflag:s8], $0x2000  }
0x17a: {  	[sflag:s8] =	ssyncset.done $0x0  }
0x17b: {  	s25 =	simm.s32 $0x1E00;
	[sflag:s8] =	ssyncadd.s32 $0xFFFFE000  }
0x17c: {  	[spmem:s1] =	stream.indirect.scatter.add.f32 [tilespmem:s28], [sflag:$0x5], $0x40, s25, s7, $0xb8;
	[tilespmem:$0x1E000] =	vst v63  }
0x17d: {  	_ =	swait.ge [sflag:s26], $0x2000  }
0x17e: {  	[sflag:s26] =	ssyncset.done $0x0  }
0x17f: {  	[sflag:s26] =	ssyncadd.s32 $0xFFFFE000  }
0x180: {  	[tilespmem:s10], [sflag:$0x3] =	stream.indirect.gather [spmem:s3], $0x40, s9, s7, $0xb8;
	[tilespmem:$0x1E000] =	vst v63  }
0x181: {  	_ =	swait.ge [sflag:s11], $0x2000  }
0x182: {  	[sflag:s11] =	ssyncset.done $0x0  }
0x183: {  	[sflag:s11] =	ssyncadd.s32 $0xFFFFE000  }
0x184: {  	[spmem:s1] =	stream.indirect.scatter.add.f32 [tilespmem:s30], [sflag:$0x6], $0x40, s13, s7, $0xb8;
	[tilespmem:$0x1E000] =	vst v63  }
0x185: {  	_ =	swait.ge [sflag:s12], $0x2000  }
0x186: {  	[sflag:s12] =	ssyncset.done $0x0  }
0x187: {  	[sflag:s12] =	ssyncadd.s32 $0xFFFFE000  }
0x188: {  	[tilespmem:s14], [sflag:$0x4] =	stream.indirect.gather [spmem:s3], $0x40, s16, s7, $0xb8;
	[tilespmem:$0x1E000] =	vst v63  }
0x189: {  	_ =	swait.ge [sflag:s15], $0x2000  }
0x18a: {  	[sflag:s15] =	ssyncset.done $0x0  }
0x18b: {  	[sflag:s15] =	ssyncadd.s32 $0xFFFFE000  }
0x18c: {  	[spmem:s1] =	stream.indirect.scatter.add.f32 [tilespmem:s10], [sflag:$0x7], $0x40, s20, s7, $0xb8;
	[tilespmem:$0x1E000] =	vst v63  }
0x18d: {  	_ =	swait.ge [sflag:s21], $0x2000  }
0x18e: {  	[sflag:s21] =	ssyncset.done $0x0  }
0x18f: {  	[sflag:s21] =	ssyncadd.s32 $0xFFFFE000  }
0x190: {  	[spmem:s1] =	stream.indirect.scatter.add.f32 [tilespmem:s14], [sflag:$0x8], $0x40, s0, s7, $0xb8;
	[tilespmem:$0x1E000] =	vst v63  }
0x191: {  	_ =	swait.ge [sflag:s19], $0x2000  }
0x192: {  	[sflag:s19] =	ssyncset.done $0x0  }
0x193: {  	[sflag:s19] =	ssyncadd.s32 $0xFFFFE000  }
0x194: {  	_ =	swait.ge [sflag:s23], $0x2000  }
0x195: {  	[sflag:s23] =	ssyncset.done $0x0  }
0x196: {  	[sflag:s23] =	ssyncadd.s32 $0xFFFFE000  }
0x197: {  	_ =	swait.ge [sflag:s26], $0x2000  }
.Ltmp3:
0x198: {  	[sflag:s26] =	ssyncset.done $0x0;
	(pc) =	sbr.rel @p0 .LBB2_6-.Ltmp3, $4  }
0x199: {  	[sflag:s26] =	ssyncadd.s32 $0xFFFFE000  }
0x19a: {  	_ =	swait.ge [sflag:s12], $0x2000  }
0x19b: {  	[sflag:s12] =	ssyncset.done $0x0  }
0x19c: {  	[sflag:s12] =	ssyncadd.s32 $0xFFFFE000  }
0x19d: {  	_ =	swait.ge [sflag:s29], $0x800  }
.Ltmp4:
0x19e: {  	[sflag:s29] =	ssyncset.done $0x0;
	(pc) =	sbr.rel .LBB2_4-.Ltmp4, $4  }
0x19f: {  	[sflag:s29] =	ssyncadd.s32 $0xFFFFF800  }
0x1a0: {  	_ =	swait.ge [sflag:s29], $0x800  }
0x1a1: {  	[sflag:s29] =	ssyncset.done $0x0  }
0x1a2: {  	s22 =	sadd.s32 $0x200, s22;
	[sflag:s29] =	ssyncadd.s32 $0xFFFFF800  }
.LBB2_7:
0x1a3: {  	_ =	sfence.sel $0x180000  }
0x1a4: {  	[bflag:$0x0] =	sbarrier.arrive $0xFFFF  }
0x1a5: {  	_ =	strace $0x9000004A  }
0x1a6: {  	s0 =	stileid.u32;
	[bflag:$0x2] =	sbarrier.arrive $0xFFFF  }
0x1a7: {  	p0 =	sne.s32 s0, $0x0;
	s0 =	rddreg [dreg:$0x4]  }
0x1a8: {  	s0 =	sadd.s32 @!p0 $0x100000, s0  }
0x1a9: {  	[sflag:s0] =	ssyncadd.tile.s32 @!p0 $0x1;
	_ =	shalt  }
.Lfunc_end2:
_tile_overlayer_lowered:
.L_overlay_start_2:
0x1aa: {  	(tag) =	ssettag $0x2  }
0x1ab: {  	s0 =	rddreg [dreg:$0x0];
	s2 =	stileid.u32  }
0x1ac: {  	s1 =	rddreg [dreg:$0x1];
	p0 =	sne.s32 s2, $0x0  }
0x1ad: {  	s3 =	rddreg [dreg:$0x2];
	[bflag:$0x3] =	sbarrier.arrive $0xFFFF;
	s2 =	simm.s32 @!p0 $0x1C0A  }
0x1ae: {  	[timem:s3], [sflag:s2] =	dma.local @!p0 [hbm:s0], s1  }
0x1af: {  	s0 =	simm.s32 @!p0 $0xA  }
0x1b0: {  	_ =	swait.ge @!p0 [sflag:s0], s1  }
0x1b1: {  	s1 =	ssub.s32 @!p0 $0x0, s1;
	[sflag:s0] =	ssyncset.done @!p0 $0x0  }
0x1b2: {  	[sflag:s0] =	ssyncadd.s32 @!p0 s1  }
0x1b3: {  	[bflag:$0x3] =	sbarrier.arrive $0xFFFF  }
0x1b4: {  	_ =	shalt  }

</sc_bundles>
